<compile_context>
chip_gen: v7x
topology: tpu7x:2x2x1
jax: 0.10.2.dev20260603
libtpu: 0.0.44.dev20260713+nightly
codegen_flags: <defaults>
</compile_context>

<pallas_src>
import jax
import jax.numpy as jnp
from jax import lax
from jax.experimental import pallas as pl
from jax.experimental.pallas import tpu as pltpu
from jax.experimental.pallas import tpu_sc as plsc

N = 10000
E = 320000
U = 128

NC = 2
NS = 16
LANES = 16

H = U // NC
CHUNK = 128
NCHUNKS = E // CHUNK
TRIPS = (NCHUNKS + NS - 1) // NS
ROWS_PER_TILE = N // NS
ZROWS = 125


def _sigmoid(v):
    return 1.0 / (1.0 + jnp.exp(-v))



def _sc_body(src_hbm, dst_hbm, w0_hbm, x2_hbm, x3_hbm, x4_hbm,
             seg_hbm, cnt_hbm, g34_hbm,
             idx_src, idx_dst, w0c, x2r, g3, g4, ones16, zbuf, zcnt,
             seg_acc, cnt_acc,
             sem_i, sem_g2, sem_g34, sem_s, sem_c, sem_o):
    cid = lax.axis_index("c")
    sid = lax.axis_index("s")

    zeros16 = jnp.zeros((LANES,), jnp.float32)
    ones = jnp.ones((LANES,), jnp.float32)

    def init_ones(i, _):
        ones16[i, :] = ones
        return 0
    lax.fori_loop(0, CHUNK, init_ones, 0)

    def init_zbuf(i, _):
        for j in range(H // LANES):
            zbuf[i, pl.ds(j * LANES, LANES)] = zeros16
        zcnt[i, :] = zeros16
        return 0
    lax.fori_loop(0, ZROWS, init_zbuf, 0)

    for kk in range(ROWS_PER_TILE // ZROWS):
        off = sid * ROWS_PER_TILE + kk * ZROWS
        pltpu.sync_copy(zbuf, seg_acc.at[pl.ds(off, ZROWS)])
        pltpu.sync_copy(zcnt, cnt_acc.at[pl.ds(off, ZROWS)])
    plsc.subcore_barrier()

    def d_src(q, k):
        return pltpu.make_async_copy(
            src_hbm.at[pl.ds(k * CHUNK, CHUNK)], idx_src.at[q], sem_i.at[q])

    def d_dst(q, k):
        return pltpu.make_async_copy(
            dst_hbm.at[pl.ds(k * CHUNK, CHUNK)], idx_dst.at[q], sem_i.at[q])

    def d_w0(q, k):
        return pltpu.make_async_copy(
            w0_hbm.at[pl.ds(k * CHUNK, CHUNK), pl.ds(cid * H, H)],
            w0c.at[pl.ds(q * CHUNK, CHUNK)], sem_i.at[q])

    def d_x2(q):
        return pltpu.make_async_copy(
            x2_hbm.at[cid].at[idx_dst.at[q]],
            x2r.at[pl.ds(q * CHUNK, CHUNK)], sem_g2.at[q])

    def d_x3(q):
        return pltpu.make_async_copy(
            x3_hbm.at[cid].at[idx_src.at[q]],
            g3.at[pl.ds(q * CHUNK, CHUNK)], sem_g34.at[q])

    def d_x4(q):
        return pltpu.make_async_copy(
            x4_hbm.at[cid].at[idx_dst.at[q]],
            g4.at[pl.ds(q * CHUNK, CHUNK)], sem_g34.at[q])

    def d_seg(q):
        return pltpu.make_async_copy(
            x2r.at[pl.ds(q * CHUNK, CHUNK)],
            seg_acc.at[idx_src.at[q]], sem_s.at[q])

    def d_cnt(q):
        return pltpu.make_async_copy(
            ones16, cnt_acc.at[idx_src.at[q]], sem_c.at[q])

    def d_g34(q, k):
        return pltpu.make_async_copy(
            g3.at[pl.ds(q * CHUNK, CHUNK)],
            g34_hbm.at[pl.ds(k * CHUNK, CHUNK), pl.ds(cid * H, H)],
            sem_o.at[q])

    d_src(0, sid).start()
    d_dst(0, sid).start()
    d_w0(0, sid).start()

    def chunk(q, t):
        nq = 1 - q
        k = sid + t * NS

        @pl.when(k < NCHUNKS)
        def _():
            d_src(q, k).wait()
            d_dst(q, k).wait()
            d_w0(q, k).wait()

            d_x2(q).start()
            d_x3(q).start()
            d_x4(q).start()

            @pl.when(t >= 1)
            def _():
                d_seg(nq).wait()

                @pl.when(cid == 0)
                def _():
                    d_cnt(nq).wait()
                d_g34(nq, k - NS).wait()

            @pl.when(k + NS < NCHUNKS)
            def _():
                d_src(nq, k + NS).start()
                d_dst(nq, k + NS).start()
                d_w0(nq, k + NS).start()

            d_x2(q).wait()
            row0 = q * CHUNK

            def msg_row(i, _):
                for j in range(H // LANES):
                    sl = pl.ds(j * LANES, LANES)
                    x2r[row0 + i, sl] = x2r[row0 + i, sl] * _sigmoid(
                        w0c[row0 + i, sl])
                return 0
            lax.fori_loop(0, CHUNK, msg_row, 0)

            d_seg(q).start(add=True)

            @pl.when(cid == 0)
            def _():
                d_cnt(q).start(add=True)

            d_x3(q).wait()
            d_x4(q).wait()

            def add_row(i, _):
                for j in range(H // LANES):
                    sl = pl.ds(j * LANES, LANES)
                    g3[row0 + i, sl] = g3[row0 + i, sl] + g4[row0 + i, sl]
                return 0
            lax.fori_loop(0, CHUNK, add_row, 0)
            d_g34(q, k).start()

    def pair(tt, _):
        chunk(0, 2 * tt)
        chunk(1, 2 * tt + 1)
        return 0

    lax.fori_loop(0, (TRIPS + 1) // 2, pair, 0)

    t_last0 = TRIPS - 1
    ran_last0 = sid + t_last0 * NS < NCHUNKS

    @pl.when(ran_last0)
    def _():
        d_seg(0).wait()

        @pl.when(cid == 0)
        def _():
            d_cnt(0).wait()
        d_g34(0, sid + t_last0 * NS).wait()

    @pl.when(jnp.logical_not(ran_last0))
    def _():
        d_seg(1).wait()

        @pl.when(cid == 0)
        def _():
            d_cnt(1).wait()
        d_g34(1, sid + (TRIPS - 2) * NS).wait()

    plsc.subcore_barrier()

    @pl.when(sid == 0)
    def _():
        pltpu.sync_copy(seg_acc, seg_hbm.at[cid])

        @pl.when(cid == 0)
        def _():
            pltpu.sync_copy(cnt_acc, cnt_hbm)


def _sc_call(src, dst, w0, x2s, x3s, x4s):
    mesh = plsc.VectorSubcoreMesh(core_axis_name="c", subcore_axis_name="s")
    f = pl.kernel(
        _sc_body,
        out_type=(
            jax.ShapeDtypeStruct((NC, N, H), jnp.float32),
            jax.ShapeDtypeStruct((N, LANES), jnp.float32),
            jax.ShapeDtypeStruct((E, U), jnp.float32),
        ),
        mesh=mesh,
        compiler_params=pltpu.CompilerParams(use_tc_tiling_on_sc=False),
        scratch_types=[
            pltpu.VMEM((2, CHUNK), jnp.int32),
            pltpu.VMEM((2, CHUNK), jnp.int32),
            pltpu.VMEM((2 * CHUNK, H), jnp.float32),
            pltpu.VMEM((2 * CHUNK, H), jnp.float32),
            pltpu.VMEM((2 * CHUNK, H), jnp.float32),
            pltpu.VMEM((2 * CHUNK, H), jnp.float32),
            pltpu.VMEM((CHUNK, LANES), jnp.float32),
            pltpu.VMEM((ZROWS, H), jnp.float32),
            pltpu.VMEM((ZROWS, LANES), jnp.float32),
            pltpu.VMEM_SHARED((N, H), jnp.float32),
            pltpu.VMEM_SHARED((N, LANES), jnp.float32),
            pltpu.SemaphoreType.DMA((2,)),
            pltpu.SemaphoreType.DMA((2,)),
            pltpu.SemaphoreType.DMA((2,)),
            pltpu.SemaphoreType.DMA((2,)),
            pltpu.SemaphoreType.DMA((2,)),
            pltpu.SemaphoreType.DMA((2,)),
        ],
    )
    return f(src, dst, w0, x2s, x3s, x4s)



def _node_mm_body(x_ref, wt_ref, b_ref, o_ref):
    o_ref[...] = (
        jnp.dot(x_ref[...], wt_ref[...], preferred_element_type=jnp.float32)
        + b_ref[...]
    )


def _node_out_body(x0_ref, x1_ref, segp_ref, cnt_ref, g_ref, b_ref, o_ref):
    seg = jnp.concatenate([segp_ref[0], segp_ref[1]], axis=1)
    cnt = jnp.sum(cnt_ref[...], axis=1, keepdims=True) * (1.0 / LANES)
    pooled = seg / jnp.maximum(cnt, 1.0)
    h = x1_ref[...] + pooled
    mu = jnp.mean(h, axis=0, keepdims=True)
    d = h - mu
    var = jnp.mean(d * d, axis=0, keepdims=True)
    z = g_ref[...] * d * lax.rsqrt(var + 1e-5) + b_ref[...]
    o_ref[...] = x0_ref[...] + z * _sigmoid(z)


EB = 8000


def _edge_stats_body(w0_ref, g34_ref, wet_ref, be_ref, s_ref, q_ref):
    ep = (
        jnp.dot(w0_ref[...], wet_ref[...], preferred_element_type=jnp.float32)
        + be_ref[...]
        + g34_ref[...]
    )
    bs = jnp.sum(ep, axis=0, keepdims=True)
    bq = jnp.sum(ep * ep, axis=0, keepdims=True)

    @pl.when(pl.program_id(0) == 0)
    def _():
        s_ref[...] = bs
        q_ref[...] = bq

    @pl.when(pl.program_id(0) > 0)
    def _():
        s_ref[...] += bs
        q_ref[...] += bq


def _edge_out_body(w0_ref, g34_ref, wet_ref, be_ref, s_ref, q_ref,
                   g_ref, b_ref, o_ref):
    ep = (
        jnp.dot(w0_ref[...], wet_ref[...], preferred_element_type=jnp.float32)
        + be_ref[...]
        + g34_ref[...]
    )
    inv_e = 1.0 / E
    mu = s_ref[...] * inv_e
    var = q_ref[...] * inv_e - mu * mu
    z = g_ref[...] * (ep - mu) * lax.rsqrt(var + 1e-5) + b_ref[...]
    o_ref[...] = w0_ref[...] + z * _sigmoid(z)


def kernel(x, edge_index, edge_attr, w_v1, b_v1, w_v2, b_v2, w_v3, b_v3,
           w_v4, b_v4, w_e, b_e, bn_v_gamma, bn_v_beta, bn_e_gamma, bn_e_beta):
    src = edge_index[0]
    dst = edge_index[1]

    wt = jnp.concatenate([w_v1.T, w_v2.T, w_v3.T, w_v4.T], axis=1)
    bc = jnp.concatenate([b_v1, b_v2, b_v3, b_v4]).reshape(1, 4 * U)
    x1234 = pl.pallas_call(
        _node_mm_body,
        out_shape=jax.ShapeDtypeStruct((N, 4 * U), jnp.float32),
    )(x, wt, bc)
    x1 = x1234[:, :U]

    def _halves(a):
        return jnp.stack([a[:, :H], a[:, H:]])

    x2s = _halves(x1234[:, U:2 * U])
    x3s = _halves(x1234[:, 2 * U:3 * U])
    x4s = _halves(x1234[:, 3 * U:])

    seg_parts, cnt16, g34 = _sc_call(src, dst, edge_attr, x2s, x3s, x4s)

    x_out = pl.pallas_call(
        _node_out_body,
        out_shape=jax.ShapeDtypeStruct((N, U), jnp.float32),
    )(x, x1, seg_parts, cnt16,
      bn_v_gamma.reshape(1, U), bn_v_beta.reshape(1, U))

    grid = E // EB
    ssum, ssq = pl.pallas_call(
        _edge_stats_body,
        grid=(grid,),
        in_specs=[
            pl.BlockSpec((EB, U), lambda i: (i, 0)),
            pl.BlockSpec((EB, U), lambda i: (i, 0)),
            pl.BlockSpec((U, U), lambda i: (0, 0)),
            pl.BlockSpec((1, U), lambda i: (0, 0)),
        ],
        out_specs=[
            pl.BlockSpec((1, U), lambda i: (0, 0)),
            pl.BlockSpec((1, U), lambda i: (0, 0)),
        ],
        out_shape=[
            jax.ShapeDtypeStruct((1, U), jnp.float32),
            jax.ShapeDtypeStruct((1, U), jnp.float32),
        ],
    )(edge_attr, g34, w_e.T, b_e.reshape(1, U))

    w_out = pl.pallas_call(
        _edge_out_body,
        grid=(grid,),
        in_specs=[
            pl.BlockSpec((EB, U), lambda i: (i, 0)),
            pl.BlockSpec((EB, U), lambda i: (i, 0)),
            pl.BlockSpec((U, U), lambda i: (0, 0)),
            pl.BlockSpec((1, U), lambda i: (0, 0)),
            pl.BlockSpec((1, U), lambda i: (0, 0)),
            pl.BlockSpec((1, U), lambda i: (0, 0)),
            pl.BlockSpec((1, U), lambda i: (0, 0)),
            pl.BlockSpec((1, U), lambda i: (0, 0)),
        ],
        out_specs=pl.BlockSpec((EB, U), lambda i: (i, 0)),
        out_shape=jax.ShapeDtypeStruct((E, U), jnp.float32),
    )(edge_attr, g34, w_e.T, b_e.reshape(1, U), ssum, ssq,
      bn_e_gamma.reshape(1, U), bn_e_beta.reshape(1, U))

    return (x_out, w_out)

# --- scband reference (transcript-rebuilt; emitter-appended) ---
"""Pipeline reference for scband-gnnlayer-44495861187321 (READ-ONLY COPY).

The authoritative reference and input builder live on the scoring server;
editing this copy changes nothing except your own understanding.
"""

import jax, jax.numpy as jnp
import numpy as np

N = 10000
E = 320000
U = 128


def _bn(h, gamma, beta, eps=1e-5):
    # nn.BatchNorm1d in training mode: batch statistics, biased variance
    mu = jnp.mean(h, axis=0)
    var = jnp.var(h, axis=0)
    return gamma * (h - mu) / jnp.sqrt(var + eps) + beta


def setup_inputs(seed: int = 0) -> dict:
    key = jax.random.key(seed)
    ks = jax.random.split(key, 20)
    s = 1.0 / np.sqrt(U)
    inp = {
        'x': jax.random.normal(ks[0], (N, U), dtype=jnp.float32),
        'edge_index': jax.random.randint(ks[1], (2, E), 0, N, dtype=jnp.int32),
        'edge_attr': jax.random.normal(ks[2], (E, U), dtype=jnp.float32),
        'w_v1': jax.random.uniform(ks[3], (U, U), jnp.float32, -s, s),
        'b_v1': jax.random.uniform(ks[4], (U,), jnp.float32, -s, s),
        'w_v2': jax.random.uniform(ks[5], (U, U), jnp.float32, -s, s),
        'b_v2': jax.random.uniform(ks[6], (U,), jnp.float32, -s, s),
        'w_v3': jax.random.uniform(ks[7], (U, U), jnp.float32, -s, s),
        'b_v3': jax.random.uniform(ks[8], (U,), jnp.float32, -s, s),
        'w_v4': jax.random.uniform(ks[9], (U, U), jnp.float32, -s, s),
        'b_v4': jax.random.uniform(ks[10], (U,), jnp.float32, -s, s),
        'w_e': jax.random.uniform(ks[11], (U, U), jnp.float32, -s, s),
        'b_e': jax.random.uniform(ks[12], (U,), jnp.float32, -s, s),
        'bn_v_gamma': jnp.ones((U,), jnp.float32),
        'bn_v_beta': jnp.zeros((U,), jnp.float32),
        'bn_e_gamma': jnp.ones((U,), jnp.float32),
        'bn_e_beta': jnp.zeros((U,), jnp.float32),
    }
    return inp


def reference(x, edge_index, edge_attr, w_v1, b_v1, w_v2, b_v2, w_v3, b_v3, w_v4, b_v4, w_e, b_e, bn_v_gamma, bn_v_beta, bn_e_gamma, bn_e_beta):
    x0 = x
    w0 = edge_attr
    src = edge_index[0]
    dst = edge_index[1]
    x1 = x0 @ w_v1.T + b_v1
    x2 = x0 @ w_v2.T + b_v2
    x3 = x0 @ w_v3.T + b_v3
    x4 = x0 @ w_v4.T + b_v4
    # message: sigmoid(edge_attr) * x2[dst], global_mean_pool by src -> segment mean
    msg = jax.nn.sigmoid(w0) * jnp.take(x2, dst, axis=0)
    seg_sum = jax.ops.segment_sum(msg, src, num_segments=N)
    cnt = jax.ops.segment_sum(jnp.ones((E, 1), jnp.float32), src, num_segments=N)
    pooled = seg_sum / jnp.maximum(cnt, 1.0)
    x_out = x0 + jax.nn.silu(_bn(x1 + pooled, bn_v_gamma, bn_v_beta))
    w1 = w0 @ w_e.T + b_e
    w_out = w0 + jax.nn.silu(_bn(w1 + jnp.take(x3, src, axis=0) + jnp.take(x4, dst, axis=0), bn_e_gamma, bn_e_beta))
    return (x_out, w_out)

if __name__ == "__main__":
    import jax
    _d = setup_inputs()
    print(jax.jit(kernel)(*tuple(_d.values())))

</pallas_src>

<mosaic_0001>
#map = affine_map<(d0, d1) -> (0)>
#map1 = affine_map<(d0, d1) -> (0, 0)>
#map2 = affine_map<(d0, d1) -> (0, 0, 0)>
module attributes {stable_mosaic.version = 14 : i64} {
  func.func @_sc_body(%arg0: i32, %arg1: i32, %arg2: memref<320000xi32, #tpu.memory_space<hbm>>, %arg3: memref<320000xi32, #tpu.memory_space<hbm>>, %arg4: memref<320000x128xf32, #tpu.memory_space<hbm>>, %arg5: memref<2x10000x64xf32, #tpu.memory_space<hbm>>, %arg6: memref<2x10000x64xf32, #tpu.memory_space<hbm>>, %arg7: memref<2x10000x64xf32, #tpu.memory_space<hbm>>, %arg8: memref<2x10000x64xf32, #tpu.memory_space<hbm>>, %arg9: memref<10000x16xf32, #tpu.memory_space<hbm>>, %arg10: memref<320000x128xf32, #tpu.memory_space<hbm>>, %arg11: memref<2x128xi32, #tpu.memory_space<vmem>>, %arg12: memref<2x128xi32, #tpu.memory_space<vmem>>, %arg13: memref<256x64xf32, #tpu.memory_space<vmem>>, %arg14: memref<256x64xf32, #tpu.memory_space<vmem>>, %arg15: memref<256x64xf32, #tpu.memory_space<vmem>>, %arg16: memref<256x64xf32, #tpu.memory_space<vmem>>, %arg17: memref<128x16xf32, #tpu.memory_space<vmem>>, %arg18: memref<125x64xf32, #tpu.memory_space<vmem>>, %arg19: memref<125x16xf32, #tpu.memory_space<vmem>>, %arg20: memref<10000x64xf32, #tpu.memory_space<vmem_shared>>, %arg21: memref<10000x16xf32, #tpu.memory_space<vmem_shared>>, %arg22: memref<2x!tpu.dma_semaphore, #tpu.memory_space<semaphore_mem>>, %arg23: memref<2x!tpu.dma_semaphore, #tpu.memory_space<semaphore_mem>>, %arg24: memref<2x!tpu.dma_semaphore, #tpu.memory_space<semaphore_mem>>, %arg25: memref<2x!tpu.dma_semaphore, #tpu.memory_space<semaphore_mem>>, %arg26: memref<2x!tpu.dma_semaphore, #tpu.memory_space<semaphore_mem>>, %arg27: memref<2x!tpu.dma_semaphore, #tpu.memory_space<semaphore_mem>>) attributes {dimension_semantics = [#tpu.dimension_semantics<core_parallel>, #tpu.dimension_semantics<subcore_parallel>], iteration_bounds = array<i64: 2, 16>, scalar_prefetch = 0 : i64, scratch_operands = 17 : i64, tpu.core_type = #tpu.core_type<sc_vector_subcore>, window_params = [{transform_indices = #map}, {transform_indices = #map}, {transform_indices = #map1}, {transform_indices = #map2}, {transform_indices = #map2}, {transform_indices = #map2}, {transform_indices = #map2}, {transform_indices = #map1}, {transform_indices = #map1}]} {
    %broadcast_in_dim3A = arith.constant 0.000000e+00 : f32
    %broadcast_in_dim3A_0 = vector.broadcast %broadcast_in_dim3A : f32 to vector<16xf32>
    %broadcast_in_dim3A_1 = arith.constant 1.000000e+00 : f32
    %broadcast_in_dim3A_2 = vector.broadcast %broadcast_in_dim3A_1 : f32 to vector<16xf32>
    %scan3A = arith.constant 0 : i32
    %scan3A_3 = arith.constant 0 : i32
    %scan3A_4 = arith.constant 128 : i32
    %scan3A_5 = arith.addi %scan3A_3, %scan3A_4 : i32
    %scan3A_6 = arith.constant 1 : i32
    %scan3A_7 = scf.for %scan3A_96 = %scan3A_3 to %scan3A_5 step %scan3A_6 iter_args(%scan3A_97 = %scan3A) -> (i32)  : i32 {
      %swap3A = arith.index_cast %scan3A_96 : i32 to index
      %swap3A_98 = arith.constant 0 : index
      %swap3A_99 = tpu.vector_load %arg17[%swap3A, %swap3A_98] {strides = array<i32>} : memref<128x16xf32, #tpu.memory_space<vmem>>, vector<1x16xf32>,
      %swap3A_100 = vector.shape_cast %swap3A_99 : vector<1x16xf32> to vector<16xf32>
      %swap3A_101 = vector.shape_cast %broadcast_in_dim3A_2 : vector<16xf32> to vector<1x16xf32>
      tpu.vector_store %arg17[%swap3A, %swap3A_98], %swap3A_101 {strides = array<i32>} : memref<128x16xf32, #tpu.memory_space<vmem>>, vector<1x16xf32>,
      %scan3A_102 = arith.constant 0 : i32
      scf.yield %scan3A_102 : i32
    }
    %scan3A_8 = arith.constant 128 : i32
    %scan3A_9 = arith.constant 0 : i32
    %scan3A_10 = arith.constant 0 : i32
    %scan3A_11 = arith.constant 125 : i32
    %scan3A_12 = arith.addi %scan3A_10, %scan3A_11 : i32
    %scan3A_13 = arith.constant 1 : i32
    %scan3A_14 = scf.for %scan3A_96 = %scan3A_10 to %scan3A_12 step %scan3A_13 iter_args(%scan3A_97 = %scan3A_9) -> (i32)  : i32 {
      %swap3A = arith.index_cast %scan3A_96 : i32 to index
      %swap3A_98 = arith.constant 0 : index
      %swap3A_99 = tpu.vector_load %arg18[%swap3A, %swap3A_98] {strides = array<i32>} : memref<125x64xf32, #tpu.memory_space<vmem>>, vector<1x16xf32>,
      %swap3A_100 = vector.shape_cast %swap3A_99 : vector<1x16xf32> to vector<16xf32>
      %swap3A_101 = vector.shape_cast %broadcast_in_dim3A_0 : vector<16xf32> to vector<1x16xf32>
      tpu.vector_store %arg18[%swap3A, %swap3A_98], %swap3A_101 {strides = array<i32>} : memref<125x64xf32, #tpu.memory_space<vmem>>, vector<1x16xf32>,
      %swap3A_102 = arith.index_cast %scan3A_96 : i32 to index
      %swap3A_103 = arith.constant 16 : index
      %swap3A_104 = tpu.vector_load %arg18[%swap3A_102, %swap3A_103] {strides = array<i32>} : memref<125x64xf32, #tpu.memory_space<vmem>>, vector<1x16xf32>,
      %swap3A_105 = vector.shape_cast %swap3A_104 : vector<1x16xf32> to vector<16xf32>
      %swap3A_106 = vector.shape_cast %broadcast_in_dim3A_0 : vector<16xf32> to vector<1x16xf32>
      tpu.vector_store %arg18[%swap3A_102, %swap3A_103], %swap3A_106 {strides = array<i32>} : memref<125x64xf32, #tpu.memory_space<vmem>>, vector<1x16xf32>,
      %swap3A_107 = arith.index_cast %scan3A_96 : i32 to index
      %swap3A_108 = arith.constant 32 : index
      %swap3A_109 = tpu.vector_load %arg18[%swap3A_107, %swap3A_108] {strides = array<i32>} : memref<125x64xf32, #tpu.memory_space<vmem>>, vector<1x16xf32>,
      %swap3A_110 = vector.shape_cast %swap3A_109 : vector<1x16xf32> to vector<16xf32>
      %swap3A_111 = vector.shape_cast %broadcast_in_dim3A_0 : vector<16xf32> to vector<1x16xf32>
      tpu.vector_store %arg18[%swap3A_107, %swap3A_108], %swap3A_111 {strides = array<i32>} : memref<125x64xf32, #tpu.memory_space<vmem>>, vector<1x16xf32>,
      %swap3A_112 = arith.index_cast %scan3A_96 : i32 to index
      %swap3A_113 = arith.constant 48 : index
      %swap3A_114 = tpu.vector_load %arg18[%swap3A_112, %swap3A_113] {strides = array<i32>} : memref<125x64xf32, #tpu.memory_space<vmem>>, vector<1x16xf32>,
      %swap3A_115 = vector.shape_cast %swap3A_114 : vector<1x16xf32> to vector<16xf32>
      %swap3A_116 = vector.shape_cast %broadcast_in_dim3A_0 : vector<16xf32> to vector<1x16xf32>
      tpu.vector_store %arg18[%swap3A_112, %swap3A_113], %swap3A_116 {strides = array<i32>} : memref<125x64xf32, #tpu.memory_space<vmem>>, vector<1x16xf32>,
      %swap3A_117 = arith.index_cast %scan3A_96 : i32 to index
      %swap3A_118 = arith.constant 0 : index
      %swap3A_119 = tpu.vector_load %arg19[%swap3A_117, %swap3A_118] {strides = array<i32>} : memref<125x16xf32, #tpu.memory_space<vmem>>, vector<1x16xf32>,
      %swap3A_120 = vector.shape_cast %swap3A_119 : vector<1x16xf32> to vector<16xf32>
      %swap3A_121 = vector.shape_cast %broadcast_in_dim3A_0 : vector<16xf32> to vector<1x16xf32>
      tpu.vector_store %arg19[%swap3A_117, %swap3A_118], %swap3A_121 {strides = array<i32>} : memref<125x16xf32, #tpu.memory_space<vmem>>, vector<1x16xf32>,
      %scan3A_122 = arith.constant 0 : i32
      scf.yield %scan3A_122 : i32
    }
    %scan3A_15 = arith.constant 125 : i32
    %mul3A = arith.constant 625 : i32
    %mul3A_16 = arith.muli %arg1, %mul3A : i32
    %add3A = arith.constant 0 : i32
    %add3A_17 = arith.addi %mul3A_16, %add3A : i32
    "tpu.region"() ({
      %run_scoped3A = tpu.sem_alloc : memref<!tpu.dma_semaphore, #tpu.memory_space<semaphore_mem>>
      %dma_start3A_96 = arith.constant 0 : i32
      %dma_start3A_97 = tpu.memref_slice %arg20[%add3A_17, %dma_start3A_96] : memref<10000x64xf32, #tpu.memory_space<vmem_shared>> -> memref<125x64xf32, #tpu.memory_space<vmem_shared>>
      %dma_start3A_98 = arith.constant 0 : i32
      %dma_start3A_99 = tpu.memref_slice %arg20[%add3A_17, %dma_start3A_98] : memref<10000x64xf32, #tpu.memory_space<vmem_shared>> -> memref<125x64xf32, #tpu.memory_space<vmem_shared>>
      tpu.enqueue_dma source(%arg18 : memref<125x64xf32, #tpu.memory_space<vmem>>) target(%dma_start3A_99 : memref<125x64xf32, #tpu.memory_space<vmem_shared>>) target_semaphore(%run_scoped3A : memref<!tpu.dma_semaphore, #tpu.memory_space<semaphore_mem>>)
      %dma_wait3A = arith.constant 0 : i32
      %dma_wait3A_100 = tpu.memref_slice %arg20[%add3A_17, %dma_wait3A] : memref<10000x64xf32, #tpu.memory_space<vmem_shared>> -> memref<125x64xf32, #tpu.memory_space<vmem_shared>>
      %dma_wait3A_101 = arith.constant 0 : i32
      %dma_wait3A_102 = tpu.memref_slice %arg20[%add3A_17, %dma_wait3A_101] : memref<10000x64xf32, #tpu.memory_space<vmem_shared>> -> memref<125x64xf32, #tpu.memory_space<vmem_shared>>
      tpu.wait_dma2 semaphore(%run_scoped3A : memref<!tpu.dma_semaphore, #tpu.memory_space<semaphore_mem>>) src(%arg18 : memref<125x64xf32, #tpu.memory_space<vmem>>) dst(%dma_wait3A_102 : memref<125x64xf32, #tpu.memory_space<vmem_shared>>)
      tpu.yield
    }) : () -> ()
    "tpu.region"() ({
      %run_scoped3A = tpu.sem_alloc : memref<!tpu.dma_semaphore, #tpu.memory_space<semaphore_mem>>
      %dma_start3A_96 = arith.constant 0 : i32
      %dma_start3A_97 = tpu.memref_slice %arg21[%add3A_17, %dma_start3A_96] : memref<10000x16xf32, #tpu.memory_space<vmem_shared>> -> memref<125x16xf32, #tpu.memory_space<vmem_shared>>
      %dma_start3A_98 = arith.constant 0 : i32
      %dma_start3A_99 = tpu.memref_slice %arg21[%add3A_17, %dma_start3A_98] : memref<10000x16xf32, #tpu.memory_space<vmem_shared>> -> memref<125x16xf32, #tpu.memory_space<vmem_shared>>
      tpu.enqueue_dma source(%arg19 : memref<125x16xf32, #tpu.memory_space<vmem>>) target(%dma_start3A_99 : memref<125x16xf32, #tpu.memory_space<vmem_shared>>) target_semaphore(%run_scoped3A : memref<!tpu.dma_semaphore, #tpu.memory_space<semaphore_mem>>)
      %dma_wait3A = arith.constant 0 : i32
      %dma_wait3A_100 = tpu.memref_slice %arg21[%add3A_17, %dma_wait3A] : memref<10000x16xf32, #tpu.memory_space<vmem_shared>> -> memref<125x16xf32, #tpu.memory_space<vmem_shared>>
      %dma_wait3A_101 = arith.constant 0 : i32
      %dma_wait3A_102 = tpu.memref_slice %arg21[%add3A_17, %dma_wait3A_101] : memref<10000x16xf32, #tpu.memory_space<vmem_shared>> -> memref<125x16xf32, #tpu.memory_space<vmem_shared>>
      tpu.wait_dma2 semaphore(%run_scoped3A : memref<!tpu.dma_semaphore, #tpu.memory_space<semaphore_mem>>) src(%arg19 : memref<125x16xf32, #tpu.memory_space<vmem>>) dst(%dma_wait3A_102 : memref<125x16xf32, #tpu.memory_space<vmem_shared>>)
      tpu.yield
    }) : () -> ()
    %mul3A_18 = arith.constant 625 : i32
    %mul3A_19 = arith.muli %arg1, %mul3A_18 : i32
    %add3A_20 = arith.constant 125 : i32
    %add3A_21 = arith.addi %mul3A_19, %add3A_20 : i32
    "tpu.region"() ({
      %run_scoped3A = tpu.sem_alloc : memref<!tpu.dma_semaphore, #tpu.memory_space<semaphore_mem>>
      %dma_start3A_96 = arith.constant 0 : i32
      %dma_start3A_97 = tpu.memref_slice %arg20[%add3A_21, %dma_start3A_96] : memref<10000x64xf32, #tpu.memory_space<vmem_shared>> -> memref<125x64xf32, #tpu.memory_space<vmem_shared>>
      %dma_start3A_98 = arith.constant 0 : i32
      %dma_start3A_99 = tpu.memref_slice %arg20[%add3A_21, %dma_start3A_98] : memref<10000x64xf32, #tpu.memory_space<vmem_shared>> -> memref<125x64xf32, #tpu.memory_space<vmem_shared>>
      tpu.enqueue_dma source(%arg18 : memref<125x64xf32, #tpu.memory_space<vmem>>) target(%dma_start3A_99 : memref<125x64xf32, #tpu.memory_space<vmem_shared>>) target_semaphore(%run_scoped3A : memref<!tpu.dma_semaphore, #tpu.memory_space<semaphore_mem>>)
      %dma_wait3A = arith.constant 0 : i32
      %dma_wait3A_100 = tpu.memref_slice %arg20[%add3A_21, %dma_wait3A] : memref<10000x64xf32, #tpu.memory_space<vmem_shared>> -> memref<125x64xf32, #tpu.memory_space<vmem_shared>>
      %dma_wait3A_101 = arith.constant 0 : i32
      %dma_wait3A_102 = tpu.memref_slice %arg20[%add3A_21, %dma_wait3A_101] : memref<10000x64xf32, #tpu.memory_space<vmem_shared>> -> memref<125x64xf32, #tpu.memory_space<vmem_shared>>
      tpu.wait_dma2 semaphore(%run_scoped3A : memref<!tpu.dma_semaphore, #tpu.memory_space<semaphore_mem>>) src(%arg18 : memref<125x64xf32, #tpu.memory_space<vmem>>) dst(%dma_wait3A_102 : memref<125x64xf32, #tpu.memory_space<vmem_shared>>)
      tpu.yield
    }) : () -> ()
    "tpu.region"() ({
      %run_scoped3A = tpu.sem_alloc : memref<!tpu.dma_semaphore, #tpu.memory_space<semaphore_mem>>
      %dma_start3A_96 = arith.constant 0 : i32
      %dma_start3A_97 = tpu.memref_slice %arg21[%add3A_21, %dma_start3A_96] : memref<10000x16xf32, #tpu.memory_space<vmem_shared>> -> memref<125x16xf32, #tpu.memory_space<vmem_shared>>
      %dma_start3A_98 = arith.constant 0 : i32
      %dma_start3A_99 = tpu.memref_slice %arg21[%add3A_21, %dma_start3A_98] : memref<10000x16xf32, #tpu.memory_space<vmem_shared>> -> memref<125x16xf32, #tpu.memory_space<vmem_shared>>
      tpu.enqueue_dma source(%arg19 : memref<125x16xf32, #tpu.memory_space<vmem>>) target(%dma_start3A_99 : memref<125x16xf32, #tpu.memory_space<vmem_shared>>) target_semaphore(%run_scoped3A : memref<!tpu.dma_semaphore, #tpu.memory_space<semaphore_mem>>)
      %dma_wait3A = arith.constant 0 : i32
      %dma_wait3A_100 = tpu.memref_slice %arg21[%add3A_21, %dma_wait3A] : memref<10000x16xf32, #tpu.memory_space<vmem_shared>> -> memref<125x16xf32, #tpu.memory_space<vmem_shared>>
      %dma_wait3A_101 = arith.constant 0 : i32
      %dma_wait3A_102 = tpu.memref_slice %arg21[%add3A_21, %dma_wait3A_101] : memref<10000x16xf32, #tpu.memory_space<vmem_shared>> -> memref<125x16xf32, #tpu.memory_space<vmem_shared>>
      tpu.wait_dma2 semaphore(%run_scoped3A : memref<!tpu.dma_semaphore, #tpu.memory_space<semaphore_mem>>) src(%arg19 : memref<125x16xf32, #tpu.memory_space<vmem>>) dst(%dma_wait3A_102 : memref<125x16xf32, #tpu.memory_space<vmem_shared>>)
      tpu.yield
    }) : () -> ()
    %mul3A_22 = arith.constant 625 : i32
    %mul3A_23 = arith.muli %arg1, %mul3A_22 : i32
    %add3A_24 = arith.constant 250 : i32
    %add3A_25 = arith.addi %mul3A_23, %add3A_24 : i32
    "tpu.region"() ({
      %run_scoped3A = tpu.sem_alloc : memref<!tpu.dma_semaphore, #tpu.memory_space<semaphore_mem>>
      %dma_start3A_96 = arith.constant 0 : i32
      %dma_start3A_97 = tpu.memref_slice %arg20[%add3A_25, %dma_start3A_96] : memref<10000x64xf32, #tpu.memory_space<vmem_shared>> -> memref<125x64xf32, #tpu.memory_space<vmem_shared>>
      %dma_start3A_98 = arith.constant 0 : i32
      %dma_start3A_99 = tpu.memref_slice %arg20[%add3A_25, %dma_start3A_98] : memref<10000x64xf32, #tpu.memory_space<vmem_shared>> -> memref<125x64xf32, #tpu.memory_space<vmem_shared>>
      tpu.enqueue_dma source(%arg18 : memref<125x64xf32, #tpu.memory_space<vmem>>) target(%dma_start3A_99 : memref<125x64xf32, #tpu.memory_space<vmem_shared>>) target_semaphore(%run_scoped3A : memref<!tpu.dma_semaphore, #tpu.memory_space<semaphore_mem>>)
      %dma_wait3A = arith.constant 0 : i32
      %dma_wait3A_100 = tpu.memref_slice %arg20[%add3A_25, %dma_wait3A] : memref<10000x64xf32, #tpu.memory_space<vmem_shared>> -> memref<125x64xf32, #tpu.memory_space<vmem_shared>>
      %dma_wait3A_101 = arith.constant 0 : i32
      %dma_wait3A_102 = tpu.memref_slice %arg20[%add3A_25, %dma_wait3A_101] : memref<10000x64xf32, #tpu.memory_space<vmem_shared>> -> memref<125x64xf32, #tpu.memory_space<vmem_shared>>
      tpu.wait_dma2 semaphore(%run_scoped3A : memref<!tpu.dma_semaphore, #tpu.memory_space<semaphore_mem>>) src(%arg18 : memref<125x64xf32, #tpu.memory_space<vmem>>) dst(%dma_wait3A_102 : memref<125x64xf32, #tpu.memory_space<vmem_shared>>)
      tpu.yield
    }) : () -> ()
    "tpu.region"() ({
      %run_scoped3A = tpu.sem_alloc : memref<!tpu.dma_semaphore, #tpu.memory_space<semaphore_mem>>
      %dma_start3A_96 = arith.constant 0 : i32
      %dma_start3A_97 = tpu.memref_slice %arg21[%add3A_25, %dma_start3A_96] : memref<10000x16xf32, #tpu.memory_space<vmem_shared>> -> memref<125x16xf32, #tpu.memory_space<vmem_shared>>
      %dma_start3A_98 = arith.constant 0 : i32
      %dma_start3A_99 = tpu.memref_slice %arg21[%add3A_25, %dma_start3A_98] : memref<10000x16xf32, #tpu.memory_space<vmem_shared>> -> memref<125x16xf32, #tpu.memory_space<vmem_shared>>
      tpu.enqueue_dma source(%arg19 : memref<125x16xf32, #tpu.memory_space<vmem>>) target(%dma_start3A_99 : memref<125x16xf32, #tpu.memory_space<vmem_shared>>) target_semaphore(%run_scoped3A : memref<!tpu.dma_semaphore, #tpu.memory_space<semaphore_mem>>)
      %dma_wait3A = arith.constant 0 : i32
      %dma_wait3A_100 = tpu.memref_slice %arg21[%add3A_25, %dma_wait3A] : memref<10000x16xf32, #tpu.memory_space<vmem_shared>> -> memref<125x16xf32, #tpu.memory_space<vmem_shared>>
      %dma_wait3A_101 = arith.constant 0 : i32
      %dma_wait3A_102 = tpu.memref_slice %arg21[%add3A_25, %dma_wait3A_101] : memref<10000x16xf32, #tpu.memory_space<vmem_shared>> -> memref<125x16xf32, #tpu.memory_space<vmem_shared>>
      tpu.wait_dma2 semaphore(%run_scoped3A : memref<!tpu.dma_semaphore, #tpu.memory_space<semaphore_mem>>) src(%arg19 : memref<125x16xf32, #tpu.memory_space<vmem>>) dst(%dma_wait3A_102 : memref<125x16xf32, #tpu.memory_space<vmem_shared>>)
      tpu.yield
    }) : () -> ()
    %mul3A_26 = arith.constant 625 : i32
    %mul3A_27 = arith.muli %arg1, %mul3A_26 : i32
    %add3A_28 = arith.constant 375 : i32
    %add3A_29 = arith.addi %mul3A_27, %add3A_28 : i32
    "tpu.region"() ({
      %run_scoped3A = tpu.sem_alloc : memref<!tpu.dma_semaphore, #tpu.memory_space<semaphore_mem>>
      %dma_start3A_96 = arith.constant 0 : i32
      %dma_start3A_97 = tpu.memref_slice %arg20[%add3A_29, %dma_start3A_96] : memref<10000x64xf32, #tpu.memory_space<vmem_shared>> -> memref<125x64xf32, #tpu.memory_space<vmem_shared>>
      %dma_start3A_98 = arith.constant 0 : i32
      %dma_start3A_99 = tpu.memref_slice %arg20[%add3A_29, %dma_start3A_98] : memref<10000x64xf32, #tpu.memory_space<vmem_shared>> -> memref<125x64xf32, #tpu.memory_space<vmem_shared>>
      tpu.enqueue_dma source(%arg18 : memref<125x64xf32, #tpu.memory_space<vmem>>) target(%dma_start3A_99 : memref<125x64xf32, #tpu.memory_space<vmem_shared>>) target_semaphore(%run_scoped3A : memref<!tpu.dma_semaphore, #tpu.memory_space<semaphore_mem>>)
      %dma_wait3A = arith.constant 0 : i32
      %dma_wait3A_100 = tpu.memref_slice %arg20[%add3A_29, %dma_wait3A] : memref<10000x64xf32, #tpu.memory_space<vmem_shared>> -> memref<125x64xf32, #tpu.memory_space<vmem_shared>>
      %dma_wait3A_101 = arith.constant 0 : i32
      %dma_wait3A_102 = tpu.memref_slice %arg20[%add3A_29, %dma_wait3A_101] : memref<10000x64xf32, #tpu.memory_space<vmem_shared>> -> memref<125x64xf32, #tpu.memory_space<vmem_shared>>
      tpu.wait_dma2 semaphore(%run_scoped3A : memref<!tpu.dma_semaphore, #tpu.memory_space<semaphore_mem>>) src(%arg18 : memref<125x64xf32, #tpu.memory_space<vmem>>) dst(%dma_wait3A_102 : memref<125x64xf32, #tpu.memory_space<vmem_shared>>)
      tpu.yield
    }) : () -> ()
    "tpu.region"() ({
      %run_scoped3A = tpu.sem_alloc : memref<!tpu.dma_semaphore, #tpu.memory_space<semaphore_mem>>
      %dma_start3A_96 = arith.constant 0 : i32
      %dma_start3A_97 = tpu.memref_slice %arg21[%add3A_29, %dma_start3A_96] : memref<10000x16xf32, #tpu.memory_space<vmem_shared>> -> memref<125x16xf32, #tpu.memory_space<vmem_shared>>
      %dma_start3A_98 = arith.constant 0 : i32
      %dma_start3A_99 = tpu.memref_slice %arg21[%add3A_29, %dma_start3A_98] : memref<10000x16xf32, #tpu.memory_space<vmem_shared>> -> memref<125x16xf32, #tpu.memory_space<vmem_shared>>
      tpu.enqueue_dma source(%arg19 : memref<125x16xf32, #tpu.memory_space<vmem>>) target(%dma_start3A_99 : memref<125x16xf32, #tpu.memory_space<vmem_shared>>) target_semaphore(%run_scoped3A : memref<!tpu.dma_semaphore, #tpu.memory_space<semaphore_mem>>)
      %dma_wait3A = arith.constant 0 : i32
      %dma_wait3A_100 = tpu.memref_slice %arg21[%add3A_29, %dma_wait3A] : memref<10000x16xf32, #tpu.memory_space<vmem_shared>> -> memref<125x16xf32, #tpu.memory_space<vmem_shared>>
      %dma_wait3A_101 = arith.constant 0 : i32
      %dma_wait3A_102 = tpu.memref_slice %arg21[%add3A_29, %dma_wait3A_101] : memref<10000x16xf32, #tpu.memory_space<vmem_shared>> -> memref<125x16xf32, #tpu.memory_space<vmem_shared>>
      tpu.wait_dma2 semaphore(%run_scoped3A : memref<!tpu.dma_semaphore, #tpu.memory_space<semaphore_mem>>) src(%arg19 : memref<125x16xf32, #tpu.memory_space<vmem>>) dst(%dma_wait3A_102 : memref<125x16xf32, #tpu.memory_space<vmem_shared>>)
      tpu.yield
    }) : () -> ()
    %mul3A_30 = arith.constant 625 : i32
    %mul3A_31 = arith.muli %arg1, %mul3A_30 : i32
    %add3A_32 = arith.constant 500 : i32
    %add3A_33 = arith.addi %mul3A_31, %add3A_32 : i32
    "tpu.region"() ({
      %run_scoped3A = tpu.sem_alloc : memref<!tpu.dma_semaphore, #tpu.memory_space<semaphore_mem>>
      %dma_start3A_96 = arith.constant 0 : i32
      %dma_start3A_97 = tpu.memref_slice %arg20[%add3A_33, %dma_start3A_96] : memref<10000x64xf32, #tpu.memory_space<vmem_shared>> -> memref<125x64xf32, #tpu.memory_space<vmem_shared>>
      %dma_start3A_98 = arith.constant 0 : i32
      %dma_start3A_99 = tpu.memref_slice %arg20[%add3A_33, %dma_start3A_98] : memref<10000x64xf32, #tpu.memory_space<vmem_shared>> -> memref<125x64xf32, #tpu.memory_space<vmem_shared>>
      tpu.enqueue_dma source(%arg18 : memref<125x64xf32, #tpu.memory_space<vmem>>) target(%dma_start3A_99 : memref<125x64xf32, #tpu.memory_space<vmem_shared>>) target_semaphore(%run_scoped3A : memref<!tpu.dma_semaphore, #tpu.memory_space<semaphore_mem>>)
      %dma_wait3A = arith.constant 0 : i32
      %dma_wait3A_100 = tpu.memref_slice %arg20[%add3A_33, %dma_wait3A] : memref<10000x64xf32, #tpu.memory_space<vmem_shared>> -> memref<125x64xf32, #tpu.memory_space<vmem_shared>>
      %dma_wait3A_101 = arith.constant 0 : i32
      %dma_wait3A_102 = tpu.memref_slice %arg20[%add3A_33, %dma_wait3A_101] : memref<10000x64xf32, #tpu.memory_space<vmem_shared>> -> memref<125x64xf32, #tpu.memory_space<vmem_shared>>
      tpu.wait_dma2 semaphore(%run_scoped3A : memref<!tpu.dma_semaphore, #tpu.memory_space<semaphore_mem>>) src(%arg18 : memref<125x64xf32, #tpu.memory_space<vmem>>) dst(%dma_wait3A_102 : memref<125x64xf32, #tpu.memory_space<vmem_shared>>)
      tpu.yield
    }) : () -> ()
    "tpu.region"() ({
      %run_scoped3A = tpu.sem_alloc : memref<!tpu.dma_semaphore, #tpu.memory_space<semaphore_mem>>
      %dma_start3A_96 = arith.constant 0 : i32
      %dma_start3A_97 = tpu.memref_slice %arg21[%add3A_33, %dma_start3A_96] : memref<10000x16xf32, #tpu.memory_space<vmem_shared>> -> memref<125x16xf32, #tpu.memory_space<vmem_shared>>
      %dma_start3A_98 = arith.constant 0 : i32
      %dma_start3A_99 = tpu.memref_slice %arg21[%add3A_33, %dma_start3A_98] : memref<10000x16xf32, #tpu.memory_space<vmem_shared>> -> memref<125x16xf32, #tpu.memory_space<vmem_shared>>
      tpu.enqueue_dma source(%arg19 : memref<125x16xf32, #tpu.memory_space<vmem>>) target(%dma_start3A_99 : memref<125x16xf32, #tpu.memory_space<vmem_shared>>) target_semaphore(%run_scoped3A : memref<!tpu.dma_semaphore, #tpu.memory_space<semaphore_mem>>)
      %dma_wait3A = arith.constant 0 : i32
      %dma_wait3A_100 = tpu.memref_slice %arg21[%add3A_33, %dma_wait3A] : memref<10000x16xf32, #tpu.memory_space<vmem_shared>> -> memref<125x16xf32, #tpu.memory_space<vmem_shared>>
      %dma_wait3A_101 = arith.constant 0 : i32
      %dma_wait3A_102 = tpu.memref_slice %arg21[%add3A_33, %dma_wait3A_101] : memref<10000x16xf32, #tpu.memory_space<vmem_shared>> -> memref<125x16xf32, #tpu.memory_space<vmem_shared>>
      tpu.wait_dma2 semaphore(%run_scoped3A : memref<!tpu.dma_semaphore, #tpu.memory_space<semaphore_mem>>) src(%arg19 : memref<125x16xf32, #tpu.memory_space<vmem>>) dst(%dma_wait3A_102 : memref<125x16xf32, #tpu.memory_space<vmem_shared>>)
      tpu.yield
    }) : () -> ()
    %barrier3A = arith.constant 0 : index
    tpu.barrier barrier_id(%barrier3A)
    %mul3A_34 = arith.constant 128 : i32
    %mul3A_35 = arith.muli %arg1, %mul3A_34 : i32
    %dma_start3A = arith.constant 0 : i32
    %dma_start3A_36 = arith.constant 0 : i32
    %dma_start3A_37 = arith.constant 0 : i32
    %dma_start3A_38 = tpu.memref_slice %arg11[%dma_start3A, %dma_start3A_37] : memref<2x128xi32, #tpu.memory_space<vmem>> -> memref<1x128xi32, #tpu.memory_space<vmem>>
    %dma_start3A_39 = tpu.memref_squeeze %dma_start3A_38 : memref<1x128xi32, #tpu.memory_space<vmem>> -> memref<128xi32, #tpu.memory_space<vmem>>
    %dma_start3A_40 = tpu.memref_slice %arg2[%mul3A_35] : memref<320000xi32, #tpu.memory_space<hbm>> -> memref<128xi32, #tpu.memory_space<hbm>>
    %dma_start3A_41 = tpu.memref_slice %arg22[%dma_start3A_36] : memref<2x!tpu.dma_semaphore, #tpu.memory_space<semaphore_mem>> -> memref<1x!tpu.dma_semaphore, #tpu.memory_space<semaphore_mem>>
    %dma_start3A_42 = tpu.memref_squeeze %dma_start3A_41 : memref<1x!tpu.dma_semaphore, #tpu.memory_space<semaphore_mem>> -> memref<!tpu.dma_semaphore, #tpu.memory_space<semaphore_mem>>
    %dma_start3A_43 = arith.constant 0 : i32
    %dma_start3A_44 = tpu.memref_slice %arg11[%dma_start3A, %dma_start3A_43] : memref<2x128xi32, #tpu.memory_space<vmem>> -> memref<1x128xi32, #tpu.memory_space<vmem>>
    %dma_start3A_45 = tpu.memref_squeeze %dma_start3A_44 : memref<1x128xi32, #tpu.memory_space<vmem>> -> memref<128xi32, #tpu.memory_space<vmem>>
    %dma_start3A_46 = tpu.memref_slice %arg2[%mul3A_35] : memref<320000xi32, #tpu.memory_space<hbm>> -> memref<128xi32, #tpu.memory_space<hbm>>
    tpu.enqueue_dma source(%dma_start3A_46 : memref<128xi32, #tpu.memory_space<hbm>>) target(%dma_start3A_45 : memref<128xi32, #tpu.memory_space<vmem>>) target_semaphore(%dma_start3A_42 : memref<!tpu.dma_semaphore, #tpu.memory_space<semaphore_mem>>)
    %mul3A_47 = arith.constant 128 : i32
    %mul3A_48 = arith.muli %arg1, %mul3A_47 : i32
    %dma_start3A_49 = arith.constant 0 : i32
    %dma_start3A_50 = arith.constant 0 : i32
    %dma_start3A_51 = arith.constant 0 : i32
    %dma_start3A_52 = tpu.memref_slice %arg12[%dma_start3A_49, %dma_start3A_51] : memref<2x128xi32, #tpu.memory_space<vmem>> -> memref<1x128xi32, #tpu.memory_space<vmem>>
    %dma_start3A_53 = tpu.memref_squeeze %dma_start3A_52 : memref<1x128xi32, #tpu.memory_space<vmem>> -> memref<128xi32, #tpu.memory_space<vmem>>
    %dma_start3A_54 = tpu.memref_slice %arg3[%mul3A_48] : memref<320000xi32, #tpu.memory_space<hbm>> -> memref<128xi32, #tpu.memory_space<hbm>>
    %dma_start3A_55 = tpu.memref_slice %arg22[%dma_start3A_50] : memref<2x!tpu.dma_semaphore, #tpu.memory_space<semaphore_mem>> -> memref<1x!tpu.dma_semaphore, #tpu.memory_space<semaphore_mem>>
    %dma_start3A_56 = tpu.memref_squeeze %dma_start3A_55 : memref<1x!tpu.dma_semaphore, #tpu.memory_space<semaphore_mem>> -> memref<!tpu.dma_semaphore, #tpu.memory_space<semaphore_mem>>
    %dma_start3A_57 = arith.constant 0 : i32
    %dma_start3A_58 = tpu.memref_slice %arg12[%dma_start3A_49, %dma_start3A_57] : memref<2x128xi32, #tpu.memory_space<vmem>> -> memref<1x128xi32, #tpu.memory_space<vmem>>
    %dma_start3A_59 = tpu.memref_squeeze %dma_start3A_58 : memref<1x128xi32, #tpu.memory_space<vmem>> -> memref<128xi32, #tpu.memory_space<vmem>>
    %dma_start3A_60 = tpu.memref_slice %arg3[%mul3A_48] : memref<320000xi32, #tpu.memory_space<hbm>> -> memref<128xi32, #tpu.memory_space<hbm>>
    tpu.enqueue_dma source(%dma_start3A_60 : memref<128xi32, #tpu.memory_space<hbm>>) target(%dma_start3A_59 : memref<128xi32, #tpu.memory_space<vmem>>) target_semaphore(%dma_start3A_56 : memref<!tpu.dma_semaphore, #tpu.memory_space<semaphore_mem>>)
    %mul3A_61 = arith.constant 128 : i32
    %mul3A_62 = arith.muli %arg1, %mul3A_61 : i32
    %mul3A_63 = arith.constant 64 : i32
    %mul3A_64 = arith.muli %arg0, %mul3A_63 : i32
    %dma_start3A_65 = arith.constant 0 : i32
    %dma_start3A_66 = arith.constant 0 : i32
    %dma_start3A_67 = arith.constant 0 : i32
    %dma_start3A_68 = tpu.memref_slice %arg13[%dma_start3A_66, %dma_start3A_67] : memref<256x64xf32, #tpu.memory_space<vmem>> -> memref<128x64xf32, #tpu.memory_space<vmem>>
    %dma_start3A_69 = tpu.memref_slice %arg4[%mul3A_62, %mul3A_64] : memref<320000x128xf32, #tpu.memory_space<hbm>> -> memref<128x64xf32, #tpu.memory_space<hbm>>
    %dma_start3A_70 = tpu.memref_slice %arg22[%dma_start3A_65] : memref<2x!tpu.dma_semaphore, #tpu.memory_space<semaphore_mem>> -> memref<1x!tpu.dma_semaphore, #tpu.memory_space<semaphore_mem>>
    %dma_start3A_71 = tpu.memref_squeeze %dma_start3A_70 : memref<1x!tpu.dma_semaphore, #tpu.memory_space<semaphore_mem>> -> memref<!tpu.dma_semaphore, #tpu.memory_space<semaphore_mem>>
    %dma_start3A_72 = arith.constant 0 : i32
    %dma_start3A_73 = arith.constant 0 : i32
    %dma_start3A_74 = tpu.memref_slice %arg13[%dma_start3A_72, %dma_start3A_73] : memref<256x64xf32, #tpu.memory_space<vmem>> -> memref<128x64xf32, #tpu.memory_space<vmem>>
    %dma_start3A_75 = tpu.memref_slice %arg4[%mul3A_62, %mul3A_64] : memref<320000x128xf32, #tpu.memory_space<hbm>> -> memref<128x64xf32, #tpu.memory_space<hbm>>
    tpu.enqueue_dma source(%dma_start3A_75 : memref<128x64xf32, #tpu.memory_space<hbm>>) target(%dma_start3A_74 : memref<128x64xf32, #tpu.memory_space<vmem>>) target_semaphore(%dma_start3A_71 : memref<!tpu.dma_semaphore, #tpu.memory_space<semaphore_mem>>)
    %scan3A_76 = arith.constant 0 : i32
    %scan3A_77 = arith.constant 0 : i32
    %scan3A_78 = arith.constant 79 : i32
    %scan3A_79 = arith.addi %scan3A_77, %scan3A_78 : i32
    %scan3A_80 = arith.constant 1 : i32
    %scan3A_81 = scf.for %scan3A_96 = %scan3A_77 to %scan3A_79 step %scan3A_80 iter_args(%scan3A_97 = %scan3A_76) -> (i32)  : i32 {
      %mul3A_98 = arith.constant 2 : i32
      %mul3A_99 = arith.muli %mul3A_98, %scan3A_96 : i32
      %mul3A_100 = arith.constant 16 : i32
      %mul3A_101 = arith.muli %mul3A_99, %mul3A_100 : i32
      %add3A_102 = arith.addi %arg1, %mul3A_101 : i32
      %lt3A_103 = arith.constant 2500 : i32
      %lt3A_104 = arith.cmpi slt, %add3A_102, %lt3A_103 : i32
      %convert_element_type3A_105 = arith.extui %lt3A_104 : i1 to i32
      %cond3A_106 = arith.constant 0 : i32
      %cond3A_107 = arith.cmpi ne, %convert_element_type3A_105, %cond3A_106 : i32
      scf.if %cond3A_107 {
        %mul3A_121 = arith.constant 128 : i32
        %mul3A_122 = arith.muli %add3A_102, %mul3A_121 : i32
        %dma_wait3A = arith.constant 0 : i32
        %dma_wait3A_123 = arith.constant 0 : i32
        %dma_wait3A_124 = arith.constant 0 : i32
        %dma_wait3A_125 = tpu.memref_slice %arg11[%dma_wait3A, %dma_wait3A_124] : memref<2x128xi32, #tpu.memory_space<vmem>> -> memref<1x128xi32, #tpu.memory_space<vmem>>
        %dma_wait3A_126 = tpu.memref_squeeze %dma_wait3A_125 : memref<1x128xi32, #tpu.memory_space<vmem>> -> memref<128xi32, #tpu.memory_space<vmem>>
        %dma_wait3A_127 = tpu.memref_slice %arg2[%mul3A_122] : memref<320000xi32, #tpu.memory_space<hbm>> -> memref<128xi32, #tpu.memory_space<hbm>>
        %dma_wait3A_128 = tpu.memref_slice %arg22[%dma_wait3A_123] : memref<2x!tpu.dma_semaphore, #tpu.memory_space<semaphore_mem>> -> memref<1x!tpu.dma_semaphore, #tpu.memory_space<semaphore_mem>>
        %dma_wait3A_129 = tpu.memref_squeeze %dma_wait3A_128 : memref<1x!tpu.dma_semaphore, #tpu.memory_space<semaphore_mem>> -> memref<!tpu.dma_semaphore, #tpu.memory_space<semaphore_mem>>
        %dma_wait3A_130 = arith.constant 0 : i32
        %dma_wait3A_131 = tpu.memref_slice %arg11[%dma_wait3A, %dma_wait3A_130] : memref<2x128xi32, #tpu.memory_space<vmem>> -> memref<1x128xi32, #tpu.memory_space<vmem>>
        %dma_wait3A_132 = tpu.memref_squeeze %dma_wait3A_131 : memref<1x128xi32, #tpu.memory_space<vmem>> -> memref<128xi32, #tpu.memory_space<vmem>>
        %dma_wait3A_133 = tpu.memref_slice %arg2[%mul3A_122] : memref<320000xi32, #tpu.memory_space<hbm>> -> memref<128xi32, #tpu.memory_space<hbm>>
        tpu.wait_dma2 semaphore(%dma_wait3A_129 : memref<!tpu.dma_semaphore, #tpu.memory_space<semaphore_mem>>) src(%dma_wait3A_133 : memref<128xi32, #tpu.memory_space<hbm>>) dst(%dma_wait3A_132 : memref<128xi32, #tpu.memory_space<vmem>>)
        %mul3A_134 = arith.constant 128 : i32
        %mul3A_135 = arith.muli %add3A_102, %mul3A_134 : i32
        %dma_wait3A_136 = arith.constant 0 : i32
        %dma_wait3A_137 = arith.constant 0 : i32
        %dma_wait3A_138 = arith.constant 0 : i32
        %dma_wait3A_139 = tpu.memref_slice %arg12[%dma_wait3A_136, %dma_wait3A_138] : memref<2x128xi32, #tpu.memory_space<vmem>> -> memref<1x128xi32, #tpu.memory_space<vmem>>
        %dma_wait3A_140 = tpu.memref_squeeze %dma_wait3A_139 : memref<1x128xi32, #tpu.memory_space<vmem>> -> memref<128xi32, #tpu.memory_space<vmem>>
        %dma_wait3A_141 = tpu.memref_slice %arg3[%mul3A_135] : memref<320000xi32, #tpu.memory_space<hbm>> -> memref<128xi32, #tpu.memory_space<hbm>>
        %dma_wait3A_142 = tpu.memref_slice %arg22[%dma_wait3A_137] : memref<2x!tpu.dma_semaphore, #tpu.memory_space<semaphore_mem>> -> memref<1x!tpu.dma_semaphore, #tpu.memory_space<semaphore_mem>>
        %dma_wait3A_143 = tpu.memref_squeeze %dma_wait3A_142 : memref<1x!tpu.dma_semaphore, #tpu.memory_space<semaphore_mem>> -> memref<!tpu.dma_semaphore, #tpu.memory_space<semaphore_mem>>
        %dma_wait3A_144 = arith.constant 0 : i32
        %dma_wait3A_145 = tpu.memref_slice %arg12[%dma_wait3A_136, %dma_wait3A_144] : memref<2x128xi32, #tpu.memory_space<vmem>> -> memref<1x128xi32, #tpu.memory_space<vmem>>
        %dma_wait3A_146 = tpu.memref_squeeze %dma_wait3A_145 : memref<1x128xi32, #tpu.memory_space<vmem>> -> memref<128xi32, #tpu.memory_space<vmem>>
        %dma_wait3A_147 = tpu.memref_slice %arg3[%mul3A_135] : memref<320000xi32, #tpu.memory_space<hbm>> -> memref<128xi32, #tpu.memory_space<hbm>>
        tpu.wait_dma2 semaphore(%dma_wait3A_143 : memref<!tpu.dma_semaphore, #tpu.memory_space<semaphore_mem>>) src(%dma_wait3A_147 : memref<128xi32, #tpu.memory_space<hbm>>) dst(%dma_wait3A_146 : memref<128xi32, #tpu.memory_space<vmem>>)
        %mul3A_148 = arith.constant 128 : i32
        %mul3A_149 = arith.muli %add3A_102, %mul3A_148 : i32
        %mul3A_150 = arith.constant 64 : i32
        %mul3A_151 = arith.muli %arg0, %mul3A_150 : i32
        %dma_wait3A_152 = arith.constant 0 : i32
        %dma_wait3A_153 = arith.constant 0 : i32
        %dma_wait3A_154 = arith.constant 0 : i32
        %dma_wait3A_155 = tpu.memref_slice %arg13[%dma_wait3A_153, %dma_wait3A_154] : memref<256x64xf32, #tpu.memory_space<vmem>> -> memref<128x64xf32, #tpu.memory_space<vmem>>
        %dma_wait3A_156 = tpu.memref_slice %arg4[%mul3A_149, %mul3A_151] : memref<320000x128xf32, #tpu.memory_space<hbm>> -> memref<128x64xf32, #tpu.memory_space<hbm>>
        %dma_wait3A_157 = tpu.memref_slice %arg22[%dma_wait3A_152] : memref<2x!tpu.dma_semaphore, #tpu.memory_space<semaphore_mem>> -> memref<1x!tpu.dma_semaphore, #tpu.memory_space<semaphore_mem>>
        %dma_wait3A_158 = tpu.memref_squeeze %dma_wait3A_157 : memref<1x!tpu.dma_semaphore, #tpu.memory_space<semaphore_mem>> -> memref<!tpu.dma_semaphore, #tpu.memory_space<semaphore_mem>>
        %dma_wait3A_159 = arith.constant 0 : i32
        %dma_wait3A_160 = arith.constant 0 : i32
        %dma_wait3A_161 = tpu.memref_slice %arg13[%dma_wait3A_159, %dma_wait3A_160] : memref<256x64xf32, #tpu.memory_space<vmem>> -> memref<128x64xf32, #tpu.memory_space<vmem>>
        %dma_wait3A_162 = tpu.memref_slice %arg4[%mul3A_149, %mul3A_151] : memref<320000x128xf32, #tpu.memory_space<hbm>> -> memref<128x64xf32, #tpu.memory_space<hbm>>
        tpu.wait_dma2 semaphore(%dma_wait3A_158 : memref<!tpu.dma_semaphore, #tpu.memory_space<semaphore_mem>>) src(%dma_wait3A_162 : memref<128x64xf32, #tpu.memory_space<hbm>>) dst(%dma_wait3A_161 : memref<128x64xf32, #tpu.memory_space<vmem>>)
        %dma_start3A_163 = arith.constant 0 : i32
        %dma_start3A_164 = arith.constant 0 : i32
        %dma_start3A_165 = arith.constant 0 : i32
        %dma_start3A_166 = arith.constant 0 : i32
        %dma_start3A_167 = tpu.memref_slice %arg14[%dma_start3A_165, %dma_start3A_166] : memref<256x64xf32, #tpu.memory_space<vmem>> -> memref<128x64xf32, #tpu.memory_space<vmem>>
        %dma_start3A_168 = arith.constant 0 : i32
        %dma_start3A_169 = tpu.memref_slice %arg12[%dma_start3A_163, %dma_start3A_168] : memref<2x128xi32, #tpu.memory_space<vmem>> -> memref<1x128xi32, #tpu.memory_space<vmem>>
        %dma_start3A_170 = tpu.memref_squeeze %dma_start3A_169 : memref<1x128xi32, #tpu.memory_space<vmem>> -> memref<128xi32, #tpu.memory_space<vmem>>
        %dma_start3A_171 = arith.constant 0 : i32
        %dma_start3A_172 = arith.constant 0 : i32
        %dma_start3A_173 = tpu.memref_slice %arg5[%arg0, %dma_start3A_171, %dma_start3A_172] : memref<2x10000x64xf32, #tpu.memory_space<hbm>> -> memref<1x10000x64xf32, #tpu.memory_space<hbm>>
        %dma_start3A_174 = tpu.memref_squeeze %dma_start3A_173 : memref<1x10000x64xf32, #tpu.memory_space<hbm>> -> memref<10000x64xf32, #tpu.memory_space<hbm>>
        %dma_start3A_175 = arith.constant 0 : i32
        %dma_start3A_176 = arith.constant 0 : i32
        %dma_start3A_177 = tpu.memref_slice %dma_start3A_174[%dma_start3A_175, %dma_start3A_176] : memref<10000x64xf32, #tpu.memory_space<hbm>> -> memref<10000x64xf32, #tpu.memory_space<hbm>>
        %dma_start3A_178 = tpu.memref_slice %arg23[%dma_start3A_164] : memref<2x!tpu.dma_semaphore, #tpu.memory_space<semaphore_mem>> -> memref<1x!tpu.dma_semaphore, #tpu.memory_space<semaphore_mem>>
        %dma_start3A_179 = tpu.memref_squeeze %dma_start3A_178 : memref<1x!tpu.dma_semaphore, #tpu.memory_space<semaphore_mem>> -> memref<!tpu.dma_semaphore, #tpu.memory_space<semaphore_mem>>
        tpu.enqueue_indirect_dma source(%dma_start3A_177 : memref<10000x64xf32, #tpu.memory_space<hbm>>) target(%dma_start3A_167 : memref<128x64xf32, #tpu.memory_space<vmem>>) offsets(%dma_start3A_170 : memref<128xi32, #tpu.memory_space<vmem>>) semaphore(%dma_start3A_179 : memref<!tpu.dma_semaphore, #tpu.memory_space<semaphore_mem>>)
        %dma_start3A_180 = arith.constant 0 : i32
        %dma_start3A_181 = arith.constant 0 : i32
        %dma_start3A_182 = arith.constant 0 : i32
        %dma_start3A_183 = arith.constant 0 : i32
        %dma_start3A_184 = tpu.memref_slice %arg15[%dma_start3A_182, %dma_start3A_183] : memref<256x64xf32, #tpu.memory_space<vmem>> -> memref<128x64xf32, #tpu.memory_space<vmem>>
        %dma_start3A_185 = arith.constant 0 : i32
        %dma_start3A_186 = tpu.memref_slice %arg11[%dma_start3A_180, %dma_start3A_185] : memref<2x128xi32, #tpu.memory_space<vmem>> -> memref<1x128xi32, #tpu.memory_space<vmem>>
        %dma_start3A_187 = tpu.memref_squeeze %dma_start3A_186 : memref<1x128xi32, #tpu.memory_space<vmem>> -> memref<128xi32, #tpu.memory_space<vmem>>
        %dma_start3A_188 = arith.constant 0 : i32
        %dma_start3A_189 = arith.constant 0 : i32
        %dma_start3A_190 = tpu.memref_slice %arg6[%arg0, %dma_start3A_188, %dma_start3A_189] : memref<2x10000x64xf32, #tpu.memory_space<hbm>> -> memref<1x10000x64xf32, #tpu.memory_space<hbm>>
        %dma_start3A_191 = tpu.memref_squeeze %dma_start3A_190 : memref<1x10000x64xf32, #tpu.memory_space<hbm>> -> memref<10000x64xf32, #tpu.memory_space<hbm>>
        %dma_start3A_192 = arith.constant 0 : i32
        %dma_start3A_193 = arith.constant 0 : i32
        %dma_start3A_194 = tpu.memref_slice %dma_start3A_191[%dma_start3A_192, %dma_start3A_193] : memref<10000x64xf32, #tpu.memory_space<hbm>> -> memref<10000x64xf32, #tpu.memory_space<hbm>>
        %dma_start3A_195 = tpu.memref_slice %arg24[%dma_start3A_181] : memref<2x!tpu.dma_semaphore, #tpu.memory_space<semaphore_mem>> -> memref<1x!tpu.dma_semaphore, #tpu.memory_space<semaphore_mem>>
        %dma_start3A_196 = tpu.memref_squeeze %dma_start3A_195 : memref<1x!tpu.dma_semaphore, #tpu.memory_space<semaphore_mem>> -> memref<!tpu.dma_semaphore, #tpu.memory_space<semaphore_mem>>
        tpu.enqueue_indirect_dma source(%dma_start3A_194 : memref<10000x64xf32, #tpu.memory_space<hbm>>) target(%dma_start3A_184 : memref<128x64xf32, #tpu.memory_space<vmem>>) offsets(%dma_start3A_187 : memref<128xi32, #tpu.memory_space<vmem>>) semaphore(%dma_start3A_196 : memref<!tpu.dma_semaphore, #tpu.memory_space<semaphore_mem>>)
        %dma_start3A_197 = arith.constant 0 : i32
        %dma_start3A_198 = arith.constant 0 : i32
        %dma_start3A_199 = arith.constant 0 : i32
        %dma_start3A_200 = arith.constant 0 : i32
        %dma_start3A_201 = tpu.memref_slice %arg16[%dma_start3A_199, %dma_start3A_200] : memref<256x64xf32, #tpu.memory_space<vmem>> -> memref<128x64xf32, #tpu.memory_space<vmem>>
        %dma_start3A_202 = arith.constant 0 : i32
        %dma_start3A_203 = tpu.memref_slice %arg12[%dma_start3A_197, %dma_start3A_202] : memref<2x128xi32, #tpu.memory_space<vmem>> -> memref<1x128xi32, #tpu.memory_space<vmem>>
        %dma_start3A_204 = tpu.memref_squeeze %dma_start3A_203 : memref<1x128xi32, #tpu.memory_space<vmem>> -> memref<128xi32, #tpu.memory_space<vmem>>
        %dma_start3A_205 = arith.constant 0 : i32
        %dma_start3A_206 = arith.constant 0 : i32
        %dma_start3A_207 = tpu.memref_slice %arg7[%arg0, %dma_start3A_205, %dma_start3A_206] : memref<2x10000x64xf32, #tpu.memory_space<hbm>> -> memref<1x10000x64xf32, #tpu.memory_space<hbm>>
        %dma_start3A_208 = tpu.memref_squeeze %dma_start3A_207 : memref<1x10000x64xf32, #tpu.memory_space<hbm>> -> memref<10000x64xf32, #tpu.memory_space<hbm>>
        %dma_start3A_209 = arith.constant 0 : i32
        %dma_start3A_210 = arith.constant 0 : i32
        %dma_start3A_211 = tpu.memref_slice %dma_start3A_208[%dma_start3A_209, %dma_start3A_210] : memref<10000x64xf32, #tpu.memory_space<hbm>> -> memref<10000x64xf32, #tpu.memory_space<hbm>>
        %dma_start3A_212 = tpu.memref_slice %arg24[%dma_start3A_198] : memref<2x!tpu.dma_semaphore, #tpu.memory_space<semaphore_mem>> -> memref<1x!tpu.dma_semaphore, #tpu.memory_space<semaphore_mem>>
        %dma_start3A_213 = tpu.memref_squeeze %dma_start3A_212 : memref<1x!tpu.dma_semaphore, #tpu.memory_space<semaphore_mem>> -> memref<!tpu.dma_semaphore, #tpu.memory_space<semaphore_mem>>
        tpu.enqueue_indirect_dma source(%dma_start3A_211 : memref<10000x64xf32, #tpu.memory_space<hbm>>) target(%dma_start3A_201 : memref<128x64xf32, #tpu.memory_space<vmem>>) offsets(%dma_start3A_204 : memref<128xi32, #tpu.memory_space<vmem>>) semaphore(%dma_start3A_213 : memref<!tpu.dma_semaphore, #tpu.memory_space<semaphore_mem>>)
        %ge3A = arith.constant 1 : i32
        %ge3A_214 = arith.cmpi sge, %mul3A_99, %ge3A : i32
        %convert_element_type3A_215 = arith.extui %ge3A_214 : i1 to i32
        %cond3A_216 = arith.constant 0 : i32
        %cond3A_217 = arith.cmpi ne, %convert_element_type3A_215, %cond3A_216 : i32
        scf.if %cond3A_217 {
          %dma_wait3A_323 = arith.constant 1 : i32
          %dma_wait3A_324 = arith.constant 1 : i32
          %dma_wait3A_325 = arith.constant 128 : i32
          %dma_wait3A_326 = arith.constant 0 : i32
          %dma_wait3A_327 = tpu.memref_slice %arg14[%dma_wait3A_325, %dma_wait3A_326] : memref<256x64xf32, #tpu.memory_space<vmem>> -> memref<128x64xf32, #tpu.memory_space<vmem>>
          %dma_wait3A_328 = arith.constant 0 : i32
          %dma_wait3A_329 = tpu.memref_slice %arg11[%dma_wait3A_323, %dma_wait3A_328] : memref<2x128xi32, #tpu.memory_space<vmem>> -> memref<1x128xi32, #tpu.memory_space<vmem>>
          %dma_wait3A_330 = tpu.memref_squeeze %dma_wait3A_329 : memref<1x128xi32, #tpu.memory_space<vmem>> -> memref<128xi32, #tpu.memory_space<vmem>>
          %dma_wait3A_331 = arith.constant 0 : i32
          %dma_wait3A_332 = arith.constant 0 : i32
          %dma_wait3A_333 = tpu.memref_slice %arg20[%dma_wait3A_331, %dma_wait3A_332] : memref<10000x64xf32, #tpu.memory_space<vmem_shared>> -> memref<10000x64xf32, #tpu.memory_space<vmem_shared>>
          %dma_wait3A_334 = tpu.memref_slice %arg25[%dma_wait3A_324] : memref<2x!tpu.dma_semaphore, #tpu.memory_space<semaphore_mem>> -> memref<1x!tpu.dma_semaphore, #tpu.memory_space<semaphore_mem>>
          %dma_wait3A_335 = tpu.memref_squeeze %dma_wait3A_334 : memref<1x!tpu.dma_semaphore, #tpu.memory_space<semaphore_mem>> -> memref<!tpu.dma_semaphore, #tpu.memory_space<semaphore_mem>>
          tpu.wait_indirect_dma semaphore(%dma_wait3A_335 : memref<!tpu.dma_semaphore, #tpu.memory_space<semaphore_mem>>) src(%dma_wait3A_327 : memref<128x64xf32, #tpu.memory_space<vmem>>) dst(%dma_wait3A_333 : memref<10000x64xf32, #tpu.memory_space<vmem_shared>>)
          %eq3A_336 = arith.constant 0 : i32
          %eq3A_337 = arith.cmpi eq, %arg0, %eq3A_336 : i32
          %convert_element_type3A_338 = arith.extui %eq3A_337 : i1 to i32
          %cond3A_339 = arith.constant 0 : i32
          %cond3A_340 = arith.cmpi ne, %convert_element_type3A_338, %cond3A_339 : i32
          scf.if %cond3A_340 {
            %dma_wait3A_357 = arith.constant 1 : i32
            %dma_wait3A_358 = arith.constant 1 : i32
            %dma_wait3A_359 = arith.constant 0 : i32
            %dma_wait3A_360 = tpu.memref_slice %arg11[%dma_wait3A_357, %dma_wait3A_359] : memref<2x128xi32, #tpu.memory_space<vmem>> -> memref<1x128xi32, #tpu.memory_space<vmem>>
            %dma_wait3A_361 = tpu.memref_squeeze %dma_wait3A_360 : memref<1x128xi32, #tpu.memory_space<vmem>> -> memref<128xi32, #tpu.memory_space<vmem>>
            %dma_wait3A_362 = arith.constant 0 : i32
            %dma_wait3A_363 = arith.constant 0 : i32
            %dma_wait3A_364 = tpu.memref_slice %arg21[%dma_wait3A_362, %dma_wait3A_363] : memref<10000x16xf32, #tpu.memory_space<vmem_shared>> -> memref<10000x16xf32, #tpu.memory_space<vmem_shared>>
            %dma_wait3A_365 = tpu.memref_slice %arg26[%dma_wait3A_358] : memref<2x!tpu.dma_semaphore, #tpu.memory_space<semaphore_mem>> -> memref<1x!tpu.dma_semaphore, #tpu.memory_space<semaphore_mem>>
            %dma_wait3A_366 = tpu.memref_squeeze %dma_wait3A_365 : memref<1x!tpu.dma_semaphore, #tpu.memory_space<semaphore_mem>> -> memref<!tpu.dma_semaphore, #tpu.memory_space<semaphore_mem>>
            tpu.wait_indirect_dma semaphore(%dma_wait3A_366 : memref<!tpu.dma_semaphore, #tpu.memory_space<semaphore_mem>>) src(%arg17 : memref<128x16xf32, #tpu.memory_space<vmem>>) dst(%dma_wait3A_364 : memref<10000x16xf32, #tpu.memory_space<vmem_shared>>)
          } else {
          }
          %sub3A = arith.constant 16 : i32
          %sub3A_341 = arith.subi %add3A_102, %sub3A : i32
          %mul3A_342 = arith.constant 128 : i32
          %mul3A_343 = arith.muli %sub3A_341, %mul3A_342 : i32
          %mul3A_344 = arith.constant 64 : i32
          %mul3A_345 = arith.muli %arg0, %mul3A_344 : i32
          %dma_wait3A_346 = arith.constant 1 : i32
          %dma_wait3A_347 = arith.constant 128 : i32
          %dma_wait3A_348 = arith.constant 0 : i32
          %dma_wait3A_349 = tpu.memref_slice %arg15[%dma_wait3A_347, %dma_wait3A_348] : memref<256x64xf32, #tpu.memory_space<vmem>> -> memref<128x64xf32, #tpu.memory_space<vmem>>
          %dma_wait3A_350 = tpu.memref_slice %arg10[%mul3A_343, %mul3A_345] : memref<320000x128xf32, #tpu.memory_space<hbm>> -> memref<128x64xf32, #tpu.memory_space<hbm>>
          %dma_wait3A_351 = tpu.memref_slice %arg27[%dma_wait3A_346] : memref<2x!tpu.dma_semaphore, #tpu.memory_space<semaphore_mem>> -> memref<1x!tpu.dma_semaphore, #tpu.memory_space<semaphore_mem>>
          %dma_wait3A_352 = tpu.memref_squeeze %dma_wait3A_351 : memref<1x!tpu.dma_semaphore, #tpu.memory_space<semaphore_mem>> -> memref<!tpu.dma_semaphore, #tpu.memory_space<semaphore_mem>>
          %dma_wait3A_353 = tpu.memref_slice %arg10[%mul3A_343, %mul3A_345] : memref<320000x128xf32, #tpu.memory_space<hbm>> -> memref<128x64xf32, #tpu.memory_space<hbm>>
          %dma_wait3A_354 = arith.constant 128 : i32
          %dma_wait3A_355 = arith.constant 0 : i32
          %dma_wait3A_356 = tpu.memref_slice %arg15[%dma_wait3A_354, %dma_wait3A_355] : memref<256x64xf32, #tpu.memory_space<vmem>> -> memref<128x64xf32, #tpu.memory_space<vmem>>
          tpu.wait_dma2 semaphore(%dma_wait3A_352 : memref<!tpu.dma_semaphore, #tpu.memory_space<semaphore_mem>>) src(%dma_wait3A_356 : memref<128x64xf32, #tpu.memory_space<vmem>>) dst(%dma_wait3A_353 : memref<128x64xf32, #tpu.memory_space<hbm>>)
        } else {
        }
        %add3A_218 = arith.constant 16 : i32
        %add3A_219 = arith.addi %add3A_102, %add3A_218 : i32
        %lt3A_220 = arith.constant 2500 : i32
        %lt3A_221 = arith.cmpi slt, %add3A_219, %lt3A_220 : i32
        %convert_element_type3A_222 = arith.extui %lt3A_221 : i1 to i32
        %cond3A_223 = arith.constant 0 : i32
        %cond3A_224 = arith.cmpi ne, %convert_element_type3A_222, %cond3A_223 : i32
        scf.if %cond3A_224 {
          %add3A_323 = arith.constant 16 : i32
          %add3A_324 = arith.addi %add3A_102, %add3A_323 : i32
          %mul3A_325 = arith.constant 128 : i32
          %mul3A_326 = arith.muli %add3A_324, %mul3A_325 : i32
          %dma_start3A_327 = arith.constant 1 : i32
          %dma_start3A_328 = arith.constant 1 : i32
          %dma_start3A_329 = arith.constant 0 : i32
          %dma_start3A_330 = tpu.memref_slice %arg11[%dma_start3A_327, %dma_start3A_329] : memref<2x128xi32, #tpu.memory_space<vmem>> -> memref<1x128xi32, #tpu.memory_space<vmem>>
          %dma_start3A_331 = tpu.memref_squeeze %dma_start3A_330 : memref<1x128xi32, #tpu.memory_space<vmem>> -> memref<128xi32, #tpu.memory_space<vmem>>
          %dma_start3A_332 = tpu.memref_slice %arg2[%mul3A_326] : memref<320000xi32, #tpu.memory_space<hbm>> -> memref<128xi32, #tpu.memory_space<hbm>>
          %dma_start3A_333 = tpu.memref_slice %arg22[%dma_start3A_328] : memref<2x!tpu.dma_semaphore, #tpu.memory_space<semaphore_mem>> -> memref<1x!tpu.dma_semaphore, #tpu.memory_space<semaphore_mem>>
          %dma_start3A_334 = tpu.memref_squeeze %dma_start3A_333 : memref<1x!tpu.dma_semaphore, #tpu.memory_space<semaphore_mem>> -> memref<!tpu.dma_semaphore, #tpu.memory_space<semaphore_mem>>
          %dma_start3A_335 = arith.constant 0 : i32
          %dma_start3A_336 = tpu.memref_slice %arg11[%dma_start3A_327, %dma_start3A_335] : memref<2x128xi32, #tpu.memory_space<vmem>> -> memref<1x128xi32, #tpu.memory_space<vmem>>
          %dma_start3A_337 = tpu.memref_squeeze %dma_start3A_336 : memref<1x128xi32, #tpu.memory_space<vmem>> -> memref<128xi32, #tpu.memory_space<vmem>>
          %dma_start3A_338 = tpu.memref_slice %arg2[%mul3A_326] : memref<320000xi32, #tpu.memory_space<hbm>> -> memref<128xi32, #tpu.memory_space<hbm>>
          tpu.enqueue_dma source(%dma_start3A_338 : memref<128xi32, #tpu.memory_space<hbm>>) target(%dma_start3A_337 : memref<128xi32, #tpu.memory_space<vmem>>) target_semaphore(%dma_start3A_334 : memref<!tpu.dma_semaphore, #tpu.memory_space<semaphore_mem>>)
          %add3A_339 = arith.constant 16 : i32
          %add3A_340 = arith.addi %add3A_102, %add3A_339 : i32
          %mul3A_341 = arith.constant 128 : i32
          %mul3A_342 = arith.muli %add3A_340, %mul3A_341 : i32
          %dma_start3A_343 = arith.constant 1 : i32
          %dma_start3A_344 = arith.constant 1 : i32
          %dma_start3A_345 = arith.constant 0 : i32
          %dma_start3A_346 = tpu.memref_slice %arg12[%dma_start3A_343, %dma_start3A_345] : memref<2x128xi32, #tpu.memory_space<vmem>> -> memref<1x128xi32, #tpu.memory_space<vmem>>
          %dma_start3A_347 = tpu.memref_squeeze %dma_start3A_346 : memref<1x128xi32, #tpu.memory_space<vmem>> -> memref<128xi32, #tpu.memory_space<vmem>>
          %dma_start3A_348 = tpu.memref_slice %arg3[%mul3A_342] : memref<320000xi32, #tpu.memory_space<hbm>> -> memref<128xi32, #tpu.memory_space<hbm>>
          %dma_start3A_349 = tpu.memref_slice %arg22[%dma_start3A_344] : memref<2x!tpu.dma_semaphore, #tpu.memory_space<semaphore_mem>> -> memref<1x!tpu.dma_semaphore, #tpu.memory_space<semaphore_mem>>
          %dma_start3A_350 = tpu.memref_squeeze %dma_start3A_349 : memref<1x!tpu.dma_semaphore, #tpu.memory_space<semaphore_mem>> -> memref<!tpu.dma_semaphore, #tpu.memory_space<semaphore_mem>>
          %dma_start3A_351 = arith.constant 0 : i32
          %dma_start3A_352 = tpu.memref_slice %arg12[%dma_start3A_343, %dma_start3A_351] : memref<2x128xi32, #tpu.memory_space<vmem>> -> memref<1x128xi32, #tpu.memory_space<vmem>>
          %dma_start3A_353 = tpu.memref_squeeze %dma_start3A_352 : memref<1x128xi32, #tpu.memory_space<vmem>> -> memref<128xi32, #tpu.memory_space<vmem>>
          %dma_start3A_354 = tpu.memref_slice %arg3[%mul3A_342] : memref<320000xi32, #tpu.memory_space<hbm>> -> memref<128xi32, #tpu.memory_space<hbm>>
          tpu.enqueue_dma source(%dma_start3A_354 : memref<128xi32, #tpu.memory_space<hbm>>) target(%dma_start3A_353 : memref<128xi32, #tpu.memory_space<vmem>>) target_semaphore(%dma_start3A_350 : memref<!tpu.dma_semaphore, #tpu.memory_space<semaphore_mem>>)
          %add3A_355 = arith.constant 16 : i32
          %add3A_356 = arith.addi %add3A_102, %add3A_355 : i32
          %mul3A_357 = arith.constant 128 : i32
          %mul3A_358 = arith.muli %add3A_356, %mul3A_357 : i32
          %mul3A_359 = arith.constant 64 : i32
          %mul3A_360 = arith.muli %arg0, %mul3A_359 : i32
          %dma_start3A_361 = arith.constant 1 : i32
          %dma_start3A_362 = arith.constant 128 : i32
          %dma_start3A_363 = arith.constant 0 : i32
          %dma_start3A_364 = tpu.memref_slice %arg13[%dma_start3A_362, %dma_start3A_363] : memref<256x64xf32, #tpu.memory_space<vmem>> -> memref<128x64xf32, #tpu.memory_space<vmem>>
          %dma_start3A_365 = tpu.memref_slice %arg4[%mul3A_358, %mul3A_360] : memref<320000x128xf32, #tpu.memory_space<hbm>> -> memref<128x64xf32, #tpu.memory_space<hbm>>
          %dma_start3A_366 = tpu.memref_slice %arg22[%dma_start3A_361] : memref<2x!tpu.dma_semaphore, #tpu.memory_space<semaphore_mem>> -> memref<1x!tpu.dma_semaphore, #tpu.memory_space<semaphore_mem>>
          %dma_start3A_367 = tpu.memref_squeeze %dma_start3A_366 : memref<1x!tpu.dma_semaphore, #tpu.memory_space<semaphore_mem>> -> memref<!tpu.dma_semaphore, #tpu.memory_space<semaphore_mem>>
          %dma_start3A_368 = arith.constant 128 : i32
          %dma_start3A_369 = arith.constant 0 : i32
          %dma_start3A_370 = tpu.memref_slice %arg13[%dma_start3A_368, %dma_start3A_369] : memref<256x64xf32, #tpu.memory_space<vmem>> -> memref<128x64xf32, #tpu.memory_space<vmem>>
          %dma_start3A_371 = tpu.memref_slice %arg4[%mul3A_358, %mul3A_360] : memref<320000x128xf32, #tpu.memory_space<hbm>> -> memref<128x64xf32, #tpu.memory_space<hbm>>
          tpu.enqueue_dma source(%dma_start3A_371 : memref<128x64xf32, #tpu.memory_space<hbm>>) target(%dma_start3A_370 : memref<128x64xf32, #tpu.memory_space<vmem>>) target_semaphore(%dma_start3A_367 : memref<!tpu.dma_semaphore, #tpu.memory_space<semaphore_mem>>)
        } else {
        }
        %dma_wait3A_225 = arith.constant 0 : i32
        %dma_wait3A_226 = arith.constant 0 : i32
        %dma_wait3A_227 = arith.constant 0 : i32
        %dma_wait3A_228 = arith.constant 0 : i32
        %dma_wait3A_229 = tpu.memref_slice %arg14[%dma_wait3A_227, %dma_wait3A_228] : memref<256x64xf32, #tpu.memory_space<vmem>> -> memref<128x64xf32, #tpu.memory_space<vmem>>
        %dma_wait3A_230 = arith.constant 0 : i32
        %dma_wait3A_231 = tpu.memref_slice %arg12[%dma_wait3A_225, %dma_wait3A_230] : memref<2x128xi32, #tpu.memory_space<vmem>> -> memref<1x128xi32, #tpu.memory_space<vmem>>
        %dma_wait3A_232 = tpu.memref_squeeze %dma_wait3A_231 : memref<1x128xi32, #tpu.memory_space<vmem>> -> memref<128xi32, #tpu.memory_space<vmem>>
        %dma_wait3A_233 = arith.constant 0 : i32
        %dma_wait3A_234 = arith.constant 0 : i32
        %dma_wait3A_235 = tpu.memref_slice %arg5[%arg0, %dma_wait3A_233, %dma_wait3A_234] : memref<2x10000x64xf32, #tpu.memory_space<hbm>> -> memref<1x10000x64xf32, #tpu.memory_space<hbm>>
        %dma_wait3A_236 = tpu.memref_squeeze %dma_wait3A_235 : memref<1x10000x64xf32, #tpu.memory_space<hbm>> -> memref<10000x64xf32, #tpu.memory_space<hbm>>
        %dma_wait3A_237 = arith.constant 0 : i32
        %dma_wait3A_238 = arith.constant 0 : i32
        %dma_wait3A_239 = tpu.memref_slice %dma_wait3A_236[%dma_wait3A_237, %dma_wait3A_238] : memref<10000x64xf32, #tpu.memory_space<hbm>> -> memref<10000x64xf32, #tpu.memory_space<hbm>>
        %dma_wait3A_240 = tpu.memref_slice %arg23[%dma_wait3A_226] : memref<2x!tpu.dma_semaphore, #tpu.memory_space<semaphore_mem>> -> memref<1x!tpu.dma_semaphore, #tpu.memory_space<semaphore_mem>>
        %dma_wait3A_241 = tpu.memref_squeeze %dma_wait3A_240 : memref<1x!tpu.dma_semaphore, #tpu.memory_space<semaphore_mem>> -> memref<!tpu.dma_semaphore, #tpu.memory_space<semaphore_mem>>
        tpu.wait_indirect_dma semaphore(%dma_wait3A_241 : memref<!tpu.dma_semaphore, #tpu.memory_space<semaphore_mem>>) src(%dma_wait3A_239 : memref<10000x64xf32, #tpu.memory_space<hbm>>) dst(%dma_wait3A_229 : memref<128x64xf32, #tpu.memory_space<vmem>>)
        %scan3A_242 = arith.constant 0 : i32
        %scan3A_243 = arith.constant 0 : i32
        %scan3A_244 = arith.constant 128 : i32
        %scan3A_245 = arith.addi %scan3A_243, %scan3A_244 : i32
        %scan3A_246 = arith.constant 1 : i32
        %scan3A_247 = scf.for %scan3A_323 = %scan3A_243 to %scan3A_245 step %scan3A_246 iter_args(%scan3A_324 = %scan3A_242) -> (i32)  : i32 {
          %add3A_325 = arith.constant 0 : i32
          %add3A_326 = arith.addi %add3A_325, %scan3A_323 : i32
          %get3A = arith.index_cast %add3A_326 : i32 to index
          %get3A_327 = arith.constant 0 : index
          %get3A_328 = tpu.vector_load %arg14[%get3A, %get3A_327] {strides = array<i32>} : memref<256x64xf32, #tpu.memory_space<vmem>>, vector<1x16xf32>,
          %get3A_329 = vector.shape_cast %get3A_328 : vector<1x16xf32> to vector<16xf32>
          %add3A_330 = arith.constant 0 : i32
          %add3A_331 = arith.addi %add3A_330, %scan3A_323 : i32
          %get3A_332 = arith.index_cast %add3A_331 : i32 to index
          %get3A_333 = arith.constant 0 : index
          %get3A_334 = tpu.vector_load %arg13[%get3A_332, %get3A_333] {strides = array<i32>} : memref<256x64xf32, #tpu.memory_space<vmem>>, vector<1x16xf32>,
          %get3A_335 = vector.shape_cast %get3A_334 : vector<1x16xf32> to vector<16xf32>
          %neg3A = arith.constant 0.000000e+00 : f32
          %neg3A_336 = vector.broadcast %neg3A : f32 to vector<16xf32>
          %neg3A_337 = arith.subf %neg3A_336, %get3A_335 : vector<16xf32>
          %exp3A = math.exp %neg3A_337 : vector<16xf32>
          %add3A_338 = arith.constant 1.000000e+00 : f32
          %add3A_339 = vector.broadcast %add3A_338 : f32 to vector<16xf32>
          %add3A_340 = arith.addf %add3A_339, %exp3A : vector<16xf32>
          %div3A = arith.constant 1.000000e+00 : f32
          %div3A_341 = vector.broadcast %div3A : f32 to vector<16xf32>
          %div3A_342 = arith.divf %div3A_341, %add3A_340 : vector<16xf32>
          %mul3A_343 = arith.mulf %get3A_329, %div3A_342 : vector<16xf32>
          %add3A_344 = arith.constant 0 : i32
          %add3A_345 = arith.addi %add3A_344, %scan3A_323 : i32
          %swap3A = arith.index_cast %add3A_345 : i32 to index
          %swap3A_346 = arith.constant 0 : index
          %swap3A_347 = tpu.vector_load %arg14[%swap3A, %swap3A_346] {strides = array<i32>} : memref<256x64xf32, #tpu.memory_space<vmem>>, vector<1x16xf32>,
          %swap3A_348 = vector.shape_cast %swap3A_347 : vector<1x16xf32> to vector<16xf32>
          %swap3A_349 = vector.shape_cast %mul3A_343 : vector<16xf32> to vector<1x16xf32>
          tpu.vector_store %arg14[%swap3A, %swap3A_346], %swap3A_349 {strides = array<i32>} : memref<256x64xf32, #tpu.memory_space<vmem>>, vector<1x16xf32>,
          %add3A_350 = arith.constant 0 : i32
          %add3A_351 = arith.addi %add3A_350, %scan3A_323 : i32
          %get3A_352 = arith.index_cast %add3A_351 : i32 to index
          %get3A_353 = arith.constant 16 : index
          %get3A_354 = tpu.vector_load %arg14[%get3A_352, %get3A_353] {strides = array<i32>} : memref<256x64xf32, #tpu.memory_space<vmem>>, vector<1x16xf32>,
          %get3A_355 = vector.shape_cast %get3A_354 : vector<1x16xf32> to vector<16xf32>
          %add3A_356 = arith.constant 0 : i32
          %add3A_357 = arith.addi %add3A_356, %scan3A_323 : i32
          %get3A_358 = arith.index_cast %add3A_357 : i32 to index
          %get3A_359 = arith.constant 16 : index
          %get3A_360 = tpu.vector_load %arg13[%get3A_358, %get3A_359] {strides = array<i32>} : memref<256x64xf32, #tpu.memory_space<vmem>>, vector<1x16xf32>,
          %get3A_361 = vector.shape_cast %get3A_360 : vector<1x16xf32> to vector<16xf32>
          %neg3A_362 = arith.constant 0.000000e+00 : f32
          %neg3A_363 = vector.broadcast %neg3A_362 : f32 to vector<16xf32>
          %neg3A_364 = arith.subf %neg3A_363, %get3A_361 : vector<16xf32>
          %exp3A_365 = math.exp %neg3A_364 : vector<16xf32>
          %add3A_366 = arith.constant 1.000000e+00 : f32
          %add3A_367 = vector.broadcast %add3A_366 : f32 to vector<16xf32>
          %add3A_368 = arith.addf %add3A_367, %exp3A_365 : vector<16xf32>
          %div3A_369 = arith.constant 1.000000e+00 : f32
          %div3A_370 = vector.broadcast %div3A_369 : f32 to vector<16xf32>
          %div3A_371 = arith.divf %div3A_370, %add3A_368 : vector<16xf32>
          %mul3A_372 = arith.mulf %get3A_355, %div3A_371 : vector<16xf32>
          %add3A_373 = arith.constant 0 : i32
          %add3A_374 = arith.addi %add3A_373, %scan3A_323 : i32
          %swap3A_375 = arith.index_cast %add3A_374 : i32 to index
          %swap3A_376 = arith.constant 16 : index
          %swap3A_377 = tpu.vector_load %arg14[%swap3A_375, %swap3A_376] {strides = array<i32>} : memref<256x64xf32, #tpu.memory_space<vmem>>, vector<1x16xf32>,
          %swap3A_378 = vector.shape_cast %swap3A_377 : vector<1x16xf32> to vector<16xf32>
          %swap3A_379 = vector.shape_cast %mul3A_372 : vector<16xf32> to vector<1x16xf32>
          tpu.vector_store %arg14[%swap3A_375, %swap3A_376], %swap3A_379 {strides = array<i32>} : memref<256x64xf32, #tpu.memory_space<vmem>>, vector<1x16xf32>,
          %add3A_380 = arith.constant 0 : i32
          %add3A_381 = arith.addi %add3A_380, %scan3A_323 : i32
          %get3A_382 = arith.index_cast %add3A_381 : i32 to index
          %get3A_383 = arith.constant 32 : index
          %get3A_384 = tpu.vector_load %arg14[%get3A_382, %get3A_383] {strides = array<i32>} : memref<256x64xf32, #tpu.memory_space<vmem>>, vector<1x16xf32>,
          %get3A_385 = vector.shape_cast %get3A_384 : vector<1x16xf32> to vector<16xf32>
          %add3A_386 = arith.constant 0 : i32
          %add3A_387 = arith.addi %add3A_386, %scan3A_323 : i32
          %get3A_388 = arith.index_cast %add3A_387 : i32 to index
          %get3A_389 = arith.constant 32 : index
          %get3A_390 = tpu.vector_load %arg13[%get3A_388, %get3A_389] {strides = array<i32>} : memref<256x64xf32, #tpu.memory_space<vmem>>, vector<1x16xf32>,
          %get3A_391 = vector.shape_cast %get3A_390 : vector<1x16xf32> to vector<16xf32>
          %neg3A_392 = arith.constant 0.000000e+00 : f32
          %neg3A_393 = vector.broadcast %neg3A_392 : f32 to vector<16xf32>
          %neg3A_394 = arith.subf %neg3A_393, %get3A_391 : vector<16xf32>
          %exp3A_395 = math.exp %neg3A_394 : vector<16xf32>
          %add3A_396 = arith.constant 1.000000e+00 : f32
          %add3A_397 = vector.broadcast %add3A_396 : f32 to vector<16xf32>
          %add3A_398 = arith.addf %add3A_397, %exp3A_395 : vector<16xf32>
          %div3A_399 = arith.constant 1.000000e+00 : f32
          %div3A_400 = vector.broadcast %div3A_399 : f32 to vector<16xf32>
          %div3A_401 = arith.divf %div3A_400, %add3A_398 : vector<16xf32>
          %mul3A_402 = arith.mulf %get3A_385, %div3A_401 : vector<16xf32>
          %add3A_403 = arith.constant 0 : i32
          %add3A_404 = arith.addi %add3A_403, %scan3A_323 : i32
          %swap3A_405 = arith.index_cast %add3A_404 : i32 to index
          %swap3A_406 = arith.constant 32 : index
          %swap3A_407 = tpu.vector_load %arg14[%swap3A_405, %swap3A_406] {strides = array<i32>} : memref<256x64xf32, #tpu.memory_space<vmem>>, vector<1x16xf32>,
          %swap3A_408 = vector.shape_cast %swap3A_407 : vector<1x16xf32> to vector<16xf32>
          %swap3A_409 = vector.shape_cast %mul3A_402 : vector<16xf32> to vector<1x16xf32>
          tpu.vector_store %arg14[%swap3A_405, %swap3A_406], %swap3A_409 {strides = array<i32>} : memref<256x64xf32, #tpu.memory_space<vmem>>, vector<1x16xf32>,
          %add3A_410 = arith.constant 0 : i32
          %add3A_411 = arith.addi %add3A_410, %scan3A_323 : i32
          %get3A_412 = arith.index_cast %add3A_411 : i32 to index
          %get3A_413 = arith.constant 48 : index
          %get3A_414 = tpu.vector_load %arg14[%get3A_412, %get3A_413] {strides = array<i32>} : memref<256x64xf32, #tpu.memory_space<vmem>>, vector<1x16xf32>,
          %get3A_415 = vector.shape_cast %get3A_414 : vector<1x16xf32> to vector<16xf32>
          %add3A_416 = arith.constant 0 : i32
          %add3A_417 = arith.addi %add3A_416, %scan3A_323 : i32
          %get3A_418 = arith.index_cast %add3A_417 : i32 to index
          %get3A_419 = arith.constant 48 : index
          %get3A_420 = tpu.vector_load %arg13[%get3A_418, %get3A_419] {strides = array<i32>} : memref<256x64xf32, #tpu.memory_space<vmem>>, vector<1x16xf32>,
          %get3A_421 = vector.shape_cast %get3A_420 : vector<1x16xf32> to vector<16xf32>
          %neg3A_422 = arith.constant 0.000000e+00 : f32
          %neg3A_423 = vector.broadcast %neg3A_422 : f32 to vector<16xf32>
          %neg3A_424 = arith.subf %neg3A_423, %get3A_421 : vector<16xf32>
          %exp3A_425 = math.exp %neg3A_424 : vector<16xf32>
          %add3A_426 = arith.constant 1.000000e+00 : f32
          %add3A_427 = vector.broadcast %add3A_426 : f32 to vector<16xf32>
          %add3A_428 = arith.addf %add3A_427, %exp3A_425 : vector<16xf32>
          %div3A_429 = arith.constant 1.000000e+00 : f32
          %div3A_430 = vector.broadcast %div3A_429 : f32 to vector<16xf32>
          %div3A_431 = arith.divf %div3A_430, %add3A_428 : vector<16xf32>
          %mul3A_432 = arith.mulf %get3A_415, %div3A_431 : vector<16xf32>
          %add3A_433 = arith.constant 0 : i32
          %add3A_434 = arith.addi %add3A_433, %scan3A_323 : i32
          %swap3A_435 = arith.index_cast %add3A_434 : i32 to index
          %swap3A_436 = arith.constant 48 : index
          %swap3A_437 = tpu.vector_load %arg14[%swap3A_435, %swap3A_436] {strides = array<i32>} : memref<256x64xf32, #tpu.memory_space<vmem>>, vector<1x16xf32>,
          %swap3A_438 = vector.shape_cast %swap3A_437 : vector<1x16xf32> to vector<16xf32>
          %swap3A_439 = vector.shape_cast %mul3A_432 : vector<16xf32> to vector<1x16xf32>
          tpu.vector_store %arg14[%swap3A_435, %swap3A_436], %swap3A_439 {strides = array<i32>} : memref<256x64xf32, #tpu.memory_space<vmem>>, vector<1x16xf32>,
          %scan3A_440 = arith.constant 0 : i32
          scf.yield %scan3A_440 : i32
        }
        %scan3A_248 = arith.constant 128 : i32
        %dma_start3A_249 = arith.constant 0 : i32
        %dma_start3A_250 = arith.constant 0 : i32
        %dma_start3A_251 = arith.constant 0 : i32
        %dma_start3A_252 = arith.constant 0 : i32
        %dma_start3A_253 = tpu.memref_slice %arg14[%dma_start3A_251, %dma_start3A_252] : memref<256x64xf32, #tpu.memory_space<vmem>> -> memref<128x64xf32, #tpu.memory_space<vmem>>
        %dma_start3A_254 = arith.constant 0 : i32
        %dma_start3A_255 = tpu.memref_slice %arg11[%dma_start3A_249, %dma_start3A_254] : memref<2x128xi32, #tpu.memory_space<vmem>> -> memref<1x128xi32, #tpu.memory_space<vmem>>
        %dma_start3A_256 = tpu.memref_squeeze %dma_start3A_255 : memref<1x128xi32, #tpu.memory_space<vmem>> -> memref<128xi32, #tpu.memory_space<vmem>>
        %dma_start3A_257 = arith.constant 0 : i32
        %dma_start3A_258 = arith.constant 0 : i32
        %dma_start3A_259 = tpu.memref_slice %arg20[%dma_start3A_257, %dma_start3A_258] : memref<10000x64xf32, #tpu.memory_space<vmem_shared>> -> memref<10000x64xf32, #tpu.memory_space<vmem_shared>>
        %dma_start3A_260 = tpu.memref_slice %arg25[%dma_start3A_250] : memref<2x!tpu.dma_semaphore, #tpu.memory_space<semaphore_mem>> -> memref<1x!tpu.dma_semaphore, #tpu.memory_space<semaphore_mem>>
        %dma_start3A_261 = tpu.memref_squeeze %dma_start3A_260 : memref<1x!tpu.dma_semaphore, #tpu.memory_space<semaphore_mem>> -> memref<!tpu.dma_semaphore, #tpu.memory_space<semaphore_mem>>
        tpu.enqueue_indirect_dma source(%dma_start3A_253 : memref<128x64xf32, #tpu.memory_space<vmem>>) target(%dma_start3A_259 : memref<10000x64xf32, #tpu.memory_space<vmem_shared>>) offsets(%dma_start3A_256 : memref<128xi32, #tpu.memory_space<vmem>>) semaphore(%dma_start3A_261 : memref<!tpu.dma_semaphore, #tpu.memory_space<semaphore_mem>>) {add = true}
        %eq3A_262 = arith.constant 0 : i32
        %eq3A_263 = arith.cmpi eq, %arg0, %eq3A_262 : i32
        %convert_element_type3A_264 = arith.extui %eq3A_263 : i1 to i32
        %cond3A_265 = arith.constant 0 : i32
        %cond3A_266 = arith.cmpi ne, %convert_element_type3A_264, %cond3A_265 : i32
        scf.if %cond3A_266 {
          %dma_start3A_323 = arith.constant 0 : i32
          %dma_start3A_324 = arith.constant 0 : i32
          %dma_start3A_325 = arith.constant 0 : i32
          %dma_start3A_326 = tpu.memref_slice %arg11[%dma_start3A_323, %dma_start3A_325] : memref<2x128xi32, #tpu.memory_space<vmem>> -> memref<1x128xi32, #tpu.memory_space<vmem>>
          %dma_start3A_327 = tpu.memref_squeeze %dma_start3A_326 : memref<1x128xi32, #tpu.memory_space<vmem>> -> memref<128xi32, #tpu.memory_space<vmem>>
          %dma_start3A_328 = arith.constant 0 : i32
          %dma_start3A_329 = arith.constant 0 : i32
          %dma_start3A_330 = tpu.memref_slice %arg21[%dma_start3A_328, %dma_start3A_329] : memref<10000x16xf32, #tpu.memory_space<vmem_shared>> -> memref<10000x16xf32, #tpu.memory_space<vmem_shared>>
          %dma_start3A_331 = tpu.memref_slice %arg26[%dma_start3A_324] : memref<2x!tpu.dma_semaphore, #tpu.memory_space<semaphore_mem>> -> memref<1x!tpu.dma_semaphore, #tpu.memory_space<semaphore_mem>>
          %dma_start3A_332 = tpu.memref_squeeze %dma_start3A_331 : memref<1x!tpu.dma_semaphore, #tpu.memory_space<semaphore_mem>> -> memref<!tpu.dma_semaphore, #tpu.memory_space<semaphore_mem>>
          tpu.enqueue_indirect_dma source(%arg17 : memref<128x16xf32, #tpu.memory_space<vmem>>) target(%dma_start3A_330 : memref<10000x16xf32, #tpu.memory_space<vmem_shared>>) offsets(%dma_start3A_327 : memref<128xi32, #tpu.memory_space<vmem>>) semaphore(%dma_start3A_332 : memref<!tpu.dma_semaphore, #tpu.memory_space<semaphore_mem>>) {add = true}
        } else {
        }
        %dma_wait3A_267 = arith.constant 0 : i32
        %dma_wait3A_268 = arith.constant 0 : i32
        %dma_wait3A_269 = arith.constant 0 : i32
        %dma_wait3A_270 = arith.constant 0 : i32
        %dma_wait3A_271 = tpu.memref_slice %arg15[%dma_wait3A_269, %dma_wait3A_270] : memref<256x64xf32, #tpu.memory_space<vmem>> -> memref<128x64xf32, #tpu.memory_space<vmem>>
        %dma_wait3A_272 = arith.constant 0 : i32
        %dma_wait3A_273 = tpu.memref_slice %arg11[%dma_wait3A_267, %dma_wait3A_272] : memref<2x128xi32, #tpu.memory_space<vmem>> -> memref<1x128xi32, #tpu.memory_space<vmem>>
        %dma_wait3A_274 = tpu.memref_squeeze %dma_wait3A_273 : memref<1x128xi32, #tpu.memory_space<vmem>> -> memref<128xi32, #tpu.memory_space<vmem>>
        %dma_wait3A_275 = arith.constant 0 : i32
        %dma_wait3A_276 = arith.constant 0 : i32
        %dma_wait3A_277 = tpu.memref_slice %arg6[%arg0, %dma_wait3A_275, %dma_wait3A_276] : memref<2x10000x64xf32, #tpu.memory_space<hbm>> -> memref<1x10000x64xf32, #tpu.memory_space<hbm>>
        %dma_wait3A_278 = tpu.memref_squeeze %dma_wait3A_277 : memref<1x10000x64xf32, #tpu.memory_space<hbm>> -> memref<10000x64xf32, #tpu.memory_space<hbm>>
        %dma_wait3A_279 = arith.constant 0 : i32
        %dma_wait3A_280 = arith.constant 0 : i32
        %dma_wait3A_281 = tpu.memref_slice %dma_wait3A_278[%dma_wait3A_279, %dma_wait3A_280] : memref<10000x64xf32, #tpu.memory_space<hbm>> -> memref<10000x64xf32, #tpu.memory_space<hbm>>
        %dma_wait3A_282 = tpu.memref_slice %arg24[%dma_wait3A_268] : memref<2x!tpu.dma_semaphore, #tpu.memory_space<semaphore_mem>> -> memref<1x!tpu.dma_semaphore, #tpu.memory_space<semaphore_mem>>
        %dma_wait3A_283 = tpu.memref_squeeze %dma_wait3A_282 : memref<1x!tpu.dma_semaphore, #tpu.memory_space<semaphore_mem>> -> memref<!tpu.dma_semaphore, #tpu.memory_space<semaphore_mem>>
        tpu.wait_indirect_dma semaphore(%dma_wait3A_283 : memref<!tpu.dma_semaphore, #tpu.memory_space<semaphore_mem>>) src(%dma_wait3A_281 : memref<10000x64xf32, #tpu.memory_space<hbm>>) dst(%dma_wait3A_271 : memref<128x64xf32, #tpu.memory_space<vmem>>)
        %dma_wait3A_284 = arith.constant 0 : i32
        %dma_wait3A_285 = arith.constant 0 : i32
        %dma_wait3A_286 = arith.constant 0 : i32
        %dma_wait3A_287 = arith.constant 0 : i32
        %dma_wait3A_288 = tpu.memref_slice %arg16[%dma_wait3A_286, %dma_wait3A_287] : memref<256x64xf32, #tpu.memory_space<vmem>> -> memref<128x64xf32, #tpu.memory_space<vmem>>
        %dma_wait3A_289 = arith.constant 0 : i32
        %dma_wait3A_290 = tpu.memref_slice %arg12[%dma_wait3A_284, %dma_wait3A_289] : memref<2x128xi32, #tpu.memory_space<vmem>> -> memref<1x128xi32, #tpu.memory_space<vmem>>
        %dma_wait3A_291 = tpu.memref_squeeze %dma_wait3A_290 : memref<1x128xi32, #tpu.memory_space<vmem>> -> memref<128xi32, #tpu.memory_space<vmem>>
        %dma_wait3A_292 = arith.constant 0 : i32
        %dma_wait3A_293 = arith.constant 0 : i32
        %dma_wait3A_294 = tpu.memref_slice %arg7[%arg0, %dma_wait3A_292, %dma_wait3A_293] : memref<2x10000x64xf32, #tpu.memory_space<hbm>> -> memref<1x10000x64xf32, #tpu.memory_space<hbm>>
        %dma_wait3A_295 = tpu.memref_squeeze %dma_wait3A_294 : memref<1x10000x64xf32, #tpu.memory_space<hbm>> -> memref<10000x64xf32, #tpu.memory_space<hbm>>
        %dma_wait3A_296 = arith.constant 0 : i32
        %dma_wait3A_297 = arith.constant 0 : i32
        %dma_wait3A_298 = tpu.memref_slice %dma_wait3A_295[%dma_wait3A_296, %dma_wait3A_297] : memref<10000x64xf32, #tpu.memory_space<hbm>> -> memref<10000x64xf32, #tpu.memory_space<hbm>>
        %dma_wait3A_299 = tpu.memref_slice %arg24[%dma_wait3A_285] : memref<2x!tpu.dma_semaphore, #tpu.memory_space<semaphore_mem>> -> memref<1x!tpu.dma_semaphore, #tpu.memory_space<semaphore_mem>>
        %dma_wait3A_300 = tpu.memref_squeeze %dma_wait3A_299 : memref<1x!tpu.dma_semaphore, #tpu.memory_space<semaphore_mem>> -> memref<!tpu.dma_semaphore, #tpu.memory_space<semaphore_mem>>
        tpu.wait_indirect_dma semaphore(%dma_wait3A_300 : memref<!tpu.dma_semaphore, #tpu.memory_space<semaphore_mem>>) src(%dma_wait3A_298 : memref<10000x64xf32, #tpu.memory_space<hbm>>) dst(%dma_wait3A_288 : memref<128x64xf32, #tpu.memory_space<vmem>>)
        %scan3A_301 = arith.constant 0 : i32
        %scan3A_302 = arith.constant 0 : i32
        %scan3A_303 = arith.constant 128 : i32
        %scan3A_304 = arith.addi %scan3A_302, %scan3A_303 : i32
        %scan3A_305 = arith.constant 1 : i32
        %scan3A_306 = scf.for %scan3A_323 = %scan3A_302 to %scan3A_304 step %scan3A_305 iter_args(%scan3A_324 = %scan3A_301) -> (i32)  : i32 {
          %add3A_325 = arith.constant 0 : i32
          %add3A_326 = arith.addi %add3A_325, %scan3A_323 : i32
          %get3A = arith.index_cast %add3A_326 : i32 to index
          %get3A_327 = arith.constant 0 : index
          %get3A_328 = tpu.vector_load %arg15[%get3A, %get3A_327] {strides = array<i32>} : memref<256x64xf32, #tpu.memory_space<vmem>>, vector<1x16xf32>,
          %get3A_329 = vector.shape_cast %get3A_328 : vector<1x16xf32> to vector<16xf32>
          %add3A_330 = arith.constant 0 : i32
          %add3A_331 = arith.addi %add3A_330, %scan3A_323 : i32
          %get3A_332 = arith.index_cast %add3A_331 : i32 to index
          %get3A_333 = arith.constant 0 : index
          %get3A_334 = tpu.vector_load %arg16[%get3A_332, %get3A_333] {strides = array<i32>} : memref<256x64xf32, #tpu.memory_space<vmem>>, vector<1x16xf32>,
          %get3A_335 = vector.shape_cast %get3A_334 : vector<1x16xf32> to vector<16xf32>
          %add3A_336 = arith.addf %get3A_329, %get3A_335 : vector<16xf32>
          %add3A_337 = arith.constant 0 : i32
          %add3A_338 = arith.addi %add3A_337, %scan3A_323 : i32
          %swap3A = arith.index_cast %add3A_338 : i32 to index
          %swap3A_339 = arith.constant 0 : index
          %swap3A_340 = tpu.vector_load %arg15[%swap3A, %swap3A_339] {strides = array<i32>} : memref<256x64xf32, #tpu.memory_space<vmem>>, vector<1x16xf32>,
          %swap3A_341 = vector.shape_cast %swap3A_340 : vector<1x16xf32> to vector<16xf32>
          %swap3A_342 = vector.shape_cast %add3A_336 : vector<16xf32> to vector<1x16xf32>
          tpu.vector_store %arg15[%swap3A, %swap3A_339], %swap3A_342 {strides = array<i32>} : memref<256x64xf32, #tpu.memory_space<vmem>>, vector<1x16xf32>,
          %add3A_343 = arith.constant 0 : i32
          %add3A_344 = arith.addi %add3A_343, %scan3A_323 : i32
          %get3A_345 = arith.index_cast %add3A_344 : i32 to index
          %get3A_346 = arith.constant 16 : index
          %get3A_347 = tpu.vector_load %arg15[%get3A_345, %get3A_346] {strides = array<i32>} : memref<256x64xf32, #tpu.memory_space<vmem>>, vector<1x16xf32>,
          %get3A_348 = vector.shape_cast %get3A_347 : vector<1x16xf32> to vector<16xf32>
          %add3A_349 = arith.constant 0 : i32
          %add3A_350 = arith.addi %add3A_349, %scan3A_323 : i32
          %get3A_351 = arith.index_cast %add3A_350 : i32 to index
          %get3A_352 = arith.constant 16 : index
          %get3A_353 = tpu.vector_load %arg16[%get3A_351, %get3A_352] {strides = array<i32>} : memref<256x64xf32, #tpu.memory_space<vmem>>, vector<1x16xf32>,
          %get3A_354 = vector.shape_cast %get3A_353 : vector<1x16xf32> to vector<16xf32>
          %add3A_355 = arith.addf %get3A_348, %get3A_354 : vector<16xf32>
          %add3A_356 = arith.constant 0 : i32
          %add3A_357 = arith.addi %add3A_356, %scan3A_323 : i32
          %swap3A_358 = arith.index_cast %add3A_357 : i32 to index
          %swap3A_359 = arith.constant 16 : index
          %swap3A_360 = tpu.vector_load %arg15[%swap3A_358, %swap3A_359] {strides = array<i32>} : memref<256x64xf32, #tpu.memory_space<vmem>>, vector<1x16xf32>,
          %swap3A_361 = vector.shape_cast %swap3A_360 : vector<1x16xf32> to vector<16xf32>
          %swap3A_362 = vector.shape_cast %add3A_355 : vector<16xf32> to vector<1x16xf32>
          tpu.vector_store %arg15[%swap3A_358, %swap3A_359], %swap3A_362 {strides = array<i32>} : memref<256x64xf32, #tpu.memory_space<vmem>>, vector<1x16xf32>,
          %add3A_363 = arith.constant 0 : i32
          %add3A_364 = arith.addi %add3A_363, %scan3A_323 : i32
          %get3A_365 = arith.index_cast %add3A_364 : i32 to index
          %get3A_366 = arith.constant 32 : index
          %get3A_367 = tpu.vector_load %arg15[%get3A_365, %get3A_366] {strides = array<i32>} : memref<256x64xf32, #tpu.memory_space<vmem>>, vector<1x16xf32>,
          %get3A_368 = vector.shape_cast %get3A_367 : vector<1x16xf32> to vector<16xf32>
          %add3A_369 = arith.constant 0 : i32
          %add3A_370 = arith.addi %add3A_369, %scan3A_323 : i32
          %get3A_371 = arith.index_cast %add3A_370 : i32 to index
          %get3A_372 = arith.constant 32 : index
          %get3A_373 = tpu.vector_load %arg16[%get3A_371, %get3A_372] {strides = array<i32>} : memref<256x64xf32, #tpu.memory_space<vmem>>, vector<1x16xf32>,
          %get3A_374 = vector.shape_cast %get3A_373 : vector<1x16xf32> to vector<16xf32>
          %add3A_375 = arith.addf %get3A_368, %get3A_374 : vector<16xf32>
          %add3A_376 = arith.constant 0 : i32
          %add3A_377 = arith.addi %add3A_376, %scan3A_323 : i32
          %swap3A_378 = arith.index_cast %add3A_377 : i32 to index
          %swap3A_379 = arith.constant 32 : index
          %swap3A_380 = tpu.vector_load %arg15[%swap3A_378, %swap3A_379] {strides = array<i32>} : memref<256x64xf32, #tpu.memory_space<vmem>>, vector<1x16xf32>,
          %swap3A_381 = vector.shape_cast %swap3A_380 : vector<1x16xf32> to vector<16xf32>
          %swap3A_382 = vector.shape_cast %add3A_375 : vector<16xf32> to vector<1x16xf32>
          tpu.vector_store %arg15[%swap3A_378, %swap3A_379], %swap3A_382 {strides = array<i32>} : memref<256x64xf32, #tpu.memory_space<vmem>>, vector<1x16xf32>,
          %add3A_383 = arith.constant 0 : i32
          %add3A_384 = arith.addi %add3A_383, %scan3A_323 : i32
          %get3A_385 = arith.index_cast %add3A_384 : i32 to index
          %get3A_386 = arith.constant 48 : index
          %get3A_387 = tpu.vector_load %arg15[%get3A_385, %get3A_386] {strides = array<i32>} : memref<256x64xf32, #tpu.memory_space<vmem>>, vector<1x16xf32>,
          %get3A_388 = vector.shape_cast %get3A_387 : vector<1x16xf32> to vector<16xf32>
          %add3A_389 = arith.constant 0 : i32
          %add3A_390 = arith.addi %add3A_389, %scan3A_323 : i32
          %get3A_391 = arith.index_cast %add3A_390 : i32 to index
          %get3A_392 = arith.constant 48 : index
          %get3A_393 = tpu.vector_load %arg16[%get3A_391, %get3A_392] {strides = array<i32>} : memref<256x64xf32, #tpu.memory_space<vmem>>, vector<1x16xf32>,
          %get3A_394 = vector.shape_cast %get3A_393 : vector<1x16xf32> to vector<16xf32>
          %add3A_395 = arith.addf %get3A_388, %get3A_394 : vector<16xf32>
          %add3A_396 = arith.constant 0 : i32
          %add3A_397 = arith.addi %add3A_396, %scan3A_323 : i32
          %swap3A_398 = arith.index_cast %add3A_397 : i32 to index
          %swap3A_399 = arith.constant 48 : index
          %swap3A_400 = tpu.vector_load %arg15[%swap3A_398, %swap3A_399] {strides = array<i32>} : memref<256x64xf32, #tpu.memory_space<vmem>>, vector<1x16xf32>,
          %swap3A_401 = vector.shape_cast %swap3A_400 : vector<1x16xf32> to vector<16xf32>
          %swap3A_402 = vector.shape_cast %add3A_395 : vector<16xf32> to vector<1x16xf32>
          tpu.vector_store %arg15[%swap3A_398, %swap3A_399], %swap3A_402 {strides = array<i32>} : memref<256x64xf32, #tpu.memory_space<vmem>>, vector<1x16xf32>,
          %scan3A_403 = arith.constant 0 : i32
          scf.yield %scan3A_403 : i32
        }
        %scan3A_307 = arith.constant 128 : i32
        %mul3A_308 = arith.constant 128 : i32
        %mul3A_309 = arith.muli %add3A_102, %mul3A_308 : i32
        %mul3A_310 = arith.constant 64 : i32
        %mul3A_311 = arith.muli %arg0, %mul3A_310 : i32
        %dma_start3A_312 = arith.constant 0 : i32
        %dma_start3A_313 = arith.constant 0 : i32
        %dma_start3A_314 = arith.constant 0 : i32
        %dma_start3A_315 = tpu.memref_slice %arg15[%dma_start3A_313, %dma_start3A_314] : memref<256x64xf32, #tpu.memory_space<vmem>> -> memref<128x64xf32, #tpu.memory_space<vmem>>
        %dma_start3A_316 = tpu.memref_slice %arg10[%mul3A_309, %mul3A_311] : memref<320000x128xf32, #tpu.memory_space<hbm>> -> memref<128x64xf32, #tpu.memory_space<hbm>>
        %dma_start3A_317 = tpu.memref_slice %arg27[%dma_start3A_312] : memref<2x!tpu.dma_semaphore, #tpu.memory_space<semaphore_mem>> -> memref<1x!tpu.dma_semaphore, #tpu.memory_space<semaphore_mem>>
        %dma_start3A_318 = tpu.memref_squeeze %dma_start3A_317 : memref<1x!tpu.dma_semaphore, #tpu.memory_space<semaphore_mem>> -> memref<!tpu.dma_semaphore, #tpu.memory_space<semaphore_mem>>
        %dma_start3A_319 = tpu.memref_slice %arg10[%mul3A_309, %mul3A_311] : memref<320000x128xf32, #tpu.memory_space<hbm>> -> memref<128x64xf32, #tpu.memory_space<hbm>>
        %dma_start3A_320 = arith.constant 0 : i32
        %dma_start3A_321 = arith.constant 0 : i32
        %dma_start3A_322 = tpu.memref_slice %arg15[%dma_start3A_320, %dma_start3A_321] : memref<256x64xf32, #tpu.memory_space<vmem>> -> memref<128x64xf32, #tpu.memory_space<vmem>>
        tpu.enqueue_dma source(%dma_start3A_322 : memref<128x64xf32, #tpu.memory_space<vmem>>) target(%dma_start3A_319 : memref<128x64xf32, #tpu.memory_space<hbm>>) target_semaphore(%dma_start3A_318 : memref<!tpu.dma_semaphore, #tpu.memory_space<semaphore_mem>>)
      } else {
      }
      %mul3A_108 = arith.constant 2 : i32
      %mul3A_109 = arith.muli %mul3A_108, %scan3A_96 : i32
      %add3A_110 = arith.constant 1 : i32
      %add3A_111 = arith.addi %mul3A_109, %add3A_110 : i32
      %mul3A_112 = arith.constant 16 : i32
      %mul3A_113 = arith.muli %add3A_111, %mul3A_112 : i32
      %add3A_114 = arith.addi %arg1, %mul3A_113 : i32
      %lt3A_115 = arith.constant 2500 : i32
      %lt3A_116 = arith.cmpi slt, %add3A_114, %lt3A_115 : i32
      %convert_element_type3A_117 = arith.extui %lt3A_116 : i1 to i32
      %cond3A_118 = arith.constant 0 : i32
      %cond3A_119 = arith.cmpi ne, %convert_element_type3A_117, %cond3A_118 : i32
      scf.if %cond3A_119 {
        %mul3A_121 = arith.constant 128 : i32
        %mul3A_122 = arith.muli %add3A_114, %mul3A_121 : i32
        %dma_wait3A = arith.constant 1 : i32
        %dma_wait3A_123 = arith.constant 1 : i32
        %dma_wait3A_124 = arith.constant 0 : i32
        %dma_wait3A_125 = tpu.memref_slice %arg11[%dma_wait3A, %dma_wait3A_124] : memref<2x128xi32, #tpu.memory_space<vmem>> -> memref<1x128xi32, #tpu.memory_space<vmem>>
        %dma_wait3A_126 = tpu.memref_squeeze %dma_wait3A_125 : memref<1x128xi32, #tpu.memory_space<vmem>> -> memref<128xi32, #tpu.memory_space<vmem>>
        %dma_wait3A_127 = tpu.memref_slice %arg2[%mul3A_122] : memref<320000xi32, #tpu.memory_space<hbm>> -> memref<128xi32, #tpu.memory_space<hbm>>
        %dma_wait3A_128 = tpu.memref_slice %arg22[%dma_wait3A_123] : memref<2x!tpu.dma_semaphore, #tpu.memory_space<semaphore_mem>> -> memref<1x!tpu.dma_semaphore, #tpu.memory_space<semaphore_mem>>
        %dma_wait3A_129 = tpu.memref_squeeze %dma_wait3A_128 : memref<1x!tpu.dma_semaphore, #tpu.memory_space<semaphore_mem>> -> memref<!tpu.dma_semaphore, #tpu.memory_space<semaphore_mem>>
        %dma_wait3A_130 = arith.constant 0 : i32
        %dma_wait3A_131 = tpu.memref_slice %arg11[%dma_wait3A, %dma_wait3A_130] : memref<2x128xi32, #tpu.memory_space<vmem>> -> memref<1x128xi32, #tpu.memory_space<vmem>>
        %dma_wait3A_132 = tpu.memref_squeeze %dma_wait3A_131 : memref<1x128xi32, #tpu.memory_space<vmem>> -> memref<128xi32, #tpu.memory_space<vmem>>
        %dma_wait3A_133 = tpu.memref_slice %arg2[%mul3A_122] : memref<320000xi32, #tpu.memory_space<hbm>> -> memref<128xi32, #tpu.memory_space<hbm>>
        tpu.wait_dma2 semaphore(%dma_wait3A_129 : memref<!tpu.dma_semaphore, #tpu.memory_space<semaphore_mem>>) src(%dma_wait3A_133 : memref<128xi32, #tpu.memory_space<hbm>>) dst(%dma_wait3A_132 : memref<128xi32, #tpu.memory_space<vmem>>)
        %mul3A_134 = arith.constant 128 : i32
        %mul3A_135 = arith.muli %add3A_114, %mul3A_134 : i32
        %dma_wait3A_136 = arith.constant 1 : i32
        %dma_wait3A_137 = arith.constant 1 : i32
        %dma_wait3A_138 = arith.constant 0 : i32
        %dma_wait3A_139 = tpu.memref_slice %arg12[%dma_wait3A_136, %dma_wait3A_138] : memref<2x128xi32, #tpu.memory_space<vmem>> -> memref<1x128xi32, #tpu.memory_space<vmem>>
        %dma_wait3A_140 = tpu.memref_squeeze %dma_wait3A_139 : memref<1x128xi32, #tpu.memory_space<vmem>> -> memref<128xi32, #tpu.memory_space<vmem>>
        %dma_wait3A_141 = tpu.memref_slice %arg3[%mul3A_135] : memref<320000xi32, #tpu.memory_space<hbm>> -> memref<128xi32, #tpu.memory_space<hbm>>
        %dma_wait3A_142 = tpu.memref_slice %arg22[%dma_wait3A_137] : memref<2x!tpu.dma_semaphore, #tpu.memory_space<semaphore_mem>> -> memref<1x!tpu.dma_semaphore, #tpu.memory_space<semaphore_mem>>
        %dma_wait3A_143 = tpu.memref_squeeze %dma_wait3A_142 : memref<1x!tpu.dma_semaphore, #tpu.memory_space<semaphore_mem>> -> memref<!tpu.dma_semaphore, #tpu.memory_space<semaphore_mem>>
        %dma_wait3A_144 = arith.constant 0 : i32
        %dma_wait3A_145 = tpu.memref_slice %arg12[%dma_wait3A_136, %dma_wait3A_144] : memref<2x128xi32, #tpu.memory_space<vmem>> -> memref<1x128xi32, #tpu.memory_space<vmem>>
        %dma_wait3A_146 = tpu.memref_squeeze %dma_wait3A_145 : memref<1x128xi32, #tpu.memory_space<vmem>> -> memref<128xi32, #tpu.memory_space<vmem>>
        %dma_wait3A_147 = tpu.memref_slice %arg3[%mul3A_135] : memref<320000xi32, #tpu.memory_space<hbm>> -> memref<128xi32, #tpu.memory_space<hbm>>
        tpu.wait_dma2 semaphore(%dma_wait3A_143 : memref<!tpu.dma_semaphore, #tpu.memory_space<semaphore_mem>>) src(%dma_wait3A_147 : memref<128xi32, #tpu.memory_space<hbm>>) dst(%dma_wait3A_146 : memref<128xi32, #tpu.memory_space<vmem>>)
        %mul3A_148 = arith.constant 128 : i32
        %mul3A_149 = arith.muli %add3A_114, %mul3A_148 : i32
        %mul3A_150 = arith.constant 64 : i32
        %mul3A_151 = arith.muli %arg0, %mul3A_150 : i32
        %dma_wait3A_152 = arith.constant 1 : i32
        %dma_wait3A_153 = arith.constant 128 : i32
        %dma_wait3A_154 = arith.constant 0 : i32
        %dma_wait3A_155 = tpu.memref_slice %arg13[%dma_wait3A_153, %dma_wait3A_154] : memref<256x64xf32, #tpu.memory_space<vmem>> -> memref<128x64xf32, #tpu.memory_space<vmem>>
        %dma_wait3A_156 = tpu.memref_slice %arg4[%mul3A_149, %mul3A_151] : memref<320000x128xf32, #tpu.memory_space<hbm>> -> memref<128x64xf32, #tpu.memory_space<hbm>>
        %dma_wait3A_157 = tpu.memref_slice %arg22[%dma_wait3A_152] : memref<2x!tpu.dma_semaphore, #tpu.memory_space<semaphore_mem>> -> memref<1x!tpu.dma_semaphore, #tpu.memory_space<semaphore_mem>>
        %dma_wait3A_158 = tpu.memref_squeeze %dma_wait3A_157 : memref<1x!tpu.dma_semaphore, #tpu.memory_space<semaphore_mem>> -> memref<!tpu.dma_semaphore, #tpu.memory_space<semaphore_mem>>
        %dma_wait3A_159 = arith.constant 128 : i32
        %dma_wait3A_160 = arith.constant 0 : i32
        %dma_wait3A_161 = tpu.memref_slice %arg13[%dma_wait3A_159, %dma_wait3A_160] : memref<256x64xf32, #tpu.memory_space<vmem>> -> memref<128x64xf32, #tpu.memory_space<vmem>>
        %dma_wait3A_162 = tpu.memref_slice %arg4[%mul3A_149, %mul3A_151] : memref<320000x128xf32, #tpu.memory_space<hbm>> -> memref<128x64xf32, #tpu.memory_space<hbm>>
        tpu.wait_dma2 semaphore(%dma_wait3A_158 : memref<!tpu.dma_semaphore, #tpu.memory_space<semaphore_mem>>) src(%dma_wait3A_162 : memref<128x64xf32, #tpu.memory_space<hbm>>) dst(%dma_wait3A_161 : memref<128x64xf32, #tpu.memory_space<vmem>>)
        %dma_start3A_163 = arith.constant 1 : i32
        %dma_start3A_164 = arith.constant 1 : i32
        %dma_start3A_165 = arith.constant 128 : i32
        %dma_start3A_166 = arith.constant 0 : i32
        %dma_start3A_167 = tpu.memref_slice %arg14[%dma_start3A_165, %dma_start3A_166] : memref<256x64xf32, #tpu.memory_space<vmem>> -> memref<128x64xf32, #tpu.memory_space<vmem>>
        %dma_start3A_168 = arith.constant 0 : i32
        %dma_start3A_169 = tpu.memref_slice %arg12[%dma_start3A_163, %dma_start3A_168] : memref<2x128xi32, #tpu.memory_space<vmem>> -> memref<1x128xi32, #tpu.memory_space<vmem>>
        %dma_start3A_170 = tpu.memref_squeeze %dma_start3A_169 : memref<1x128xi32, #tpu.memory_space<vmem>> -> memref<128xi32, #tpu.memory_space<vmem>>
        %dma_start3A_171 = arith.constant 0 : i32
        %dma_start3A_172 = arith.constant 0 : i32
        %dma_start3A_173 = tpu.memref_slice %arg5[%arg0, %dma_start3A_171, %dma_start3A_172] : memref<2x10000x64xf32, #tpu.memory_space<hbm>> -> memref<1x10000x64xf32, #tpu.memory_space<hbm>>
        %dma_start3A_174 = tpu.memref_squeeze %dma_start3A_173 : memref<1x10000x64xf32, #tpu.memory_space<hbm>> -> memref<10000x64xf32, #tpu.memory_space<hbm>>
        %dma_start3A_175 = arith.constant 0 : i32
        %dma_start3A_176 = arith.constant 0 : i32
        %dma_start3A_177 = tpu.memref_slice %dma_start3A_174[%dma_start3A_175, %dma_start3A_176] : memref<10000x64xf32, #tpu.memory_space<hbm>> -> memref<10000x64xf32, #tpu.memory_space<hbm>>
        %dma_start3A_178 = tpu.memref_slice %arg23[%dma_start3A_164] : memref<2x!tpu.dma_semaphore, #tpu.memory_space<semaphore_mem>> -> memref<1x!tpu.dma_semaphore, #tpu.memory_space<semaphore_mem>>
        %dma_start3A_179 = tpu.memref_squeeze %dma_start3A_178 : memref<1x!tpu.dma_semaphore, #tpu.memory_space<semaphore_mem>> -> memref<!tpu.dma_semaphore, #tpu.memory_space<semaphore_mem>>
        tpu.enqueue_indirect_dma source(%dma_start3A_177 : memref<10000x64xf32, #tpu.memory_space<hbm>>) target(%dma_start3A_167 : memref<128x64xf32, #tpu.memory_space<vmem>>) offsets(%dma_start3A_170 : memref<128xi32, #tpu.memory_space<vmem>>) semaphore(%dma_start3A_179 : memref<!tpu.dma_semaphore, #tpu.memory_space<semaphore_mem>>)
        %dma_start3A_180 = arith.constant 1 : i32
        %dma_start3A_181 = arith.constant 1 : i32
        %dma_start3A_182 = arith.constant 128 : i32
        %dma_start3A_183 = arith.constant 0 : i32
        %dma_start3A_184 = tpu.memref_slice %arg15[%dma_start3A_182, %dma_start3A_183] : memref<256x64xf32, #tpu.memory_space<vmem>> -> memref<128x64xf32, #tpu.memory_space<vmem>>
        %dma_start3A_185 = arith.constant 0 : i32
        %dma_start3A_186 = tpu.memref_slice %arg11[%dma_start3A_180, %dma_start3A_185] : memref<2x128xi32, #tpu.memory_space<vmem>> -> memref<1x128xi32, #tpu.memory_space<vmem>>
        %dma_start3A_187 = tpu.memref_squeeze %dma_start3A_186 : memref<1x128xi32, #tpu.memory_space<vmem>> -> memref<128xi32, #tpu.memory_space<vmem>>
        %dma_start3A_188 = arith.constant 0 : i32
        %dma_start3A_189 = arith.constant 0 : i32
        %dma_start3A_190 = tpu.memref_slice %arg6[%arg0, %dma_start3A_188, %dma_start3A_189] : memref<2x10000x64xf32, #tpu.memory_space<hbm>> -> memref<1x10000x64xf32, #tpu.memory_space<hbm>>
        %dma_start3A_191 = tpu.memref_squeeze %dma_start3A_190 : memref<1x10000x64xf32, #tpu.memory_space<hbm>> -> memref<10000x64xf32, #tpu.memory_space<hbm>>
        %dma_start3A_192 = arith.constant 0 : i32
        %dma_start3A_193 = arith.constant 0 : i32
        %dma_start3A_194 = tpu.memref_slice %dma_start3A_191[%dma_start3A_192, %dma_start3A_193] : memref<10000x64xf32, #tpu.memory_space<hbm>> -> memref<10000x64xf32, #tpu.memory_space<hbm>>
        %dma_start3A_195 = tpu.memref_slice %arg24[%dma_start3A_181] : memref<2x!tpu.dma_semaphore, #tpu.memory_space<semaphore_mem>> -> memref<1x!tpu.dma_semaphore, #tpu.memory_space<semaphore_mem>>
        %dma_start3A_196 = tpu.memref_squeeze %dma_start3A_195 : memref<1x!tpu.dma_semaphore, #tpu.memory_space<semaphore_mem>> -> memref<!tpu.dma_semaphore, #tpu.memory_space<semaphore_mem>>
        tpu.enqueue_indirect_dma source(%dma_start3A_194 : memref<10000x64xf32, #tpu.memory_space<hbm>>) target(%dma_start3A_184 : memref<128x64xf32, #tpu.memory_space<vmem>>) offsets(%dma_start3A_187 : memref<128xi32, #tpu.memory_space<vmem>>) semaphore(%dma_start3A_196 : memref<!tpu.dma_semaphore, #tpu.memory_space<semaphore_mem>>)
        %dma_start3A_197 = arith.constant 1 : i32
        %dma_start3A_198 = arith.constant 1 : i32
        %dma_start3A_199 = arith.constant 128 : i32
        %dma_start3A_200 = arith.constant 0 : i32
        %dma_start3A_201 = tpu.memref_slice %arg16[%dma_start3A_199, %dma_start3A_200] : memref<256x64xf32, #tpu.memory_space<vmem>> -> memref<128x64xf32, #tpu.memory_space<vmem>>
        %dma_start3A_202 = arith.constant 0 : i32
        %dma_start3A_203 = tpu.memref_slice %arg12[%dma_start3A_197, %dma_start3A_202] : memref<2x128xi32, #tpu.memory_space<vmem>> -> memref<1x128xi32, #tpu.memory_space<vmem>>
        %dma_start3A_204 = tpu.memref_squeeze %dma_start3A_203 : memref<1x128xi32, #tpu.memory_space<vmem>> -> memref<128xi32, #tpu.memory_space<vmem>>
        %dma_start3A_205 = arith.constant 0 : i32
        %dma_start3A_206 = arith.constant 0 : i32
        %dma_start3A_207 = tpu.memref_slice %arg7[%arg0, %dma_start3A_205, %dma_start3A_206] : memref<2x10000x64xf32, #tpu.memory_space<hbm>> -> memref<1x10000x64xf32, #tpu.memory_space<hbm>>
        %dma_start3A_208 = tpu.memref_squeeze %dma_start3A_207 : memref<1x10000x64xf32, #tpu.memory_space<hbm>> -> memref<10000x64xf32, #tpu.memory_space<hbm>>
        %dma_start3A_209 = arith.constant 0 : i32
        %dma_start3A_210 = arith.constant 0 : i32
        %dma_start3A_211 = tpu.memref_slice %dma_start3A_208[%dma_start3A_209, %dma_start3A_210] : memref<10000x64xf32, #tpu.memory_space<hbm>> -> memref<10000x64xf32, #tpu.memory_space<hbm>>
        %dma_start3A_212 = tpu.memref_slice %arg24[%dma_start3A_198] : memref<2x!tpu.dma_semaphore, #tpu.memory_space<semaphore_mem>> -> memref<1x!tpu.dma_semaphore, #tpu.memory_space<semaphore_mem>>
        %dma_start3A_213 = tpu.memref_squeeze %dma_start3A_212 : memref<1x!tpu.dma_semaphore, #tpu.memory_space<semaphore_mem>> -> memref<!tpu.dma_semaphore, #tpu.memory_space<semaphore_mem>>
        tpu.enqueue_indirect_dma source(%dma_start3A_211 : memref<10000x64xf32, #tpu.memory_space<hbm>>) target(%dma_start3A_201 : memref<128x64xf32, #tpu.memory_space<vmem>>) offsets(%dma_start3A_204 : memref<128xi32, #tpu.memory_space<vmem>>) semaphore(%dma_start3A_213 : memref<!tpu.dma_semaphore, #tpu.memory_space<semaphore_mem>>)
        %ge3A = arith.constant 1 : i32
        %ge3A_214 = arith.cmpi sge, %add3A_111, %ge3A : i32
        %convert_element_type3A_215 = arith.extui %ge3A_214 : i1 to i32
        %cond3A_216 = arith.constant 0 : i32
        %cond3A_217 = arith.cmpi ne, %convert_element_type3A_215, %cond3A_216 : i32
        scf.if %cond3A_217 {
          %dma_wait3A_323 = arith.constant 0 : i32
          %dma_wait3A_324 = arith.constant 0 : i32
          %dma_wait3A_325 = arith.constant 0 : i32
          %dma_wait3A_326 = arith.constant 0 : i32
          %dma_wait3A_327 = tpu.memref_slice %arg14[%dma_wait3A_325, %dma_wait3A_326] : memref<256x64xf32, #tpu.memory_space<vmem>> -> memref<128x64xf32, #tpu.memory_space<vmem>>
          %dma_wait3A_328 = arith.constant 0 : i32
          %dma_wait3A_329 = tpu.memref_slice %arg11[%dma_wait3A_323, %dma_wait3A_328] : memref<2x128xi32, #tpu.memory_space<vmem>> -> memref<1x128xi32, #tpu.memory_space<vmem>>
          %dma_wait3A_330 = tpu.memref_squeeze %dma_wait3A_329 : memref<1x128xi32, #tpu.memory_space<vmem>> -> memref<128xi32, #tpu.memory_space<vmem>>
          %dma_wait3A_331 = arith.constant 0 : i32
          %dma_wait3A_332 = arith.constant 0 : i32
          %dma_wait3A_333 = tpu.memref_slice %arg20[%dma_wait3A_331, %dma_wait3A_332] : memref<10000x64xf32, #tpu.memory_space<vmem_shared>> -> memref<10000x64xf32, #tpu.memory_space<vmem_shared>>
          %dma_wait3A_334 = tpu.memref_slice %arg25[%dma_wait3A_324] : memref<2x!tpu.dma_semaphore, #tpu.memory_space<semaphore_mem>> -> memref<1x!tpu.dma_semaphore, #tpu.memory_space<semaphore_mem>>
          %dma_wait3A_335 = tpu.memref_squeeze %dma_wait3A_334 : memref<1x!tpu.dma_semaphore, #tpu.memory_space<semaphore_mem>> -> memref<!tpu.dma_semaphore, #tpu.memory_space<semaphore_mem>>
          tpu.wait_indirect_dma semaphore(%dma_wait3A_335 : memref<!tpu.dma_semaphore, #tpu.memory_space<semaphore_mem>>) src(%dma_wait3A_327 : memref<128x64xf32, #tpu.memory_space<vmem>>) dst(%dma_wait3A_333 : memref<10000x64xf32, #tpu.memory_space<vmem_shared>>)
          %eq3A_336 = arith.constant 0 : i32
          %eq3A_337 = arith.cmpi eq, %arg0, %eq3A_336 : i32
          %convert_element_type3A_338 = arith.extui %eq3A_337 : i1 to i32
          %cond3A_339 = arith.constant 0 : i32
          %cond3A_340 = arith.cmpi ne, %convert_element_type3A_338, %cond3A_339 : i32
          scf.if %cond3A_340 {
            %dma_wait3A_357 = arith.constant 0 : i32
            %dma_wait3A_358 = arith.constant 0 : i32
            %dma_wait3A_359 = arith.constant 0 : i32
            %dma_wait3A_360 = tpu.memref_slice %arg11[%dma_wait3A_357, %dma_wait3A_359] : memref<2x128xi32, #tpu.memory_space<vmem>> -> memref<1x128xi32, #tpu.memory_space<vmem>>
            %dma_wait3A_361 = tpu.memref_squeeze %dma_wait3A_360 : memref<1x128xi32, #tpu.memory_space<vmem>> -> memref<128xi32, #tpu.memory_space<vmem>>
            %dma_wait3A_362 = arith.constant 0 : i32
            %dma_wait3A_363 = arith.constant 0 : i32
            %dma_wait3A_364 = tpu.memref_slice %arg21[%dma_wait3A_362, %dma_wait3A_363] : memref<10000x16xf32, #tpu.memory_space<vmem_shared>> -> memref<10000x16xf32, #tpu.memory_space<vmem_shared>>
            %dma_wait3A_365 = tpu.memref_slice %arg26[%dma_wait3A_358] : memref<2x!tpu.dma_semaphore, #tpu.memory_space<semaphore_mem>> -> memref<1x!tpu.dma_semaphore, #tpu.memory_space<semaphore_mem>>
            %dma_wait3A_366 = tpu.memref_squeeze %dma_wait3A_365 : memref<1x!tpu.dma_semaphore, #tpu.memory_space<semaphore_mem>> -> memref<!tpu.dma_semaphore, #tpu.memory_space<semaphore_mem>>
            tpu.wait_indirect_dma semaphore(%dma_wait3A_366 : memref<!tpu.dma_semaphore, #tpu.memory_space<semaphore_mem>>) src(%arg17 : memref<128x16xf32, #tpu.memory_space<vmem>>) dst(%dma_wait3A_364 : memref<10000x16xf32, #tpu.memory_space<vmem_shared>>)
          } else {
          }
          %sub3A = arith.constant 16 : i32
          %sub3A_341 = arith.subi %add3A_114, %sub3A : i32
          %mul3A_342 = arith.constant 128 : i32
          %mul3A_343 = arith.muli %sub3A_341, %mul3A_342 : i32
          %mul3A_344 = arith.constant 64 : i32
          %mul3A_345 = arith.muli %arg0, %mul3A_344 : i32
          %dma_wait3A_346 = arith.constant 0 : i32
          %dma_wait3A_347 = arith.constant 0 : i32
          %dma_wait3A_348 = arith.constant 0 : i32
          %dma_wait3A_349 = tpu.memref_slice %arg15[%dma_wait3A_347, %dma_wait3A_348] : memref<256x64xf32, #tpu.memory_space<vmem>> -> memref<128x64xf32, #tpu.memory_space<vmem>>
          %dma_wait3A_350 = tpu.memref_slice %arg10[%mul3A_343, %mul3A_345] : memref<320000x128xf32, #tpu.memory_space<hbm>> -> memref<128x64xf32, #tpu.memory_space<hbm>>
          %dma_wait3A_351 = tpu.memref_slice %arg27[%dma_wait3A_346] : memref<2x!tpu.dma_semaphore, #tpu.memory_space<semaphore_mem>> -> memref<1x!tpu.dma_semaphore, #tpu.memory_space<semaphore_mem>>
          %dma_wait3A_352 = tpu.memref_squeeze %dma_wait3A_351 : memref<1x!tpu.dma_semaphore, #tpu.memory_space<semaphore_mem>> -> memref<!tpu.dma_semaphore, #tpu.memory_space<semaphore_mem>>
          %dma_wait3A_353 = tpu.memref_slice %arg10[%mul3A_343, %mul3A_345] : memref<320000x128xf32, #tpu.memory_space<hbm>> -> memref<128x64xf32, #tpu.memory_space<hbm>>
          %dma_wait3A_354 = arith.constant 0 : i32
          %dma_wait3A_355 = arith.constant 0 : i32
          %dma_wait3A_356 = tpu.memref_slice %arg15[%dma_wait3A_354, %dma_wait3A_355] : memref<256x64xf32, #tpu.memory_space<vmem>> -> memref<128x64xf32, #tpu.memory_space<vmem>>
          tpu.wait_dma2 semaphore(%dma_wait3A_352 : memref<!tpu.dma_semaphore, #tpu.memory_space<semaphore_mem>>) src(%dma_wait3A_356 : memref<128x64xf32, #tpu.memory_space<vmem>>) dst(%dma_wait3A_353 : memref<128x64xf32, #tpu.memory_space<hbm>>)
        } else {
        }
        %add3A_218 = arith.constant 16 : i32
        %add3A_219 = arith.addi %add3A_114, %add3A_218 : i32
        %lt3A_220 = arith.constant 2500 : i32
        %lt3A_221 = arith.cmpi slt, %add3A_219, %lt3A_220 : i32
        %convert_element_type3A_222 = arith.extui %lt3A_221 : i1 to i32
        %cond3A_223 = arith.constant 0 : i32
        %cond3A_224 = arith.cmpi ne, %convert_element_type3A_222, %cond3A_223 : i32
        scf.if %cond3A_224 {
          %add3A_323 = arith.constant 16 : i32
          %add3A_324 = arith.addi %add3A_114, %add3A_323 : i32
          %mul3A_325 = arith.constant 128 : i32
          %mul3A_326 = arith.muli %add3A_324, %mul3A_325 : i32
          %dma_start3A_327 = arith.constant 0 : i32
          %dma_start3A_328 = arith.constant 0 : i32
          %dma_start3A_329 = arith.constant 0 : i32
          %dma_start3A_330 = tpu.memref_slice %arg11[%dma_start3A_327, %dma_start3A_329] : memref<2x128xi32, #tpu.memory_space<vmem>> -> memref<1x128xi32, #tpu.memory_space<vmem>>
          %dma_start3A_331 = tpu.memref_squeeze %dma_start3A_330 : memref<1x128xi32, #tpu.memory_space<vmem>> -> memref<128xi32, #tpu.memory_space<vmem>>
          %dma_start3A_332 = tpu.memref_slice %arg2[%mul3A_326] : memref<320000xi32, #tpu.memory_space<hbm>> -> memref<128xi32, #tpu.memory_space<hbm>>
          %dma_start3A_333 = tpu.memref_slice %arg22[%dma_start3A_328] : memref<2x!tpu.dma_semaphore, #tpu.memory_space<semaphore_mem>> -> memref<1x!tpu.dma_semaphore, #tpu.memory_space<semaphore_mem>>
          %dma_start3A_334 = tpu.memref_squeeze %dma_start3A_333 : memref<1x!tpu.dma_semaphore, #tpu.memory_space<semaphore_mem>> -> memref<!tpu.dma_semaphore, #tpu.memory_space<semaphore_mem>>
          %dma_start3A_335 = arith.constant 0 : i32
          %dma_start3A_336 = tpu.memref_slice %arg11[%dma_start3A_327, %dma_start3A_335] : memref<2x128xi32, #tpu.memory_space<vmem>> -> memref<1x128xi32, #tpu.memory_space<vmem>>
          %dma_start3A_337 = tpu.memref_squeeze %dma_start3A_336 : memref<1x128xi32, #tpu.memory_space<vmem>> -> memref<128xi32, #tpu.memory_space<vmem>>
          %dma_start3A_338 = tpu.memref_slice %arg2[%mul3A_326] : memref<320000xi32, #tpu.memory_space<hbm>> -> memref<128xi32, #tpu.memory_space<hbm>>
          tpu.enqueue_dma source(%dma_start3A_338 : memref<128xi32, #tpu.memory_space<hbm>>) target(%dma_start3A_337 : memref<128xi32, #tpu.memory_space<vmem>>) target_semaphore(%dma_start3A_334 : memref<!tpu.dma_semaphore, #tpu.memory_space<semaphore_mem>>)
          %add3A_339 = arith.constant 16 : i32
          %add3A_340 = arith.addi %add3A_114, %add3A_339 : i32
          %mul3A_341 = arith.constant 128 : i32
          %mul3A_342 = arith.muli %add3A_340, %mul3A_341 : i32
          %dma_start3A_343 = arith.constant 0 : i32
          %dma_start3A_344 = arith.constant 0 : i32
          %dma_start3A_345 = arith.constant 0 : i32
          %dma_start3A_346 = tpu.memref_slice %arg12[%dma_start3A_343, %dma_start3A_345] : memref<2x128xi32, #tpu.memory_space<vmem>> -> memref<1x128xi32, #tpu.memory_space<vmem>>
          %dma_start3A_347 = tpu.memref_squeeze %dma_start3A_346 : memref<1x128xi32, #tpu.memory_space<vmem>> -> memref<128xi32, #tpu.memory_space<vmem>>
          %dma_start3A_348 = tpu.memref_slice %arg3[%mul3A_342] : memref<320000xi32, #tpu.memory_space<hbm>> -> memref<128xi32, #tpu.memory_space<hbm>>
          %dma_start3A_349 = tpu.memref_slice %arg22[%dma_start3A_344] : memref<2x!tpu.dma_semaphore, #tpu.memory_space<semaphore_mem>> -> memref<1x!tpu.dma_semaphore, #tpu.memory_space<semaphore_mem>>
          %dma_start3A_350 = tpu.memref_squeeze %dma_start3A_349 : memref<1x!tpu.dma_semaphore, #tpu.memory_space<semaphore_mem>> -> memref<!tpu.dma_semaphore, #tpu.memory_space<semaphore_mem>>
          %dma_start3A_351 = arith.constant 0 : i32
          %dma_start3A_352 = tpu.memref_slice %arg12[%dma_start3A_343, %dma_start3A_351] : memref<2x128xi32, #tpu.memory_space<vmem>> -> memref<1x128xi32, #tpu.memory_space<vmem>>
          %dma_start3A_353 = tpu.memref_squeeze %dma_start3A_352 : memref<1x128xi32, #tpu.memory_space<vmem>> -> memref<128xi32, #tpu.memory_space<vmem>>
          %dma_start3A_354 = tpu.memref_slice %arg3[%mul3A_342] : memref<320000xi32, #tpu.memory_space<hbm>> -> memref<128xi32, #tpu.memory_space<hbm>>
          tpu.enqueue_dma source(%dma_start3A_354 : memref<128xi32, #tpu.memory_space<hbm>>) target(%dma_start3A_353 : memref<128xi32, #tpu.memory_space<vmem>>) target_semaphore(%dma_start3A_350 : memref<!tpu.dma_semaphore, #tpu.memory_space<semaphore_mem>>)
          %add3A_355 = arith.constant 16 : i32
          %add3A_356 = arith.addi %add3A_114, %add3A_355 : i32
          %mul3A_357 = arith.constant 128 : i32
          %mul3A_358 = arith.muli %add3A_356, %mul3A_357 : i32
          %mul3A_359 = arith.constant 64 : i32
          %mul3A_360 = arith.muli %arg0, %mul3A_359 : i32
          %dma_start3A_361 = arith.constant 0 : i32
          %dma_start3A_362 = arith.constant 0 : i32
          %dma_start3A_363 = arith.constant 0 : i32
          %dma_start3A_364 = tpu.memref_slice %arg13[%dma_start3A_362, %dma_start3A_363] : memref<256x64xf32, #tpu.memory_space<vmem>> -> memref<128x64xf32, #tpu.memory_space<vmem>>
          %dma_start3A_365 = tpu.memref_slice %arg4[%mul3A_358, %mul3A_360] : memref<320000x128xf32, #tpu.memory_space<hbm>> -> memref<128x64xf32, #tpu.memory_space<hbm>>
          %dma_start3A_366 = tpu.memref_slice %arg22[%dma_start3A_361] : memref<2x!tpu.dma_semaphore, #tpu.memory_space<semaphore_mem>> -> memref<1x!tpu.dma_semaphore, #tpu.memory_space<semaphore_mem>>
          %dma_start3A_367 = tpu.memref_squeeze %dma_start3A_366 : memref<1x!tpu.dma_semaphore, #tpu.memory_space<semaphore_mem>> -> memref<!tpu.dma_semaphore, #tpu.memory_space<semaphore_mem>>
          %dma_start3A_368 = arith.constant 0 : i32
          %dma_start3A_369 = arith.constant 0 : i32
          %dma_start3A_370 = tpu.memref_slice %arg13[%dma_start3A_368, %dma_start3A_369] : memref<256x64xf32, #tpu.memory_space<vmem>> -> memref<128x64xf32, #tpu.memory_space<vmem>>
          %dma_start3A_371 = tpu.memref_slice %arg4[%mul3A_358, %mul3A_360] : memref<320000x128xf32, #tpu.memory_space<hbm>> -> memref<128x64xf32, #tpu.memory_space<hbm>>
          tpu.enqueue_dma source(%dma_start3A_371 : memref<128x64xf32, #tpu.memory_space<hbm>>) target(%dma_start3A_370 : memref<128x64xf32, #tpu.memory_space<vmem>>) target_semaphore(%dma_start3A_367 : memref<!tpu.dma_semaphore, #tpu.memory_space<semaphore_mem>>)
        } else {
        }
        %dma_wait3A_225 = arith.constant 1 : i32
        %dma_wait3A_226 = arith.constant 1 : i32
        %dma_wait3A_227 = arith.constant 128 : i32
        %dma_wait3A_228 = arith.constant 0 : i32
        %dma_wait3A_229 = tpu.memref_slice %arg14[%dma_wait3A_227, %dma_wait3A_228] : memref<256x64xf32, #tpu.memory_space<vmem>> -> memref<128x64xf32, #tpu.memory_space<vmem>>
        %dma_wait3A_230 = arith.constant 0 : i32
        %dma_wait3A_231 = tpu.memref_slice %arg12[%dma_wait3A_225, %dma_wait3A_230] : memref<2x128xi32, #tpu.memory_space<vmem>> -> memref<1x128xi32, #tpu.memory_space<vmem>>
        %dma_wait3A_232 = tpu.memref_squeeze %dma_wait3A_231 : memref<1x128xi32, #tpu.memory_space<vmem>> -> memref<128xi32, #tpu.memory_space<vmem>>
        %dma_wait3A_233 = arith.constant 0 : i32
        %dma_wait3A_234 = arith.constant 0 : i32
        %dma_wait3A_235 = tpu.memref_slice %arg5[%arg0, %dma_wait3A_233, %dma_wait3A_234] : memref<2x10000x64xf32, #tpu.memory_space<hbm>> -> memref<1x10000x64xf32, #tpu.memory_space<hbm>>
        %dma_wait3A_236 = tpu.memref_squeeze %dma_wait3A_235 : memref<1x10000x64xf32, #tpu.memory_space<hbm>> -> memref<10000x64xf32, #tpu.memory_space<hbm>>
        %dma_wait3A_237 = arith.constant 0 : i32
        %dma_wait3A_238 = arith.constant 0 : i32
        %dma_wait3A_239 = tpu.memref_slice %dma_wait3A_236[%dma_wait3A_237, %dma_wait3A_238] : memref<10000x64xf32, #tpu.memory_space<hbm>> -> memref<10000x64xf32, #tpu.memory_space<hbm>>
        %dma_wait3A_240 = tpu.memref_slice %arg23[%dma_wait3A_226] : memref<2x!tpu.dma_semaphore, #tpu.memory_space<semaphore_mem>> -> memref<1x!tpu.dma_semaphore, #tpu.memory_space<semaphore_mem>>
        %dma_wait3A_241 = tpu.memref_squeeze %dma_wait3A_240 : memref<1x!tpu.dma_semaphore, #tpu.memory_space<semaphore_mem>> -> memref<!tpu.dma_semaphore, #tpu.memory_space<semaphore_mem>>
        tpu.wait_indirect_dma semaphore(%dma_wait3A_241 : memref<!tpu.dma_semaphore, #tpu.memory_space<semaphore_mem>>) src(%dma_wait3A_239 : memref<10000x64xf32, #tpu.memory_space<hbm>>) dst(%dma_wait3A_229 : memref<128x64xf32, #tpu.memory_space<vmem>>)
        %scan3A_242 = arith.constant 0 : i32
        %scan3A_243 = arith.constant 0 : i32
        %scan3A_244 = arith.constant 128 : i32
        %scan3A_245 = arith.addi %scan3A_243, %scan3A_244 : i32
        %scan3A_246 = arith.constant 1 : i32
        %scan3A_247 = scf.for %scan3A_323 = %scan3A_243 to %scan3A_245 step %scan3A_246 iter_args(%scan3A_324 = %scan3A_242) -> (i32)  : i32 {
          %add3A_325 = arith.constant 128 : i32
          %add3A_326 = arith.addi %add3A_325, %scan3A_323 : i32
          %get3A = arith.index_cast %add3A_326 : i32 to index
          %get3A_327 = arith.constant 0 : index
          %get3A_328 = tpu.vector_load %arg14[%get3A, %get3A_327] {strides = array<i32>} : memref<256x64xf32, #tpu.memory_space<vmem>>, vector<1x16xf32>,
          %get3A_329 = vector.shape_cast %get3A_328 : vector<1x16xf32> to vector<16xf32>
          %add3A_330 = arith.constant 128 : i32
          %add3A_331 = arith.addi %add3A_330, %scan3A_323 : i32
          %get3A_332 = arith.index_cast %add3A_331 : i32 to index
          %get3A_333 = arith.constant 0 : index
          %get3A_334 = tpu.vector_load %arg13[%get3A_332, %get3A_333] {strides = array<i32>} : memref<256x64xf32, #tpu.memory_space<vmem>>, vector<1x16xf32>,
          %get3A_335 = vector.shape_cast %get3A_334 : vector<1x16xf32> to vector<16xf32>
          %neg3A = arith.constant 0.000000e+00 : f32
          %neg3A_336 = vector.broadcast %neg3A : f32 to vector<16xf32>
          %neg3A_337 = arith.subf %neg3A_336, %get3A_335 : vector<16xf32>
          %exp3A = math.exp %neg3A_337 : vector<16xf32>
          %add3A_338 = arith.constant 1.000000e+00 : f32
          %add3A_339 = vector.broadcast %add3A_338 : f32 to vector<16xf32>
          %add3A_340 = arith.addf %add3A_339, %exp3A : vector<16xf32>
          %div3A = arith.constant 1.000000e+00 : f32
          %div3A_341 = vector.broadcast %div3A : f32 to vector<16xf32>
          %div3A_342 = arith.divf %div3A_341, %add3A_340 : vector<16xf32>
          %mul3A_343 = arith.mulf %get3A_329, %div3A_342 : vector<16xf32>
          %add3A_344 = arith.constant 128 : i32
          %add3A_345 = arith.addi %add3A_344, %scan3A_323 : i32
          %swap3A = arith.index_cast %add3A_345 : i32 to index
          %swap3A_346 = arith.constant 0 : index
          %swap3A_347 = tpu.vector_load %arg14[%swap3A, %swap3A_346] {strides = array<i32>} : memref<256x64xf32, #tpu.memory_space<vmem>>, vector<1x16xf32>,
          %swap3A_348 = vector.shape_cast %swap3A_347 : vector<1x16xf32> to vector<16xf32>
          %swap3A_349 = vector.shape_cast %mul3A_343 : vector<16xf32> to vector<1x16xf32>
          tpu.vector_store %arg14[%swap3A, %swap3A_346], %swap3A_349 {strides = array<i32>} : memref<256x64xf32, #tpu.memory_space<vmem>>, vector<1x16xf32>,
          %add3A_350 = arith.constant 128 : i32
          %add3A_351 = arith.addi %add3A_350, %scan3A_323 : i32
          %get3A_352 = arith.index_cast %add3A_351 : i32 to index
          %get3A_353 = arith.constant 16 : index
          %get3A_354 = tpu.vector_load %arg14[%get3A_352, %get3A_353] {strides = array<i32>} : memref<256x64xf32, #tpu.memory_space<vmem>>, vector<1x16xf32>,
          %get3A_355 = vector.shape_cast %get3A_354 : vector<1x16xf32> to vector<16xf32>
          %add3A_356 = arith.constant 128 : i32
          %add3A_357 = arith.addi %add3A_356, %scan3A_323 : i32
          %get3A_358 = arith.index_cast %add3A_357 : i32 to index
          %get3A_359 = arith.constant 16 : index
          %get3A_360 = tpu.vector_load %arg13[%get3A_358, %get3A_359] {strides = array<i32>} : memref<256x64xf32, #tpu.memory_space<vmem>>, vector<1x16xf32>,
          %get3A_361 = vector.shape_cast %get3A_360 : vector<1x16xf32> to vector<16xf32>
          %neg3A_362 = arith.constant 0.000000e+00 : f32
          %neg3A_363 = vector.broadcast %neg3A_362 : f32 to vector<16xf32>
          %neg3A_364 = arith.subf %neg3A_363, %get3A_361 : vector<16xf32>
          %exp3A_365 = math.exp %neg3A_364 : vector<16xf32>
          %add3A_366 = arith.constant 1.000000e+00 : f32
          %add3A_367 = vector.broadcast %add3A_366 : f32 to vector<16xf32>
          %add3A_368 = arith.addf %add3A_367, %exp3A_365 : vector<16xf32>
          %div3A_369 = arith.constant 1.000000e+00 : f32
          %div3A_370 = vector.broadcast %div3A_369 : f32 to vector<16xf32>
          %div3A_371 = arith.divf %div3A_370, %add3A_368 : vector<16xf32>
          %mul3A_372 = arith.mulf %get3A_355, %div3A_371 : vector<16xf32>
          %add3A_373 = arith.constant 128 : i32
          %add3A_374 = arith.addi %add3A_373, %scan3A_323 : i32
          %swap3A_375 = arith.index_cast %add3A_374 : i32 to index
          %swap3A_376 = arith.constant 16 : index
          %swap3A_377 = tpu.vector_load %arg14[%swap3A_375, %swap3A_376] {strides = array<i32>} : memref<256x64xf32, #tpu.memory_space<vmem>>, vector<1x16xf32>,
          %swap3A_378 = vector.shape_cast %swap3A_377 : vector<1x16xf32> to vector<16xf32>
          %swap3A_379 = vector.shape_cast %mul3A_372 : vector<16xf32> to vector<1x16xf32>
          tpu.vector_store %arg14[%swap3A_375, %swap3A_376], %swap3A_379 {strides = array<i32>} : memref<256x64xf32, #tpu.memory_space<vmem>>, vector<1x16xf32>,
          %add3A_380 = arith.constant 128 : i32
          %add3A_381 = arith.addi %add3A_380, %scan3A_323 : i32
          %get3A_382 = arith.index_cast %add3A_381 : i32 to index
          %get3A_383 = arith.constant 32 : index
          %get3A_384 = tpu.vector_load %arg14[%get3A_382, %get3A_383] {strides = array<i32>} : memref<256x64xf32, #tpu.memory_space<vmem>>, vector<1x16xf32>,
          %get3A_385 = vector.shape_cast %get3A_384 : vector<1x16xf32> to vector<16xf32>
          %add3A_386 = arith.constant 128 : i32
          %add3A_387 = arith.addi %add3A_386, %scan3A_323 : i32
          %get3A_388 = arith.index_cast %add3A_387 : i32 to index
          %get3A_389 = arith.constant 32 : index
          %get3A_390 = tpu.vector_load %arg13[%get3A_388, %get3A_389] {strides = array<i32>} : memref<256x64xf32, #tpu.memory_space<vmem>>, vector<1x16xf32>,
          %get3A_391 = vector.shape_cast %get3A_390 : vector<1x16xf32> to vector<16xf32>
          %neg3A_392 = arith.constant 0.000000e+00 : f32
          %neg3A_393 = vector.broadcast %neg3A_392 : f32 to vector<16xf32>
          %neg3A_394 = arith.subf %neg3A_393, %get3A_391 : vector<16xf32>
          %exp3A_395 = math.exp %neg3A_394 : vector<16xf32>
          %add3A_396 = arith.constant 1.000000e+00 : f32
          %add3A_397 = vector.broadcast %add3A_396 : f32 to vector<16xf32>
          %add3A_398 = arith.addf %add3A_397, %exp3A_395 : vector<16xf32>
          %div3A_399 = arith.constant 1.000000e+00 : f32
          %div3A_400 = vector.broadcast %div3A_399 : f32 to vector<16xf32>
          %div3A_401 = arith.divf %div3A_400, %add3A_398 : vector<16xf32>
          %mul3A_402 = arith.mulf %get3A_385, %div3A_401 : vector<16xf32>
          %add3A_403 = arith.constant 128 : i32
          %add3A_404 = arith.addi %add3A_403, %scan3A_323 : i32
          %swap3A_405 = arith.index_cast %add3A_404 : i32 to index
          %swap3A_406 = arith.constant 32 : index
          %swap3A_407 = tpu.vector_load %arg14[%swap3A_405, %swap3A_406] {strides = array<i32>} : memref<256x64xf32, #tpu.memory_space<vmem>>, vector<1x16xf32>,
          %swap3A_408 = vector.shape_cast %swap3A_407 : vector<1x16xf32> to vector<16xf32>
          %swap3A_409 = vector.shape_cast %mul3A_402 : vector<16xf32> to vector<1x16xf32>
          tpu.vector_store %arg14[%swap3A_405, %swap3A_406], %swap3A_409 {strides = array<i32>} : memref<256x64xf32, #tpu.memory_space<vmem>>, vector<1x16xf32>,
          %add3A_410 = arith.constant 128 : i32
          %add3A_411 = arith.addi %add3A_410, %scan3A_323 : i32
          %get3A_412 = arith.index_cast %add3A_411 : i32 to index
          %get3A_413 = arith.constant 48 : index
          %get3A_414 = tpu.vector_load %arg14[%get3A_412, %get3A_413] {strides = array<i32>} : memref<256x64xf32, #tpu.memory_space<vmem>>, vector<1x16xf32>,
          %get3A_415 = vector.shape_cast %get3A_414 : vector<1x16xf32> to vector<16xf32>
          %add3A_416 = arith.constant 128 : i32
          %add3A_417 = arith.addi %add3A_416, %scan3A_323 : i32
          %get3A_418 = arith.index_cast %add3A_417 : i32 to index
          %get3A_419 = arith.constant 48 : index
          %get3A_420 = tpu.vector_load %arg13[%get3A_418, %get3A_419] {strides = array<i32>} : memref<256x64xf32, #tpu.memory_space<vmem>>, vector<1x16xf32>,
          %get3A_421 = vector.shape_cast %get3A_420 : vector<1x16xf32> to vector<16xf32>
          %neg3A_422 = arith.constant 0.000000e+00 : f32
          %neg3A_423 = vector.broadcast %neg3A_422 : f32 to vector<16xf32>
          %neg3A_424 = arith.subf %neg3A_423, %get3A_421 : vector<16xf32>
          %exp3A_425 = math.exp %neg3A_424 : vector<16xf32>
          %add3A_426 = arith.constant 1.000000e+00 : f32
          %add3A_427 = vector.broadcast %add3A_426 : f32 to vector<16xf32>
          %add3A_428 = arith.addf %add3A_427, %exp3A_425 : vector<16xf32>
          %div3A_429 = arith.constant 1.000000e+00 : f32
          %div3A_430 = vector.broadcast %div3A_429 : f32 to vector<16xf32>
          %div3A_431 = arith.divf %div3A_430, %add3A_428 : vector<16xf32>
          %mul3A_432 = arith.mulf %get3A_415, %div3A_431 : vector<16xf32>
          %add3A_433 = arith.constant 128 : i32
          %add3A_434 = arith.addi %add3A_433, %scan3A_323 : i32
          %swap3A_435 = arith.index_cast %add3A_434 : i32 to index
          %swap3A_436 = arith.constant 48 : index
          %swap3A_437 = tpu.vector_load %arg14[%swap3A_435, %swap3A_436] {strides = array<i32>} : memref<256x64xf32, #tpu.memory_space<vmem>>, vector<1x16xf32>,
          %swap3A_438 = vector.shape_cast %swap3A_437 : vector<1x16xf32> to vector<16xf32>
          %swap3A_439 = vector.shape_cast %mul3A_432 : vector<16xf32> to vector<1x16xf32>
          tpu.vector_store %arg14[%swap3A_435, %swap3A_436], %swap3A_439 {strides = array<i32>} : memref<256x64xf32, #tpu.memory_space<vmem>>, vector<1x16xf32>,
          %scan3A_440 = arith.constant 0 : i32
          scf.yield %scan3A_440 : i32
        }
        %scan3A_248 = arith.constant 128 : i32
        %dma_start3A_249 = arith.constant 1 : i32
        %dma_start3A_250 = arith.constant 1 : i32
        %dma_start3A_251 = arith.constant 128 : i32
        %dma_start3A_252 = arith.constant 0 : i32
        %dma_start3A_253 = tpu.memref_slice %arg14[%dma_start3A_251, %dma_start3A_252] : memref<256x64xf32, #tpu.memory_space<vmem>> -> memref<128x64xf32, #tpu.memory_space<vmem>>
        %dma_start3A_254 = arith.constant 0 : i32
        %dma_start3A_255 = tpu.memref_slice %arg11[%dma_start3A_249, %dma_start3A_254] : memref<2x128xi32, #tpu.memory_space<vmem>> -> memref<1x128xi32, #tpu.memory_space<vmem>>
        %dma_start3A_256 = tpu.memref_squeeze %dma_start3A_255 : memref<1x128xi32, #tpu.memory_space<vmem>> -> memref<128xi32, #tpu.memory_space<vmem>>
        %dma_start3A_257 = arith.constant 0 : i32
        %dma_start3A_258 = arith.constant 0 : i32
        %dma_start3A_259 = tpu.memref_slice %arg20[%dma_start3A_257, %dma_start3A_258] : memref<10000x64xf32, #tpu.memory_space<vmem_shared>> -> memref<10000x64xf32, #tpu.memory_space<vmem_shared>>
        %dma_start3A_260 = tpu.memref_slice %arg25[%dma_start3A_250] : memref<2x!tpu.dma_semaphore, #tpu.memory_space<semaphore_mem>> -> memref<1x!tpu.dma_semaphore, #tpu.memory_space<semaphore_mem>>
        %dma_start3A_261 = tpu.memref_squeeze %dma_start3A_260 : memref<1x!tpu.dma_semaphore, #tpu.memory_space<semaphore_mem>> -> memref<!tpu.dma_semaphore, #tpu.memory_space<semaphore_mem>>
        tpu.enqueue_indirect_dma source(%dma_start3A_253 : memref<128x64xf32, #tpu.memory_space<vmem>>) target(%dma_start3A_259 : memref<10000x64xf32, #tpu.memory_space<vmem_shared>>) offsets(%dma_start3A_256 : memref<128xi32, #tpu.memory_space<vmem>>) semaphore(%dma_start3A_261 : memref<!tpu.dma_semaphore, #tpu.memory_space<semaphore_mem>>) {add = true}
        %eq3A_262 = arith.constant 0 : i32
        %eq3A_263 = arith.cmpi eq, %arg0, %eq3A_262 : i32
        %convert_element_type3A_264 = arith.extui %eq3A_263 : i1 to i32
        %cond3A_265 = arith.constant 0 : i32
        %cond3A_266 = arith.cmpi ne, %convert_element_type3A_264, %cond3A_265 : i32
        scf.if %cond3A_266 {
          %dma_start3A_323 = arith.constant 1 : i32
          %dma_start3A_324 = arith.constant 1 : i32
          %dma_start3A_325 = arith.constant 0 : i32
          %dma_start3A_326 = tpu.memref_slice %arg11[%dma_start3A_323, %dma_start3A_325] : memref<2x128xi32, #tpu.memory_space<vmem>> -> memref<1x128xi32, #tpu.memory_space<vmem>>
          %dma_start3A_327 = tpu.memref_squeeze %dma_start3A_326 : memref<1x128xi32, #tpu.memory_space<vmem>> -> memref<128xi32, #tpu.memory_space<vmem>>
          %dma_start3A_328 = arith.constant 0 : i32
          %dma_start3A_329 = arith.constant 0 : i32
          %dma_start3A_330 = tpu.memref_slice %arg21[%dma_start3A_328, %dma_start3A_329] : memref<10000x16xf32, #tpu.memory_space<vmem_shared>> -> memref<10000x16xf32, #tpu.memory_space<vmem_shared>>
          %dma_start3A_331 = tpu.memref_slice %arg26[%dma_start3A_324] : memref<2x!tpu.dma_semaphore, #tpu.memory_space<semaphore_mem>> -> memref<1x!tpu.dma_semaphore, #tpu.memory_space<semaphore_mem>>
          %dma_start3A_332 = tpu.memref_squeeze %dma_start3A_331 : memref<1x!tpu.dma_semaphore, #tpu.memory_space<semaphore_mem>> -> memref<!tpu.dma_semaphore, #tpu.memory_space<semaphore_mem>>
          tpu.enqueue_indirect_dma source(%arg17 : memref<128x16xf32, #tpu.memory_space<vmem>>) target(%dma_start3A_330 : memref<10000x16xf32, #tpu.memory_space<vmem_shared>>) offsets(%dma_start3A_327 : memref<128xi32, #tpu.memory_space<vmem>>) semaphore(%dma_start3A_332 : memref<!tpu.dma_semaphore, #tpu.memory_space<semaphore_mem>>) {add = true}
        } else {
        }
        %dma_wait3A_267 = arith.constant 1 : i32
        %dma_wait3A_268 = arith.constant 1 : i32
        %dma_wait3A_269 = arith.constant 128 : i32
        %dma_wait3A_270 = arith.constant 0 : i32
        %dma_wait3A_271 = tpu.memref_slice %arg15[%dma_wait3A_269, %dma_wait3A_270] : memref<256x64xf32, #tpu.memory_space<vmem>> -> memref<128x64xf32, #tpu.memory_space<vmem>>
        %dma_wait3A_272 = arith.constant 0 : i32
        %dma_wait3A_273 = tpu.memref_slice %arg11[%dma_wait3A_267, %dma_wait3A_272] : memref<2x128xi32, #tpu.memory_space<vmem>> -> memref<1x128xi32, #tpu.memory_space<vmem>>
        %dma_wait3A_274 = tpu.memref_squeeze %dma_wait3A_273 : memref<1x128xi32, #tpu.memory_space<vmem>> -> memref<128xi32, #tpu.memory_space<vmem>>
        %dma_wait3A_275 = arith.constant 0 : i32
        %dma_wait3A_276 = arith.constant 0 : i32
        %dma_wait3A_277 = tpu.memref_slice %arg6[%arg0, %dma_wait3A_275, %dma_wait3A_276] : memref<2x10000x64xf32, #tpu.memory_space<hbm>> -> memref<1x10000x64xf32, #tpu.memory_space<hbm>>
        %dma_wait3A_278 = tpu.memref_squeeze %dma_wait3A_277 : memref<1x10000x64xf32, #tpu.memory_space<hbm>> -> memref<10000x64xf32, #tpu.memory_space<hbm>>
        %dma_wait3A_279 = arith.constant 0 : i32
        %dma_wait3A_280 = arith.constant 0 : i32
        %dma_wait3A_281 = tpu.memref_slice %dma_wait3A_278[%dma_wait3A_279, %dma_wait3A_280] : memref<10000x64xf32, #tpu.memory_space<hbm>> -> memref<10000x64xf32, #tpu.memory_space<hbm>>
        %dma_wait3A_282 = tpu.memref_slice %arg24[%dma_wait3A_268] : memref<2x!tpu.dma_semaphore, #tpu.memory_space<semaphore_mem>> -> memref<1x!tpu.dma_semaphore, #tpu.memory_space<semaphore_mem>>
        %dma_wait3A_283 = tpu.memref_squeeze %dma_wait3A_282 : memref<1x!tpu.dma_semaphore, #tpu.memory_space<semaphore_mem>> -> memref<!tpu.dma_semaphore, #tpu.memory_space<semaphore_mem>>
        tpu.wait_indirect_dma semaphore(%dma_wait3A_283 : memref<!tpu.dma_semaphore, #tpu.memory_space<semaphore_mem>>) src(%dma_wait3A_281 : memref<10000x64xf32, #tpu.memory_space<hbm>>) dst(%dma_wait3A_271 : memref<128x64xf32, #tpu.memory_space<vmem>>)
        %dma_wait3A_284 = arith.constant 1 : i32
        %dma_wait3A_285 = arith.constant 1 : i32
        %dma_wait3A_286 = arith.constant 128 : i32
        %dma_wait3A_287 = arith.constant 0 : i32
        %dma_wait3A_288 = tpu.memref_slice %arg16[%dma_wait3A_286, %dma_wait3A_287] : memref<256x64xf32, #tpu.memory_space<vmem>> -> memref<128x64xf32, #tpu.memory_space<vmem>>
        %dma_wait3A_289 = arith.constant 0 : i32
        %dma_wait3A_290 = tpu.memref_slice %arg12[%dma_wait3A_284, %dma_wait3A_289] : memref<2x128xi32, #tpu.memory_space<vmem>> -> memref<1x128xi32, #tpu.memory_space<vmem>>
        %dma_wait3A_291 = tpu.memref_squeeze %dma_wait3A_290 : memref<1x128xi32, #tpu.memory_space<vmem>> -> memref<128xi32, #tpu.memory_space<vmem>>
        %dma_wait3A_292 = arith.constant 0 : i32
        %dma_wait3A_293 = arith.constant 0 : i32
        %dma_wait3A_294 = tpu.memref_slice %arg7[%arg0, %dma_wait3A_292, %dma_wait3A_293] : memref<2x10000x64xf32, #tpu.memory_space<hbm>> -> memref<1x10000x64xf32, #tpu.memory_space<hbm>>
        %dma_wait3A_295 = tpu.memref_squeeze %dma_wait3A_294 : memref<1x10000x64xf32, #tpu.memory_space<hbm>> -> memref<10000x64xf32, #tpu.memory_space<hbm>>
        %dma_wait3A_296 = arith.constant 0 : i32
        %dma_wait3A_297 = arith.constant 0 : i32
        %dma_wait3A_298 = tpu.memref_slice %dma_wait3A_295[%dma_wait3A_296, %dma_wait3A_297] : memref<10000x64xf32, #tpu.memory_space<hbm>> -> memref<10000x64xf32, #tpu.memory_space<hbm>>
        %dma_wait3A_299 = tpu.memref_slice %arg24[%dma_wait3A_285] : memref<2x!tpu.dma_semaphore, #tpu.memory_space<semaphore_mem>> -> memref<1x!tpu.dma_semaphore, #tpu.memory_space<semaphore_mem>>
        %dma_wait3A_300 = tpu.memref_squeeze %dma_wait3A_299 : memref<1x!tpu.dma_semaphore, #tpu.memory_space<semaphore_mem>> -> memref<!tpu.dma_semaphore, #tpu.memory_space<semaphore_mem>>
        tpu.wait_indirect_dma semaphore(%dma_wait3A_300 : memref<!tpu.dma_semaphore, #tpu.memory_space<semaphore_mem>>) src(%dma_wait3A_298 : memref<10000x64xf32, #tpu.memory_space<hbm>>) dst(%dma_wait3A_288 : memref<128x64xf32, #tpu.memory_space<vmem>>)
        %scan3A_301 = arith.constant 0 : i32
        %scan3A_302 = arith.constant 0 : i32
        %scan3A_303 = arith.constant 128 : i32
        %scan3A_304 = arith.addi %scan3A_302, %scan3A_303 : i32
        %scan3A_305 = arith.constant 1 : i32
        %scan3A_306 = scf.for %scan3A_323 = %scan3A_302 to %scan3A_304 step %scan3A_305 iter_args(%scan3A_324 = %scan3A_301) -> (i32)  : i32 {
          %add3A_325 = arith.constant 128 : i32
          %add3A_326 = arith.addi %add3A_325, %scan3A_323 : i32
          %get3A = arith.index_cast %add3A_326 : i32 to index
          %get3A_327 = arith.constant 0 : index
          %get3A_328 = tpu.vector_load %arg15[%get3A, %get3A_327] {strides = array<i32>} : memref<256x64xf32, #tpu.memory_space<vmem>>, vector<1x16xf32>,
          %get3A_329 = vector.shape_cast %get3A_328 : vector<1x16xf32> to vector<16xf32>
          %add3A_330 = arith.constant 128 : i32
          %add3A_331 = arith.addi %add3A_330, %scan3A_323 : i32
          %get3A_332 = arith.index_cast %add3A_331 : i32 to index
          %get3A_333 = arith.constant 0 : index
          %get3A_334 = tpu.vector_load %arg16[%get3A_332, %get3A_333] {strides = array<i32>} : memref<256x64xf32, #tpu.memory_space<vmem>>, vector<1x16xf32>,
          %get3A_335 = vector.shape_cast %get3A_334 : vector<1x16xf32> to vector<16xf32>
          %add3A_336 = arith.addf %get3A_329, %get3A_335 : vector<16xf32>
          %add3A_337 = arith.constant 128 : i32
          %add3A_338 = arith.addi %add3A_337, %scan3A_323 : i32
          %swap3A = arith.index_cast %add3A_338 : i32 to index
          %swap3A_339 = arith.constant 0 : index
          %swap3A_340 = tpu.vector_load %arg15[%swap3A, %swap3A_339] {strides = array<i32>} : memref<256x64xf32, #tpu.memory_space<vmem>>, vector<1x16xf32>,
          %swap3A_341 = vector.shape_cast %swap3A_340 : vector<1x16xf32> to vector<16xf32>
          %swap3A_342 = vector.shape_cast %add3A_336 : vector<16xf32> to vector<1x16xf32>
          tpu.vector_store %arg15[%swap3A, %swap3A_339], %swap3A_342 {strides = array<i32>} : memref<256x64xf32, #tpu.memory_space<vmem>>, vector<1x16xf32>,
          %add3A_343 = arith.constant 128 : i32
          %add3A_344 = arith.addi %add3A_343, %scan3A_323 : i32
          %get3A_345 = arith.index_cast %add3A_344 : i32 to index
          %get3A_346 = arith.constant 16 : index
          %get3A_347 = tpu.vector_load %arg15[%get3A_345, %get3A_346] {strides = array<i32>} : memref<256x64xf32, #tpu.memory_space<vmem>>, vector<1x16xf32>,
          %get3A_348 = vector.shape_cast %get3A_347 : vector<1x16xf32> to vector<16xf32>
          %add3A_349 = arith.constant 128 : i32
          %add3A_350 = arith.addi %add3A_349, %scan3A_323 : i32
          %get3A_351 = arith.index_cast %add3A_350 : i32 to index
          %get3A_352 = arith.constant 16 : index
          %get3A_353 = tpu.vector_load %arg16[%get3A_351, %get3A_352] {strides = array<i32>} : memref<256x64xf32, #tpu.memory_space<vmem>>, vector<1x16xf32>,
          %get3A_354 = vector.shape_cast %get3A_353 : vector<1x16xf32> to vector<16xf32>
          %add3A_355 = arith.addf %get3A_348, %get3A_354 : vector<16xf32>
          %add3A_356 = arith.constant 128 : i32
          %add3A_357 = arith.addi %add3A_356, %scan3A_323 : i32
          %swap3A_358 = arith.index_cast %add3A_357 : i32 to index
          %swap3A_359 = arith.constant 16 : index
          %swap3A_360 = tpu.vector_load %arg15[%swap3A_358, %swap3A_359] {strides = array<i32>} : memref<256x64xf32, #tpu.memory_space<vmem>>, vector<1x16xf32>,
          %swap3A_361 = vector.shape_cast %swap3A_360 : vector<1x16xf32> to vector<16xf32>
          %swap3A_362 = vector.shape_cast %add3A_355 : vector<16xf32> to vector<1x16xf32>
          tpu.vector_store %arg15[%swap3A_358, %swap3A_359], %swap3A_362 {strides = array<i32>} : memref<256x64xf32, #tpu.memory_space<vmem>>, vector<1x16xf32>,
          %add3A_363 = arith.constant 128 : i32
          %add3A_364 = arith.addi %add3A_363, %scan3A_323 : i32
          %get3A_365 = arith.index_cast %add3A_364 : i32 to index
          %get3A_366 = arith.constant 32 : index
          %get3A_367 = tpu.vector_load %arg15[%get3A_365, %get3A_366] {strides = array<i32>} : memref<256x64xf32, #tpu.memory_space<vmem>>, vector<1x16xf32>,
          %get3A_368 = vector.shape_cast %get3A_367 : vector<1x16xf32> to vector<16xf32>
          %add3A_369 = arith.constant 128 : i32
          %add3A_370 = arith.addi %add3A_369, %scan3A_323 : i32
          %get3A_371 = arith.index_cast %add3A_370 : i32 to index
          %get3A_372 = arith.constant 32 : index
          %get3A_373 = tpu.vector_load %arg16[%get3A_371, %get3A_372] {strides = array<i32>} : memref<256x64xf32, #tpu.memory_space<vmem>>, vector<1x16xf32>,
          %get3A_374 = vector.shape_cast %get3A_373 : vector<1x16xf32> to vector<16xf32>
          %add3A_375 = arith.addf %get3A_368, %get3A_374 : vector<16xf32>
          %add3A_376 = arith.constant 128 : i32
          %add3A_377 = arith.addi %add3A_376, %scan3A_323 : i32
          %swap3A_378 = arith.index_cast %add3A_377 : i32 to index
          %swap3A_379 = arith.constant 32 : index
          %swap3A_380 = tpu.vector_load %arg15[%swap3A_378, %swap3A_379] {strides = array<i32>} : memref<256x64xf32, #tpu.memory_space<vmem>>, vector<1x16xf32>,
          %swap3A_381 = vector.shape_cast %swap3A_380 : vector<1x16xf32> to vector<16xf32>
          %swap3A_382 = vector.shape_cast %add3A_375 : vector<16xf32> to vector<1x16xf32>
          tpu.vector_store %arg15[%swap3A_378, %swap3A_379], %swap3A_382 {strides = array<i32>} : memref<256x64xf32, #tpu.memory_space<vmem>>, vector<1x16xf32>,
          %add3A_383 = arith.constant 128 : i32
          %add3A_384 = arith.addi %add3A_383, %scan3A_323 : i32
          %get3A_385 = arith.index_cast %add3A_384 : i32 to index
          %get3A_386 = arith.constant 48 : index
          %get3A_387 = tpu.vector_load %arg15[%get3A_385, %get3A_386] {strides = array<i32>} : memref<256x64xf32, #tpu.memory_space<vmem>>, vector<1x16xf32>,
          %get3A_388 = vector.shape_cast %get3A_387 : vector<1x16xf32> to vector<16xf32>
          %add3A_389 = arith.constant 128 : i32
          %add3A_390 = arith.addi %add3A_389, %scan3A_323 : i32
          %get3A_391 = arith.index_cast %add3A_390 : i32 to index
          %get3A_392 = arith.constant 48 : index
          %get3A_393 = tpu.vector_load %arg16[%get3A_391, %get3A_392] {strides = array<i32>} : memref<256x64xf32, #tpu.memory_space<vmem>>, vector<1x16xf32>,
          %get3A_394 = vector.shape_cast %get3A_393 : vector<1x16xf32> to vector<16xf32>
          %add3A_395 = arith.addf %get3A_388, %get3A_394 : vector<16xf32>
          %add3A_396 = arith.constant 128 : i32
          %add3A_397 = arith.addi %add3A_396, %scan3A_323 : i32
          %swap3A_398 = arith.index_cast %add3A_397 : i32 to index
          %swap3A_399 = arith.constant 48 : index
          %swap3A_400 = tpu.vector_load %arg15[%swap3A_398, %swap3A_399] {strides = array<i32>} : memref<256x64xf32, #tpu.memory_space<vmem>>, vector<1x16xf32>,
          %swap3A_401 = vector.shape_cast %swap3A_400 : vector<1x16xf32> to vector<16xf32>
          %swap3A_402 = vector.shape_cast %add3A_395 : vector<16xf32> to vector<1x16xf32>
          tpu.vector_store %arg15[%swap3A_398, %swap3A_399], %swap3A_402 {strides = array<i32>} : memref<256x64xf32, #tpu.memory_space<vmem>>, vector<1x16xf32>,
          %scan3A_403 = arith.constant 0 : i32
          scf.yield %scan3A_403 : i32
        }
        %scan3A_307 = arith.constant 128 : i32
        %mul3A_308 = arith.constant 128 : i32
        %mul3A_309 = arith.muli %add3A_114, %mul3A_308 : i32
        %mul3A_310 = arith.constant 64 : i32
        %mul3A_311 = arith.muli %arg0, %mul3A_310 : i32
        %dma_start3A_312 = arith.constant 1 : i32
        %dma_start3A_313 = arith.constant 128 : i32
        %dma_start3A_314 = arith.constant 0 : i32
        %dma_start3A_315 = tpu.memref_slice %arg15[%dma_start3A_313, %dma_start3A_314] : memref<256x64xf32, #tpu.memory_space<vmem>> -> memref<128x64xf32, #tpu.memory_space<vmem>>
        %dma_start3A_316 = tpu.memref_slice %arg10[%mul3A_309, %mul3A_311] : memref<320000x128xf32, #tpu.memory_space<hbm>> -> memref<128x64xf32, #tpu.memory_space<hbm>>
        %dma_start3A_317 = tpu.memref_slice %arg27[%dma_start3A_312] : memref<2x!tpu.dma_semaphore, #tpu.memory_space<semaphore_mem>> -> memref<1x!tpu.dma_semaphore, #tpu.memory_space<semaphore_mem>>
        %dma_start3A_318 = tpu.memref_squeeze %dma_start3A_317 : memref<1x!tpu.dma_semaphore, #tpu.memory_space<semaphore_mem>> -> memref<!tpu.dma_semaphore, #tpu.memory_space<semaphore_mem>>
        %dma_start3A_319 = tpu.memref_slice %arg10[%mul3A_309, %mul3A_311] : memref<320000x128xf32, #tpu.memory_space<hbm>> -> memref<128x64xf32, #tpu.memory_space<hbm>>
        %dma_start3A_320 = arith.constant 128 : i32
        %dma_start3A_321 = arith.constant 0 : i32
        %dma_start3A_322 = tpu.memref_slice %arg15[%dma_start3A_320, %dma_start3A_321] : memref<256x64xf32, #tpu.memory_space<vmem>> -> memref<128x64xf32, #tpu.memory_space<vmem>>
        tpu.enqueue_dma source(%dma_start3A_322 : memref<128x64xf32, #tpu.memory_space<vmem>>) target(%dma_start3A_319 : memref<128x64xf32, #tpu.memory_space<hbm>>) target_semaphore(%dma_start3A_318 : memref<!tpu.dma_semaphore, #tpu.memory_space<semaphore_mem>>)
      } else {
      }
      %scan3A_120 = arith.constant 0 : i32
      scf.yield %scan3A_120 : i32
    }
    %scan3A_82 = arith.constant 79 : i32
    %add3A_83 = arith.constant 2496 : i32
    %add3A_84 = arith.addi %arg1, %add3A_83 : i32
    %lt3A = arith.constant 2500 : i32
    %lt3A_85 = arith.cmpi slt, %add3A_84, %lt3A : i32
    %convert_element_type3A = arith.extui %lt3A_85 : i1 to i32
    %cond3A = arith.constant 0 : i32
    %cond3A_86 = arith.cmpi ne, %convert_element_type3A, %cond3A : i32
    scf.if %cond3A_86 {
      %dma_wait3A = arith.constant 0 : i32
      %dma_wait3A_96 = arith.constant 0 : i32
      %dma_wait3A_97 = arith.constant 0 : i32
      %dma_wait3A_98 = arith.constant 0 : i32
      %dma_wait3A_99 = tpu.memref_slice %arg14[%dma_wait3A_97, %dma_wait3A_98] : memref<256x64xf32, #tpu.memory_space<vmem>> -> memref<128x64xf32, #tpu.memory_space<vmem>>
      %dma_wait3A_100 = arith.constant 0 : i32
      %dma_wait3A_101 = tpu.memref_slice %arg11[%dma_wait3A, %dma_wait3A_100] : memref<2x128xi32, #tpu.memory_space<vmem>> -> memref<1x128xi32, #tpu.memory_space<vmem>>
      %dma_wait3A_102 = tpu.memref_squeeze %dma_wait3A_101 : memref<1x128xi32, #tpu.memory_space<vmem>> -> memref<128xi32, #tpu.memory_space<vmem>>
      %dma_wait3A_103 = arith.constant 0 : i32
      %dma_wait3A_104 = arith.constant 0 : i32
      %dma_wait3A_105 = tpu.memref_slice %arg20[%dma_wait3A_103, %dma_wait3A_104] : memref<10000x64xf32, #tpu.memory_space<vmem_shared>> -> memref<10000x64xf32, #tpu.memory_space<vmem_shared>>
      %dma_wait3A_106 = tpu.memref_slice %arg25[%dma_wait3A_96] : memref<2x!tpu.dma_semaphore, #tpu.memory_space<semaphore_mem>> -> memref<1x!tpu.dma_semaphore, #tpu.memory_space<semaphore_mem>>
      %dma_wait3A_107 = tpu.memref_squeeze %dma_wait3A_106 : memref<1x!tpu.dma_semaphore, #tpu.memory_space<semaphore_mem>> -> memref<!tpu.dma_semaphore, #tpu.memory_space<semaphore_mem>>
      tpu.wait_indirect_dma semaphore(%dma_wait3A_107 : memref<!tpu.dma_semaphore, #tpu.memory_space<semaphore_mem>>) src(%dma_wait3A_99 : memref<128x64xf32, #tpu.memory_space<vmem>>) dst(%dma_wait3A_105 : memref<10000x64xf32, #tpu.memory_space<vmem_shared>>)
      %eq3A_108 = arith.constant 0 : i32
      %eq3A_109 = arith.cmpi eq, %arg0, %eq3A_108 : i32
      %convert_element_type3A_110 = arith.extui %eq3A_109 : i1 to i32
      %cond3A_111 = arith.constant 0 : i32
      %cond3A_112 = arith.cmpi ne, %convert_element_type3A_110, %cond3A_111 : i32
      scf.if %cond3A_112 {
        %dma_wait3A_130 = arith.constant 0 : i32
        %dma_wait3A_131 = arith.constant 0 : i32
        %dma_wait3A_132 = arith.constant 0 : i32
        %dma_wait3A_133 = tpu.memref_slice %arg11[%dma_wait3A_130, %dma_wait3A_132] : memref<2x128xi32, #tpu.memory_space<vmem>> -> memref<1x128xi32, #tpu.memory_space<vmem>>
        %dma_wait3A_134 = tpu.memref_squeeze %dma_wait3A_133 : memref<1x128xi32, #tpu.memory_space<vmem>> -> memref<128xi32, #tpu.memory_space<vmem>>
        %dma_wait3A_135 = arith.constant 0 : i32
        %dma_wait3A_136 = arith.constant 0 : i32
        %dma_wait3A_137 = tpu.memref_slice %arg21[%dma_wait3A_135, %dma_wait3A_136] : memref<10000x16xf32, #tpu.memory_space<vmem_shared>> -> memref<10000x16xf32, #tpu.memory_space<vmem_shared>>
        %dma_wait3A_138 = tpu.memref_slice %arg26[%dma_wait3A_131] : memref<2x!tpu.dma_semaphore, #tpu.memory_space<semaphore_mem>> -> memref<1x!tpu.dma_semaphore, #tpu.memory_space<semaphore_mem>>
        %dma_wait3A_139 = tpu.memref_squeeze %dma_wait3A_138 : memref<1x!tpu.dma_semaphore, #tpu.memory_space<semaphore_mem>> -> memref<!tpu.dma_semaphore, #tpu.memory_space<semaphore_mem>>
        tpu.wait_indirect_dma semaphore(%dma_wait3A_139 : memref<!tpu.dma_semaphore, #tpu.memory_space<semaphore_mem>>) src(%arg17 : memref<128x16xf32, #tpu.memory_space<vmem>>) dst(%dma_wait3A_137 : memref<10000x16xf32, #tpu.memory_space<vmem_shared>>)
      } else {
      }
      %add3A_113 = arith.constant 2496 : i32
      %add3A_114 = arith.addi %arg1, %add3A_113 : i32
      %mul3A_115 = arith.constant 128 : i32
      %mul3A_116 = arith.muli %add3A_114, %mul3A_115 : i32
      %mul3A_117 = arith.constant 64 : i32
      %mul3A_118 = arith.muli %arg0, %mul3A_117 : i32
      %dma_wait3A_119 = arith.constant 0 : i32
      %dma_wait3A_120 = arith.constant 0 : i32
      %dma_wait3A_121 = arith.constant 0 : i32
      %dma_wait3A_122 = tpu.memref_slice %arg15[%dma_wait3A_120, %dma_wait3A_121] : memref<256x64xf32, #tpu.memory_space<vmem>> -> memref<128x64xf32, #tpu.memory_space<vmem>>
      %dma_wait3A_123 = tpu.memref_slice %arg10[%mul3A_116, %mul3A_118] : memref<320000x128xf32, #tpu.memory_space<hbm>> -> memref<128x64xf32, #tpu.memory_space<hbm>>
      %dma_wait3A_124 = tpu.memref_slice %arg27[%dma_wait3A_119] : memref<2x!tpu.dma_semaphore, #tpu.memory_space<semaphore_mem>> -> memref<1x!tpu.dma_semaphore, #tpu.memory_space<semaphore_mem>>
      %dma_wait3A_125 = tpu.memref_squeeze %dma_wait3A_124 : memref<1x!tpu.dma_semaphore, #tpu.memory_space<semaphore_mem>> -> memref<!tpu.dma_semaphore, #tpu.memory_space<semaphore_mem>>
      %dma_wait3A_126 = tpu.memref_slice %arg10[%mul3A_116, %mul3A_118] : memref<320000x128xf32, #tpu.memory_space<hbm>> -> memref<128x64xf32, #tpu.memory_space<hbm>>
      %dma_wait3A_127 = arith.constant 0 : i32
      %dma_wait3A_128 = arith.constant 0 : i32
      %dma_wait3A_129 = tpu.memref_slice %arg15[%dma_wait3A_127, %dma_wait3A_128] : memref<256x64xf32, #tpu.memory_space<vmem>> -> memref<128x64xf32, #tpu.memory_space<vmem>>
      tpu.wait_dma2 semaphore(%dma_wait3A_125 : memref<!tpu.dma_semaphore, #tpu.memory_space<semaphore_mem>>) src(%dma_wait3A_129 : memref<128x64xf32, #tpu.memory_space<vmem>>) dst(%dma_wait3A_126 : memref<128x64xf32, #tpu.memory_space<hbm>>)
    } else {
    }
    %not3A = arith.constant true
    %not3A_87 = arith.xori %lt3A_85, %not3A : i1
    %convert_element_type3A_88 = arith.extui %not3A_87 : i1 to i32
    %cond3A_89 = arith.constant 0 : i32
    %cond3A_90 = arith.cmpi ne, %convert_element_type3A_88, %cond3A_89 : i32
    scf.if %cond3A_90 {
      %dma_wait3A = arith.constant 1 : i32
      %dma_wait3A_96 = arith.constant 1 : i32
      %dma_wait3A_97 = arith.constant 128 : i32
      %dma_wait3A_98 = arith.constant 0 : i32
      %dma_wait3A_99 = tpu.memref_slice %arg14[%dma_wait3A_97, %dma_wait3A_98] : memref<256x64xf32, #tpu.memory_space<vmem>> -> memref<128x64xf32, #tpu.memory_space<vmem>>
      %dma_wait3A_100 = arith.constant 0 : i32
      %dma_wait3A_101 = tpu.memref_slice %arg11[%dma_wait3A, %dma_wait3A_100] : memref<2x128xi32, #tpu.memory_space<vmem>> -> memref<1x128xi32, #tpu.memory_space<vmem>>
      %dma_wait3A_102 = tpu.memref_squeeze %dma_wait3A_101 : memref<1x128xi32, #tpu.memory_space<vmem>> -> memref<128xi32, #tpu.memory_space<vmem>>
      %dma_wait3A_103 = arith.constant 0 : i32
      %dma_wait3A_104 = arith.constant 0 : i32
      %dma_wait3A_105 = tpu.memref_slice %arg20[%dma_wait3A_103, %dma_wait3A_104] : memref<10000x64xf32, #tpu.memory_space<vmem_shared>> -> memref<10000x64xf32, #tpu.memory_space<vmem_shared>>
      %dma_wait3A_106 = tpu.memref_slice %arg25[%dma_wait3A_96] : memref<2x!tpu.dma_semaphore, #tpu.memory_space<semaphore_mem>> -> memref<1x!tpu.dma_semaphore, #tpu.memory_space<semaphore_mem>>
      %dma_wait3A_107 = tpu.memref_squeeze %dma_wait3A_106 : memref<1x!tpu.dma_semaphore, #tpu.memory_space<semaphore_mem>> -> memref<!tpu.dma_semaphore, #tpu.memory_space<semaphore_mem>>
      tpu.wait_indirect_dma semaphore(%dma_wait3A_107 : memref<!tpu.dma_semaphore, #tpu.memory_space<semaphore_mem>>) src(%dma_wait3A_99 : memref<128x64xf32, #tpu.memory_space<vmem>>) dst(%dma_wait3A_105 : memref<10000x64xf32, #tpu.memory_space<vmem_shared>>)
      %eq3A_108 = arith.constant 0 : i32
      %eq3A_109 = arith.cmpi eq, %arg0, %eq3A_108 : i32
      %convert_element_type3A_110 = arith.extui %eq3A_109 : i1 to i32
      %cond3A_111 = arith.constant 0 : i32
      %cond3A_112 = arith.cmpi ne, %convert_element_type3A_110, %cond3A_111 : i32
      scf.if %cond3A_112 {
        %dma_wait3A_130 = arith.constant 1 : i32
        %dma_wait3A_131 = arith.constant 1 : i32
        %dma_wait3A_132 = arith.constant 0 : i32
        %dma_wait3A_133 = tpu.memref_slice %arg11[%dma_wait3A_130, %dma_wait3A_132] : memref<2x128xi32, #tpu.memory_space<vmem>> -> memref<1x128xi32, #tpu.memory_space<vmem>>
        %dma_wait3A_134 = tpu.memref_squeeze %dma_wait3A_133 : memref<1x128xi32, #tpu.memory_space<vmem>> -> memref<128xi32, #tpu.memory_space<vmem>>
        %dma_wait3A_135 = arith.constant 0 : i32
        %dma_wait3A_136 = arith.constant 0 : i32
        %dma_wait3A_137 = tpu.memref_slice %arg21[%dma_wait3A_135, %dma_wait3A_136] : memref<10000x16xf32, #tpu.memory_space<vmem_shared>> -> memref<10000x16xf32, #tpu.memory_space<vmem_shared>>
        %dma_wait3A_138 = tpu.memref_slice %arg26[%dma_wait3A_131] : memref<2x!tpu.dma_semaphore, #tpu.memory_space<semaphore_mem>> -> memref<1x!tpu.dma_semaphore, #tpu.memory_space<semaphore_mem>>
        %dma_wait3A_139 = tpu.memref_squeeze %dma_wait3A_138 : memref<1x!tpu.dma_semaphore, #tpu.memory_space<semaphore_mem>> -> memref<!tpu.dma_semaphore, #tpu.memory_space<semaphore_mem>>
        tpu.wait_indirect_dma semaphore(%dma_wait3A_139 : memref<!tpu.dma_semaphore, #tpu.memory_space<semaphore_mem>>) src(%arg17 : memref<128x16xf32, #tpu.memory_space<vmem>>) dst(%dma_wait3A_137 : memref<10000x16xf32, #tpu.memory_space<vmem_shared>>)
      } else {
      }
      %add3A_113 = arith.constant 2480 : i32
      %add3A_114 = arith.addi %arg1, %add3A_113 : i32
      %mul3A_115 = arith.constant 128 : i32
      %mul3A_116 = arith.muli %add3A_114, %mul3A_115 : i32
      %mul3A_117 = arith.constant 64 : i32
      %mul3A_118 = arith.muli %arg0, %mul3A_117 : i32
      %dma_wait3A_119 = arith.constant 1 : i32
      %dma_wait3A_120 = arith.constant 128 : i32
      %dma_wait3A_121 = arith.constant 0 : i32
      %dma_wait3A_122 = tpu.memref_slice %arg15[%dma_wait3A_120, %dma_wait3A_121] : memref<256x64xf32, #tpu.memory_space<vmem>> -> memref<128x64xf32, #tpu.memory_space<vmem>>
      %dma_wait3A_123 = tpu.memref_slice %arg10[%mul3A_116, %mul3A_118] : memref<320000x128xf32, #tpu.memory_space<hbm>> -> memref<128x64xf32, #tpu.memory_space<hbm>>
      %dma_wait3A_124 = tpu.memref_slice %arg27[%dma_wait3A_119] : memref<2x!tpu.dma_semaphore, #tpu.memory_space<semaphore_mem>> -> memref<1x!tpu.dma_semaphore, #tpu.memory_space<semaphore_mem>>
      %dma_wait3A_125 = tpu.memref_squeeze %dma_wait3A_124 : memref<1x!tpu.dma_semaphore, #tpu.memory_space<semaphore_mem>> -> memref<!tpu.dma_semaphore, #tpu.memory_space<semaphore_mem>>
      %dma_wait3A_126 = tpu.memref_slice %arg10[%mul3A_116, %mul3A_118] : memref<320000x128xf32, #tpu.memory_space<hbm>> -> memref<128x64xf32, #tpu.memory_space<hbm>>
      %dma_wait3A_127 = arith.constant 128 : i32
      %dma_wait3A_128 = arith.constant 0 : i32
      %dma_wait3A_129 = tpu.memref_slice %arg15[%dma_wait3A_127, %dma_wait3A_128] : memref<256x64xf32, #tpu.memory_space<vmem>> -> memref<128x64xf32, #tpu.memory_space<vmem>>
      tpu.wait_dma2 semaphore(%dma_wait3A_125 : memref<!tpu.dma_semaphore, #tpu.memory_space<semaphore_mem>>) src(%dma_wait3A_129 : memref<128x64xf32, #tpu.memory_space<vmem>>) dst(%dma_wait3A_126 : memref<128x64xf32, #tpu.memory_space<hbm>>)
    } else {
    }
    %barrier3A_91 = arith.constant 0 : index
    tpu.barrier barrier_id(%barrier3A_91)
    %eq3A = arith.constant 0 : i32
    %eq3A_92 = arith.cmpi eq, %arg1, %eq3A : i32
    %convert_element_type3A_93 = arith.extui %eq3A_92 : i1 to i32
    %cond3A_94 = arith.constant 0 : i32
    %cond3A_95 = arith.cmpi ne, %convert_element_type3A_93, %cond3A_94 : i32
    scf.if %cond3A_95 {
      "tpu.region"() ({
        %run_scoped3A = tpu.sem_alloc : memref<!tpu.dma_semaphore, #tpu.memory_space<semaphore_mem>>
        %dma_start3A_101 = arith.constant 0 : i32
        %dma_start3A_102 = arith.constant 0 : i32
        %dma_start3A_103 = tpu.memref_slice %arg8[%arg0, %dma_start3A_101, %dma_start3A_102] : memref<2x10000x64xf32, #tpu.memory_space<hbm>> -> memref<1x10000x64xf32, #tpu.memory_space<hbm>>
        %dma_start3A_104 = tpu.memref_squeeze %dma_start3A_103 : memref<1x10000x64xf32, #tpu.memory_space<hbm>> -> memref<10000x64xf32, #tpu.memory_space<hbm>>
        tpu.enqueue_dma source(%arg20 : memref<10000x64xf32, #tpu.memory_space<vmem_shared>>) target(%dma_start3A_104 : memref<10000x64xf32, #tpu.memory_space<hbm>>) target_semaphore(%run_scoped3A : memref<!tpu.dma_semaphore, #tpu.memory_space<semaphore_mem>>)
        %dma_wait3A = arith.constant 0 : i32
        %dma_wait3A_105 = arith.constant 0 : i32
        %dma_wait3A_106 = tpu.memref_slice %arg8[%arg0, %dma_wait3A, %dma_wait3A_105] : memref<2x10000x64xf32, #tpu.memory_space<hbm>> -> memref<1x10000x64xf32, #tpu.memory_space<hbm>>
        %dma_wait3A_107 = tpu.memref_squeeze %dma_wait3A_106 : memref<1x10000x64xf32, #tpu.memory_space<hbm>> -> memref<10000x64xf32, #tpu.memory_space<hbm>>
        tpu.wait_dma2 semaphore(%run_scoped3A : memref<!tpu.dma_semaphore, #tpu.memory_space<semaphore_mem>>) src(%arg20 : memref<10000x64xf32, #tpu.memory_space<vmem_shared>>) dst(%dma_wait3A_107 : memref<10000x64xf32, #tpu.memory_space<hbm>>)
        tpu.yield
      }) : () -> ()
      %eq3A_96 = arith.constant 0 : i32
      %eq3A_97 = arith.cmpi eq, %arg0, %eq3A_96 : i32
      %convert_element_type3A_98 = arith.extui %eq3A_97 : i1 to i32
      %cond3A_99 = arith.constant 0 : i32
      %cond3A_100 = arith.cmpi ne, %convert_element_type3A_98, %cond3A_99 : i32
      scf.if %cond3A_100 {
        "tpu.region"() ({
          %run_scoped3A = tpu.sem_alloc : memref<!tpu.dma_semaphore, #tpu.memory_space<semaphore_mem>>
          tpu.enqueue_dma source(%arg21 : memref<10000x16xf32, #tpu.memory_space<vmem_shared>>) target(%arg9 : memref<10000x16xf32, #tpu.memory_space<hbm>>) target_semaphore(%run_scoped3A : memref<!tpu.dma_semaphore, #tpu.memory_space<semaphore_mem>>)
          tpu.wait_dma2 semaphore(%run_scoped3A : memref<!tpu.dma_semaphore, #tpu.memory_space<semaphore_mem>>) src(%arg21 : memref<10000x16xf32, #tpu.memory_space<vmem_shared>>) dst(%arg9 : memref<10000x16xf32, #tpu.memory_space<hbm>>)
          tpu.yield
        }) : () -> ()
      } else {
      }
    } else {
    }
    return
  }
}

module attributes {stable_mosaic.version = 14 : i64} {
  func.func @_node_mm_body(%arg0: memref<10000x128xf32, #tpu.memory_space<vmem>>, %arg1: memref<128x512xf32, #tpu.memory_space<vmem>>, %arg2: memref<1x512xf32, #tpu.memory_space<vmem>>, %arg3: memref<10000x512xf32, #tpu.memory_space<vmem>>) attributes {dimension_semantics = [], scalar_prefetch = 0 : i64, scratch_operands = 0 : i64, tpu.core_type = #tpu.core_type<tc>} {
    %get3A = arith.constant 0 : index
    %get3A_0 = arith.constant 0 : index
    %get3A_1 = vector.load %arg0[%get3A, %get3A_0] : memref<10000x128xf32, #tpu.memory_space<vmem>>, vector<10000x128xf32>
    %get3A_2 = arith.constant 0 : index
    %get3A_3 = arith.constant 0 : index
    %get3A_4 = vector.load %arg1[%get3A_2, %get3A_3] : memref<128x512xf32, #tpu.memory_space<vmem>>, vector<128x512xf32>
    %dot_general3A = arith.constant dense<0.000000e+00> : vector<10000x512xf32>
    %dot_general3A_5 = tpu.matmul %get3A_1, %get3A_4, %dot_general3A {dimension_numbers = #tpu.dot_dimension_numbers<[1], [0], [0], [1], [0, 0, 1, 1], [], []>, transpose_lhs_hint = false} : vector<10000x128xf32>, vector<128x512xf32>, vector<10000x512xf32> -> vector<10000x512xf32>
    %get3A_6 = arith.constant 0 : index
    %get3A_7 = arith.constant 0 : index
    %get3A_8 = vector.load %arg2[%get3A_6, %get3A_7] : memref<1x512xf32, #tpu.memory_space<vmem>>, vector<1x512xf32>
    %add3A = vector.broadcast %get3A_8 : vector<1x512xf32> to vector<10000x512xf32>
    %add3A_9 = arith.addf %dot_general3A_5, %add3A : vector<10000x512xf32>
    %swap3A = arith.constant 0 : index
    %swap3A_10 = arith.constant 0 : index
    %swap3A_11 = vector.load %arg3[%swap3A, %swap3A_10] : memref<10000x512xf32, #tpu.memory_space<vmem>>, vector<10000x512xf32>
    tpu.vector_store %arg3[%swap3A, %swap3A_10], %add3A_9 {strides = array<i32>} : memref<10000x512xf32, #tpu.memory_space<vmem>>, vector<10000x512xf32>,
    return
  }
}

module attributes {stable_mosaic.version = 14 : i64} {
  func.func @_edge_stats_body(%arg0: i32, %arg1: memref<8000x128xf32, #tpu.memory_space<vmem>>, %arg2: memref<8000x128xf32, #tpu.memory_space<vmem>>, %arg3: memref<128x128xf32, #tpu.memory_space<vmem>>, %arg4: memref<1x128xf32, #tpu.memory_space<vmem>>, %arg5: memref<1x128xf32, #tpu.memory_space<vmem>>, %arg6: memref<1x128xf32, #tpu.memory_space<vmem>>) attributes {dimension_semantics = [#tpu.dimension_semantics<arbitrary>], iteration_bounds = array<i64: 40>, scalar_prefetch = 0 : i64, scratch_operands = 0 : i64, tpu.core_type = #tpu.core_type<tc>, window_params = [{transform_indices = @transform_0, window_bounds = array<i64: 8000, 128>}, {transform_indices = @transform_1, window_bounds = array<i64: 8000, 128>}, {pipeline_mode = #tpu.pipeline_mode<synchronous>, transform_indices = @transform_2, window_bounds = array<i64: 128, 128>}, {pipeline_mode = #tpu.pipeline_mode<synchronous>, transform_indices = @transform_3, window_bounds = array<i64: 1, 128>}, {pipeline_mode = #tpu.pipeline_mode<synchronous>, transform_indices = @transform_4, window_bounds = array<i64: 1, 128>}, {pipeline_mode = #tpu.pipeline_mode<synchronous>, transform_indices = @transform_5, window_bounds = array<i64: 1, 128>}]} {
    %get3A = arith.constant 0 : index
    %get3A_0 = arith.constant 0 : index
    %get3A_1 = vector.load %arg1[%get3A, %get3A_0] : memref<8000x128xf32, #tpu.memory_space<vmem>>, vector<8000x128xf32>
    %get3A_2 = arith.constant 0 : index
    %get3A_3 = arith.constant 0 : index
    %get3A_4 = vector.load %arg3[%get3A_2, %get3A_3] : memref<128x128xf32, #tpu.memory_space<vmem>>, vector<128x128xf32>
    %dot_general3A = arith.constant dense<0.000000e+00> : vector<8000x128xf32>
    %dot_general3A_5 = tpu.matmul %get3A_1, %get3A_4, %dot_general3A {dimension_numbers = #tpu.dot_dimension_numbers<[1], [0], [0], [1], [0, 0, 1, 1], [], []>, transpose_lhs_hint = false} : vector<8000x128xf32>, vector<128x128xf32>, vector<8000x128xf32> -> vector<8000x128xf32>
    %get3A_6 = arith.constant 0 : index
    %get3A_7 = arith.constant 0 : index
    %get3A_8 = vector.load %arg4[%get3A_6, %get3A_7] : memref<1x128xf32, #tpu.memory_space<vmem>>, vector<1x128xf32>
    %add3A = vector.broadcast %get3A_8 : vector<1x128xf32> to vector<8000x128xf32>
    %add3A_9 = arith.addf %dot_general3A_5, %add3A : vector<8000x128xf32>
    %get3A_10 = arith.constant 0 : index
    %get3A_11 = arith.constant 0 : index
    %get3A_12 = vector.load %arg2[%get3A_10, %get3A_11] : memref<8000x128xf32, #tpu.memory_space<vmem>>, vector<8000x128xf32>
    %add3A_13 = arith.addf %add3A_9, %get3A_12 : vector<8000x128xf32>
    %reduce_sum3A = arith.constant dense<0.000000e+00> : vector<128xf32>
    %reduce_sum3A_14 = vector.multi_reduction <add>, %add3A_13, %reduce_sum3A [0] : vector<8000x128xf32> to vector<128xf32>
    %broadcast_in_dim3A = vector.shape_cast %reduce_sum3A_14 : vector<128xf32> to vector<1x128xf32>
    %mul3A = arith.mulf %add3A_13, %add3A_13 : vector<8000x128xf32>
    %reduce_sum3A_15 = arith.constant dense<0.000000e+00> : vector<128xf32>
    %reduce_sum3A_16 = vector.multi_reduction <add>, %mul3A, %reduce_sum3A_15 [0] : vector<8000x128xf32> to vector<128xf32>
    %broadcast_in_dim3A_17 = vector.shape_cast %reduce_sum3A_16 : vector<128xf32> to vector<1x128xf32>
    %eq3A = arith.constant 0 : i32
    %eq3A_18 = arith.cmpi eq, %arg0, %eq3A : i32
    %convert_element_type3A = arith.extui %eq3A_18 : i1 to i32
    %cond3A = arith.constant 0 : i32
    %cond3A_19 = arith.cmpi ne, %convert_element_type3A, %cond3A : i32
    scf.if %cond3A_19 {
      %swap3A = arith.constant 0 : index
      %swap3A_24 = arith.constant 0 : index
      %swap3A_25 = vector.load %arg5[%swap3A, %swap3A_24] : memref<1x128xf32, #tpu.memory_space<vmem>>, vector<1x128xf32>
      tpu.vector_store %arg5[%swap3A, %swap3A_24], %broadcast_in_dim3A {strides = array<i32>} : memref<1x128xf32, #tpu.memory_space<vmem>>, vector<1x128xf32>,
      %swap3A_26 = arith.constant 0 : index
      %swap3A_27 = arith.constant 0 : index
      %swap3A_28 = vector.load %arg6[%swap3A_26, %swap3A_27] : memref<1x128xf32, #tpu.memory_space<vmem>>, vector<1x128xf32>
      tpu.vector_store %arg6[%swap3A_26, %swap3A_27], %broadcast_in_dim3A_17 {strides = array<i32>} : memref<1x128xf32, #tpu.memory_space<vmem>>, vector<1x128xf32>,
    } else {
    }
    %gt3A = arith.constant 0 : i32
    %gt3A_20 = arith.cmpi sgt, %arg0, %gt3A : i32
    %convert_element_type3A_21 = arith.extui %gt3A_20 : i1 to i32
    %cond3A_22 = arith.constant 0 : i32
    %cond3A_23 = arith.cmpi ne, %convert_element_type3A_21, %cond3A_22 : i32
    scf.if %cond3A_23 {
      %get3A_24 = arith.constant 0 : index
      %get3A_25 = arith.constant 0 : index
      %get3A_26 = vector.load %arg5[%get3A_24, %get3A_25] : memref<1x128xf32, #tpu.memory_space<vmem>>, vector<1x128xf32>
      %add3A_27 = arith.addf %get3A_26, %broadcast_in_dim3A : vector<1x128xf32>
      %swap3A = arith.constant 0 : index
      %swap3A_28 = arith.constant 0 : index
      %swap3A_29 = vector.load %arg5[%swap3A, %swap3A_28] : memref<1x128xf32, #tpu.memory_space<vmem>>, vector<1x128xf32>
      tpu.vector_store %arg5[%swap3A, %swap3A_28], %add3A_27 {strides = array<i32>} : memref<1x128xf32, #tpu.memory_space<vmem>>, vector<1x128xf32>,
      %get3A_30 = arith.constant 0 : index
      %get3A_31 = arith.constant 0 : index
      %get3A_32 = vector.load %arg6[%get3A_30, %get3A_31] : memref<1x128xf32, #tpu.memory_space<vmem>>, vector<1x128xf32>
      %add3A_33 = arith.addf %get3A_32, %broadcast_in_dim3A_17 : vector<1x128xf32>
      %swap3A_34 = arith.constant 0 : index
      %swap3A_35 = arith.constant 0 : index
      %swap3A_36 = vector.load %arg6[%swap3A_34, %swap3A_35] : memref<1x128xf32, #tpu.memory_space<vmem>>, vector<1x128xf32>
      tpu.vector_store %arg6[%swap3A_34, %swap3A_35], %add3A_33 {strides = array<i32>} : memref<1x128xf32, #tpu.memory_space<vmem>>, vector<1x128xf32>,
    } else {
    }
    return
  }
  func.func @transform_0(%arg0: i32) -> (i32, i32) {
    %c0_i32 = arith.constant 0 : i32
    %c0_i32_0 = arith.constant 0 : i32
    return %arg0, %c0_i32 : i32, i32
  }
  func.func @transform_1(%arg0: i32) -> (i32, i32) {
    %c0_i32 = arith.constant 0 : i32
    %c0_i32_0 = arith.constant 0 : i32
    return %arg0, %c0_i32 : i32, i32
  }
  func.func @transform_2(%arg0: i32) -> (i32, i32) {
    %c0_i32 = arith.constant 0 : i32
    %c0_i32_0 = arith.constant 0 : i32
    %c0_i32_1 = arith.constant 0 : i32
    return %c0_i32, %c0_i32_0 : i32, i32
  }
  func.func @transform_3(%arg0: i32) -> (i32, i32) {
    %c0_i32 = arith.constant 0 : i32
    %c0_i32_0 = arith.constant 0 : i32
    %c0_i32_1 = arith.constant 0 : i32
    return %c0_i32, %c0_i32_0 : i32, i32
  }
  func.func @transform_4(%arg0: i32) -> (i32, i32) {
    %c0_i32 = arith.constant 0 : i32
    %c0_i32_0 = arith.constant 0 : i32
    %c0_i32_1 = arith.constant 0 : i32
    return %c0_i32, %c0_i32_0 : i32, i32
  }
  func.func @transform_5(%arg0: i32) -> (i32, i32) {
    %c0_i32 = arith.constant 0 : i32
    %c0_i32_0 = arith.constant 0 : i32
    %c0_i32_1 = arith.constant 0 : i32
    return %c0_i32, %c0_i32_0 : i32, i32
  }
}

module attributes {stable_mosaic.version = 14 : i64} {
  func.func @_edge_out_body(%arg0: i32, %arg1: memref<8000x128xf32, #tpu.memory_space<vmem>>, %arg2: memref<8000x128xf32, #tpu.memory_space<vmem>>, %arg3: memref<128x128xf32, #tpu.memory_space<vmem>>, %arg4: memref<1x128xf32, #tpu.memory_space<vmem>>, %arg5: memref<1x128xf32, #tpu.memory_space<vmem>>, %arg6: memref<1x128xf32, #tpu.memory_space<vmem>>, %arg7: memref<1x128xf32, #tpu.memory_space<vmem>>, %arg8: memref<1x128xf32, #tpu.memory_space<vmem>>, %arg9: memref<8000x128xf32, #tpu.memory_space<vmem>>) attributes {dimension_semantics = [#tpu.dimension_semantics<arbitrary>], iteration_bounds = array<i64: 40>, scalar_prefetch = 0 : i64, scratch_operands = 0 : i64, tpu.core_type = #tpu.core_type<tc>, window_params = [{transform_indices = @transform_0, window_bounds = array<i64: 8000, 128>}, {transform_indices = @transform_1, window_bounds = array<i64: 8000, 128>}, {pipeline_mode = #tpu.pipeline_mode<synchronous>, transform_indices = @transform_2, window_bounds = array<i64: 128, 128>}, {pipeline_mode = #tpu.pipeline_mode<synchronous>, transform_indices = @transform_3, window_bounds = array<i64: 1, 128>}, {pipeline_mode = #tpu.pipeline_mode<synchronous>, transform_indices = @transform_4, window_bounds = array<i64: 1, 128>}, {pipeline_mode = #tpu.pipeline_mode<synchronous>, transform_indices = @transform_5, window_bounds = array<i64: 1, 128>}, {pipeline_mode = #tpu.pipeline_mode<synchronous>, transform_indices = @transform_6, window_bounds = array<i64: 1, 128>}, {pipeline_mode = #tpu.pipeline_mode<synchronous>, transform_indices = @transform_7, window_bounds = array<i64: 1, 128>}, {transform_indices = @transform_8, window_bounds = array<i64: 8000, 128>}]} {
    %get3A = arith.constant 0 : index
    %get3A_0 = arith.constant 0 : index
    %get3A_1 = vector.load %arg1[%get3A, %get3A_0] : memref<8000x128xf32, #tpu.memory_space<vmem>>, vector<8000x128xf32>
    %get3A_2 = arith.constant 0 : index
    %get3A_3 = arith.constant 0 : index
    %get3A_4 = vector.load %arg3[%get3A_2, %get3A_3] : memref<128x128xf32, #tpu.memory_space<vmem>>, vector<128x128xf32>
    %dot_general3A = arith.constant dense<0.000000e+00> : vector<8000x128xf32>
    %dot_general3A_5 = tpu.matmul %get3A_1, %get3A_4, %dot_general3A {dimension_numbers = #tpu.dot_dimension_numbers<[1], [0], [0], [1], [0, 0, 1, 1], [], []>, transpose_lhs_hint = false} : vector<8000x128xf32>, vector<128x128xf32>, vector<8000x128xf32> -> vector<8000x128xf32>
    %get3A_6 = arith.constant 0 : index
    %get3A_7 = arith.constant 0 : index
    %get3A_8 = vector.load %arg4[%get3A_6, %get3A_7] : memref<1x128xf32, #tpu.memory_space<vmem>>, vector<1x128xf32>
    %add3A = vector.broadcast %get3A_8 : vector<1x128xf32> to vector<8000x128xf32>
    %add3A_9 = arith.addf %dot_general3A_5, %add3A : vector<8000x128xf32>
    %get3A_10 = arith.constant 0 : index
    %get3A_11 = arith.constant 0 : index
    %get3A_12 = vector.load %arg2[%get3A_10, %get3A_11] : memref<8000x128xf32, #tpu.memory_space<vmem>>, vector<8000x128xf32>
    %add3A_13 = arith.addf %add3A_9, %get3A_12 : vector<8000x128xf32>
    %get3A_14 = arith.constant 0 : index
    %get3A_15 = arith.constant 0 : index
    %get3A_16 = vector.load %arg5[%get3A_14, %get3A_15] : memref<1x128xf32, #tpu.memory_space<vmem>>, vector<1x128xf32>
    %mul3A = arith.constant 3.125000e-06 : f32
    %mul3A_17 = vector.broadcast %mul3A : f32 to vector<1x128xf32>
    %mul3A_18 = arith.mulf %get3A_16, %mul3A_17 : vector<1x128xf32>
    %get3A_19 = arith.constant 0 : index
    %get3A_20 = arith.constant 0 : index
    %get3A_21 = vector.load %arg6[%get3A_19, %get3A_20] : memref<1x128xf32, #tpu.memory_space<vmem>>, vector<1x128xf32>
    %mul3A_22 = arith.constant 3.125000e-06 : f32
    %mul3A_23 = vector.broadcast %mul3A_22 : f32 to vector<1x128xf32>
    %mul3A_24 = arith.mulf %get3A_21, %mul3A_23 : vector<1x128xf32>
    %mul3A_25 = arith.mulf %mul3A_18, %mul3A_18 : vector<1x128xf32>
    %sub3A = arith.subf %mul3A_24, %mul3A_25 : vector<1x128xf32>
    %get3A_26 = arith.constant 0 : index
    %get3A_27 = arith.constant 0 : index
    %get3A_28 = vector.load %arg7[%get3A_26, %get3A_27] : memref<1x128xf32, #tpu.memory_space<vmem>>, vector<1x128xf32>
    %sub3A_29 = vector.broadcast %mul3A_18 : vector<1x128xf32> to vector<8000x128xf32>
    %sub3A_30 = arith.subf %add3A_13, %sub3A_29 : vector<8000x128xf32>
    %mul3A_31 = vector.broadcast %get3A_28 : vector<1x128xf32> to vector<8000x128xf32>
    %mul3A_32 = arith.mulf %mul3A_31, %sub3A_30 : vector<8000x128xf32>
    %add3A_33 = arith.constant 9.99999974E-6 : f32
    %add3A_34 = vector.broadcast %add3A_33 : f32 to vector<1x128xf32>
    %add3A_35 = arith.addf %sub3A, %add3A_34 : vector<1x128xf32>
    %rsqrt3A = math.rsqrt %add3A_35 : vector<1x128xf32>
    %mul3A_36 = vector.broadcast %rsqrt3A : vector<1x128xf32> to vector<8000x128xf32>
    %mul3A_37 = arith.mulf %mul3A_32, %mul3A_36 : vector<8000x128xf32>
    %get3A_38 = arith.constant 0 : index
    %get3A_39 = arith.constant 0 : index
    %get3A_40 = vector.load %arg8[%get3A_38, %get3A_39] : memref<1x128xf32, #tpu.memory_space<vmem>>, vector<1x128xf32>
    %add3A_41 = vector.broadcast %get3A_40 : vector<1x128xf32> to vector<8000x128xf32>
    %add3A_42 = arith.addf %mul3A_37, %add3A_41 : vector<8000x128xf32>
    %get3A_43 = arith.constant 0 : index
    %get3A_44 = arith.constant 0 : index
    %get3A_45 = vector.load %arg1[%get3A_43, %get3A_44] : memref<8000x128xf32, #tpu.memory_space<vmem>>, vector<8000x128xf32>
    %neg3A = arith.constant 0.000000e+00 : f32
    %neg3A_46 = vector.broadcast %neg3A : f32 to vector<8000x128xf32>
    %neg3A_47 = arith.subf %neg3A_46, %add3A_42 : vector<8000x128xf32>
    %exp3A = math.exp %neg3A_47 : vector<8000x128xf32>
    %add3A_48 = arith.constant 1.000000e+00 : f32
    %add3A_49 = vector.broadcast %add3A_48 : f32 to vector<8000x128xf32>
    %add3A_50 = arith.addf %add3A_49, %exp3A : vector<8000x128xf32>
    %div3A = arith.constant 1.000000e+00 : f32
    %div3A_51 = vector.broadcast %div3A : f32 to vector<8000x128xf32>
    %div3A_52 = arith.divf %div3A_51, %add3A_50 : vector<8000x128xf32>
    %mul3A_53 = arith.mulf %add3A_42, %div3A_52 : vector<8000x128xf32>
    %add3A_54 = arith.addf %get3A_45, %mul3A_53 : vector<8000x128xf32>
    %swap3A = arith.constant 0 : index
    %swap3A_55 = arith.constant 0 : index
    %swap3A_56 = vector.load %arg9[%swap3A, %swap3A_55] : memref<8000x128xf32, #tpu.memory_space<vmem>>, vector<8000x128xf32>
    tpu.vector_store %arg9[%swap3A, %swap3A_55], %add3A_54 {strides = array<i32>} : memref<8000x128xf32, #tpu.memory_space<vmem>>, vector<8000x128xf32>,
    return
  }
  func.func @transform_0(%arg0: i32) -> (i32, i32) {
    %c0_i32 = arith.constant 0 : i32
    %c0_i32_0 = arith.constant 0 : i32
    return %arg0, %c0_i32 : i32, i32
  }
  func.func @transform_1(%arg0: i32) -> (i32, i32) {
    %c0_i32 = arith.constant 0 : i32
    %c0_i32_0 = arith.constant 0 : i32
    return %arg0, %c0_i32 : i32, i32
  }
  func.func @transform_2(%arg0: i32) -> (i32, i32) {
    %c0_i32 = arith.constant 0 : i32
    %c0_i32_0 = arith.constant 0 : i32
    %c0_i32_1 = arith.constant 0 : i32
    return %c0_i32, %c0_i32_0 : i32, i32
  }
  func.func @transform_3(%arg0: i32) -> (i32, i32) {
    %c0_i32 = arith.constant 0 : i32
    %c0_i32_0 = arith.constant 0 : i32
    %c0_i32_1 = arith.constant 0 : i32
    return %c0_i32, %c0_i32_0 : i32, i32
  }
  func.func @transform_4(%arg0: i32) -> (i32, i32) {
    %c0_i32 = arith.constant 0 : i32
    %c0_i32_0 = arith.constant 0 : i32
    %c0_i32_1 = arith.constant 0 : i32
    return %c0_i32, %c0_i32_0 : i32, i32
  }
  func.func @transform_5(%arg0: i32) -> (i32, i32) {
    %c0_i32 = arith.constant 0 : i32
    %c0_i32_0 = arith.constant 0 : i32
    %c0_i32_1 = arith.constant 0 : i32
    return %c0_i32, %c0_i32_0 : i32, i32
  }
  func.func @transform_6(%arg0: i32) -> (i32, i32) {
    %c0_i32 = arith.constant 0 : i32
    %c0_i32_0 = arith.constant 0 : i32
    %c0_i32_1 = arith.constant 0 : i32
    return %c0_i32, %c0_i32_0 : i32, i32
  }
  func.func @transform_7(%arg0: i32) -> (i32, i32) {
    %c0_i32 = arith.constant 0 : i32
    %c0_i32_0 = arith.constant 0 : i32
    %c0_i32_1 = arith.constant 0 : i32
    return %c0_i32, %c0_i32_0 : i32, i32
  }
  func.func @transform_8(%arg0: i32) -> (i32, i32) {
    %c0_i32 = arith.constant 0 : i32
    %c0_i32_0 = arith.constant 0 : i32
    return %arg0, %c0_i32 : i32, i32
  }
}

module attributes {stable_mosaic.version = 14 : i64} {
  func.func @_node_out_body(%arg0: memref<10000x128xf32, #tpu.memory_space<vmem>>, %arg1: memref<10000x128xf32, #tpu.memory_space<vmem>>, %arg2: memref<2x10000x64xf32, #tpu.memory_space<vmem>>, %arg3: memref<10000x16xf32, #tpu.memory_space<vmem>>, %arg4: memref<1x128xf32, #tpu.memory_space<vmem>>, %arg5: memref<1x128xf32, #tpu.memory_space<vmem>>, %arg6: memref<10000x128xf32, #tpu.memory_space<vmem>>) attributes {dimension_semantics = [], scalar_prefetch = 0 : i64, scratch_operands = 0 : i64, tpu.core_type = #tpu.core_type<tc>} {
    %get3A = arith.constant 0 : index
    %get3A_0 = arith.constant 0 : index
    %get3A_1 = arith.constant 0 : index
    %get3A_2 = vector.load %arg2[%get3A, %get3A_0, %get3A_1] : memref<2x10000x64xf32, #tpu.memory_space<vmem>>, vector<1x10000x64xf32>
    %get3A_3 = vector.shape_cast %get3A_2 : vector<1x10000x64xf32> to vector<10000x64xf32>
    %get3A_4 = arith.constant 1 : index
    %get3A_5 = arith.constant 0 : index
    %get3A_6 = arith.constant 0 : index
    %get3A_7 = vector.load %arg2[%get3A_4, %get3A_5, %get3A_6] : memref<2x10000x64xf32, #tpu.memory_space<vmem>>, vector<1x10000x64xf32>
    %get3A_8 = vector.shape_cast %get3A_7 : vector<1x10000x64xf32> to vector<10000x64xf32>
    %concatenate3A = tpu.concatenate %get3A_3, %get3A_8 in 1 : vector<10000x64xf32>, vector<10000x64xf32> -> vector<10000x128xf32>
    %get3A_9 = arith.constant 0 : index
    %get3A_10 = arith.constant 0 : index
    %get3A_11 = vector.load %arg3[%get3A_9, %get3A_10] : memref<10000x16xf32, #tpu.memory_space<vmem>>, vector<10000x16xf32>
    %reduce_sum3A = arith.constant dense<0.000000e+00> : vector<10000xf32>
    %reduce_sum3A_12 = vector.multi_reduction <add>, %get3A_11, %reduce_sum3A [1] : vector<10000x16xf32> to vector<10000xf32>
    %broadcast_in_dim3A = vector.shape_cast %reduce_sum3A_12 : vector<10000xf32> to vector<10000x1xf32>
    %mul3A = arith.constant 6.250000e-02 : f32
    %mul3A_13 = vector.broadcast %mul3A : f32 to vector<10000x1xf32>
    %mul3A_14 = arith.mulf %broadcast_in_dim3A, %mul3A_13 : vector<10000x1xf32>
    %max3A = arith.constant 1.000000e+00 : f32
    %max3A_15 = vector.broadcast %max3A : f32 to vector<10000x1xf32>
    %max3A_16 = arith.maximumf %mul3A_14, %max3A_15 : vector<10000x1xf32>
    %div3A = vector.broadcast %max3A_16 : vector<10000x1xf32> to vector<10000x128xf32>
    %div3A_17 = arith.divf %concatenate3A, %div3A : vector<10000x128xf32>
    %get3A_18 = arith.constant 0 : index
    %get3A_19 = arith.constant 0 : index
    %get3A_20 = vector.load %arg1[%get3A_18, %get3A_19] : memref<10000x128xf32, #tpu.memory_space<vmem>>, vector<10000x128xf32>
    %add3A = arith.addf %get3A_20, %div3A_17 : vector<10000x128xf32>
    %reduce_sum3A_21 = arith.constant dense<0.000000e+00> : vector<128xf32>
    %reduce_sum3A_22 = vector.multi_reduction <add>, %add3A, %reduce_sum3A_21 [0] : vector<10000x128xf32> to vector<128xf32>
    %broadcast_in_dim3A_23 = vector.shape_cast %reduce_sum3A_22 : vector<128xf32> to vector<1x128xf32>
    %div3A_24 = arith.constant 1.000000e+04 : f32
    %div3A_25 = vector.broadcast %div3A_24 : f32 to vector<1x128xf32>
    %div3A_26 = arith.divf %broadcast_in_dim3A_23, %div3A_25 : vector<1x128xf32>
    %sub3A = vector.broadcast %div3A_26 : vector<1x128xf32> to vector<10000x128xf32>
    %sub3A_27 = arith.subf %add3A, %sub3A : vector<10000x128xf32>
    %mul3A_28 = arith.mulf %sub3A_27, %sub3A_27 : vector<10000x128xf32>
    %reduce_sum3A_29 = arith.constant dense<0.000000e+00> : vector<128xf32>
    %reduce_sum3A_30 = vector.multi_reduction <add>, %mul3A_28, %reduce_sum3A_29 [0] : vector<10000x128xf32> to vector<128xf32>
    %broadcast_in_dim3A_31 = vector.shape_cast %reduce_sum3A_30 : vector<128xf32> to vector<1x128xf32>
    %div3A_32 = arith.constant 1.000000e+04 : f32
    %div3A_33 = vector.broadcast %div3A_32 : f32 to vector<1x128xf32>
    %div3A_34 = arith.divf %broadcast_in_dim3A_31, %div3A_33 : vector<1x128xf32>
    %get3A_35 = arith.constant 0 : index
    %get3A_36 = arith.constant 0 : index
    %get3A_37 = vector.load %arg4[%get3A_35, %get3A_36] : memref<1x128xf32, #tpu.memory_space<vmem>>, vector<1x128xf32>
    %mul3A_38 = vector.broadcast %get3A_37 : vector<1x128xf32> to vector<10000x128xf32>
    %mul3A_39 = arith.mulf %mul3A_38, %sub3A_27 : vector<10000x128xf32>
    %add3A_40 = arith.constant 9.99999974E-6 : f32
    %add3A_41 = vector.broadcast %add3A_40 : f32 to vector<1x128xf32>
    %add3A_42 = arith.addf %div3A_34, %add3A_41 : vector<1x128xf32>
    %rsqrt3A = math.rsqrt %add3A_42 : vector<1x128xf32>
    %mul3A_43 = vector.broadcast %rsqrt3A : vector<1x128xf32> to vector<10000x128xf32>
    %mul3A_44 = arith.mulf %mul3A_39, %mul3A_43 : vector<10000x128xf32>
    %get3A_45 = arith.constant 0 : index
    %get3A_46 = arith.constant 0 : index
    %get3A_47 = vector.load %arg5[%get3A_45, %get3A_46] : memref<1x128xf32, #tpu.memory_space<vmem>>, vector<1x128xf32>
    %add3A_48 = vector.broadcast %get3A_47 : vector<1x128xf32> to vector<10000x128xf32>
    %add3A_49 = arith.addf %mul3A_44, %add3A_48 : vector<10000x128xf32>
    %get3A_50 = arith.constant 0 : index
    %get3A_51 = arith.constant 0 : index
    %get3A_52 = vector.load %arg0[%get3A_50, %get3A_51] : memref<10000x128xf32, #tpu.memory_space<vmem>>, vector<10000x128xf32>
    %neg3A = arith.constant 0.000000e+00 : f32
    %neg3A_53 = vector.broadcast %neg3A : f32 to vector<10000x128xf32>
    %neg3A_54 = arith.subf %neg3A_53, %add3A_49 : vector<10000x128xf32>
    %exp3A = math.exp %neg3A_54 : vector<10000x128xf32>
    %add3A_55 = arith.constant 1.000000e+00 : f32
    %add3A_56 = vector.broadcast %add3A_55 : f32 to vector<10000x128xf32>
    %add3A_57 = arith.addf %add3A_56, %exp3A : vector<10000x128xf32>
    %div3A_58 = arith.constant 1.000000e+00 : f32
    %div3A_59 = vector.broadcast %div3A_58 : f32 to vector<10000x128xf32>
    %div3A_60 = arith.divf %div3A_59, %add3A_57 : vector<10000x128xf32>
    %mul3A_61 = arith.mulf %add3A_49, %div3A_60 : vector<10000x128xf32>
    %add3A_62 = arith.addf %get3A_52, %mul3A_61 : vector<10000x128xf32>
    %swap3A = arith.constant 0 : index
    %swap3A_63 = arith.constant 0 : index
    %swap3A_64 = vector.load %arg6[%swap3A, %swap3A_63] : memref<10000x128xf32, #tpu.memory_space<vmem>>, vector<10000x128xf32>
    tpu.vector_store %arg6[%swap3A, %swap3A_63], %add3A_62 {strides = array<i32>} : memref<10000x128xf32, #tpu.memory_space<vmem>>, vector<10000x128xf32>,
    return
  }
}

</mosaic_0001>

<sc_bundles>
// kernel: kernel.7.cloned.1.call-start
scs
__scs_entry_jumppad:
0x0: {  	(pc) =	sbr.rel $0x88, $3  }
0x1: {  	(tag) =	ssettag $0x0;
	lr =	simm.s32 $0x1  }
0x2: {  	[smem:$0x3F90] =	sst lr;
	_ =	strace $0xD0000000  }
0x3: {  	_ = 	snop  }
0x4: {  	_ = 	snop  }
0x5: {  	_ = 	snop  }
0x6: {  	_ = 	snop  }
0x7: {  	_ = 	snop  }
__scs_overlays_trampoline_lowered:
0x8: {  	[smem:$0x3F9F] =	sst s0  }
0x9: {  	[smem:$0x3FA0] =	sst s1  }
0xa: {  	[smem:$0x3FA1] =	sst s2  }
0xb: {  	[smem:$0x3FA2] =	sst s3  }
0xc: {  	[smem:$0x3FA3] =	sst s4  }
0xd: {  	[smem:$0x3FA4] =	sst s5  }
0xe: {  	[smem:$0x3FA5] =	sst s6  }
0xf: {  	[smem:$0x3FA6] =	sst s7  }
0x10: {  	[smem:$0x3FA7] =	sst s8  }
0x11: {  	[smem:$0x3FA8] =	sst s9;
	s0 =	simm.s32 @!p0 $0x0  }
0x12: {  	s1 =	sld [smem:$0x3F8E];
	s0 =	simm.s32 @p0 $0x1  }
0x13: {  	[smem:$0x3FA9] =	sst s0;
	s0 =	simm.s32 @!p1 $0x0  }
0x14: {  	s2 =	sld [smem:$0x3F8D];
	s0 =	simm.s32 @p1 $0x1  }
0x15: {  	[smem:$0x3FAA] =	sst s0;
	s0 =	simm.s32 @!p2 $0x0  }
0x16: {  	s3 =	sld [smem:$0x3FDB];
	s0 =	simm.s32 @p2 $0x1  }
0x17: {  	s4 =	simm.s32 $0x1BF5;
	[smem:$0x3FAC] =	sst s0  }
0x18: {  	s0 =	sld [smem:$0x3F8F];
	_ =	swait.ge [sflag:s4], $0x0  }
0x19: {  	s7 =	sld [smem:$0x3F90]  }
0x1a: {  	s8 =	sadd.s32 $0xFFFFE003, lr  }
0x1b: {  	s9 =	sadd.s32 $0xFFFFFEF7, lr;
	s5 =	simm.s32 $0xFFFFFFFF;
	p2 =	slt.u32 s8, $0xFFFFF086  }
0x1c: {  	p1 =	slt.u32 s9, $0xF7A;
	s5 =	simm.s32 @!p2 $0x0  }
0x1d: {  	s5 =	simm.s32 @p1 $0x1;
	p0 =	seq.s32 s7, s2  }
0x1e: {  	s7 =	smul.u32 @!p0 $0xF7A, s2;
	p2 =	seq.s32 @!p0 s5, $0x0  }
0x1f: {  	s9 =	smul.u32 $0xF7A, s1;
	s8 =	simm.s32 @!p0 $0x1BF5;
	p2 =	por !p2, p0  }
0x20: {  	[sflag:s8] =	ssyncset.s32 @!p0 $0xFFFFF086;
	s6 =	sadd.s32 @!p0 s3, s7;
	s7 =	simm.s32 @!p0 $0x108  }
0x21: {  	s3 =	sadd.s32 s3, s9;
	s6 =	sadd.s32 @!p0 $0x88, s6;
	s7 =	simm.s32 @p2 $0x1082  }
0x22: {  	[simem:s7], [sflag:s8] =	dma.local @!p0 [hbm:s6], $0xF7A  }
0x23: {  	s9 =	sor.u32 $0xD0000000, s2;
	s6 =	simm.s32 $0x108;
	_ =	swait.ge @!p0 [sflag:s8], $0x0  }
0x24: {  	s3 =	sadd.s32 $0x88, s3;
	s6 =	simm.s32 @!p1 $0x1082;
	[sflag:s4] =	ssyncset.s32 $0xFFFFF086  }
0x25: {  	[simem:s6], [sflag:s4] =	dma.local [hbm:s3], $0xF7A  }
0x26: {  	[smem:$0x3F90] =	sst s1;
	(tag) =	ssettag s2;
	_ =	strace s9  }
0x27: {  	s1 =	sld [smem:$0x3FA0]  }
0x28: {  	s2 =	sld [smem:$0x3FA1]  }
0x29: {  	s4 =	sld [smem:$0x3FA3]  }
0x2a: {  	p0 =	seq.s32 s5, $0x0;
	s5 =	sld [smem:$0x3FA4]  }
0x2b: {  	s6 =	sld [smem:$0x3FA5]  }
0x2c: {  	s7 =	sld [smem:$0x3FA6]  }
0x2d: {  	s3 =	simm.s32 $0x108;
	s8 =	sld [smem:$0x3FA7]  }
0x2e: {  	s3 =	simm.s32 @!p0 $0x1082;
	s9 =	sld [smem:$0x3FA8]  }
0x2f: {  	lr =	sadd.s32 s0, s3;
	s0 =	sld [smem:$0x3F9F]  }
0x30: {  	s3 =	sld [smem:$0x3FA2]  }
0x31: {  	[smem:$0x3FAB] =	sst s10  }
0x32: {  	s10 =	sld [smem:$0x3FA9];
	_ =	sdelay $0x3  }
0x33: {  	p0 =	seq.s32 s10, $0x1;
	s10 =	sld [smem:$0x3FAB];
	_ =	sdelay $0x3  }
0x34: {  	[smem:$0x3FAB] =	sst s10  }
0x35: {  	s10 =	sld [smem:$0x3FAA];
	_ =	sdelay $0x3  }
0x36: {  	p1 =	seq.s32 s10, $0x1;
	s10 =	sld [smem:$0x3FAB];
	_ =	sdelay $0x3  }
0x37: {  	[smem:$0x3FAB] =	sst s10  }
0x38: {  	s10 =	sld [smem:$0x3FAC]  }
0x39: {  	_ = 	snop;
	(pc) =	sbr.ind lr, $3  }
0x3a: {  	_ = 	snop  }
0x3b: {  	_ = 	snop  }
0x3c: {  	p2 =	seq.s32 s10, $0x1;
	s10 =	sld [smem:$0x3FAB]  }
0x3d: {  	_ =	shalt  }
0x3e: {  	_ =	shalt  }
0x3f: {  	_ =	shalt  }
0x40: {  	_ =	shalt  }
0x41: {  	_ =	shalt  }
0x42: {  	_ =	shalt  }
0x43: {  	_ =	shalt  }
0x44: {  	_ =	shalt  }
0x45: {  	_ =	shalt  }
0x46: {  	_ =	shalt  }
0x47: {  	_ =	shalt  }
0x48: {  	_ =	shalt  }
0x49: {  	_ =	shalt  }
0x4a: {  	_ =	shalt  }
0x4b: {  	_ =	shalt  }
0x4c: {  	_ =	shalt  }
0x4d: {  	_ =	shalt  }
0x4e: {  	_ =	shalt  }
0x4f: {  	_ =	shalt  }
0x50: {  	_ =	shalt  }
0x51: {  	_ =	shalt  }
0x52: {  	_ =	shalt  }
0x53: {  	_ =	shalt  }
0x54: {  	_ =	shalt  }
0x55: {  	_ =	shalt  }
0x56: {  	_ =	shalt  }
0x57: {  	_ =	shalt  }
0x58: {  	_ =	shalt  }
0x59: {  	_ =	shalt  }
0x5a: {  	_ =	shalt  }
0x5b: {  	_ =	shalt  }
0x5c: {  	_ =	shalt  }
0x5d: {  	_ =	shalt  }
0x5e: {  	_ =	shalt  }
0x5f: {  	_ =	shalt  }
0x60: {  	_ =	shalt  }
0x61: {  	_ =	shalt  }
0x62: {  	_ =	shalt  }
0x63: {  	_ =	shalt  }
0x64: {  	_ =	shalt  }
0x65: {  	_ =	shalt  }
0x66: {  	_ =	shalt  }
0x67: {  	_ =	shalt  }
0x68: {  	_ =	shalt  }
0x69: {  	_ =	shalt  }
0x6a: {  	_ =	shalt  }
0x6b: {  	_ =	shalt  }
0x6c: {  	_ =	shalt  }
0x6d: {  	_ =	shalt  }
0x6e: {  	_ =	shalt  }
0x6f: {  	_ =	shalt  }
0x70: {  	_ =	shalt  }
0x71: {  	_ =	shalt  }
0x72: {  	_ =	shalt  }
0x73: {  	_ =	shalt  }
0x74: {  	_ =	shalt  }
0x75: {  	_ =	shalt  }
0x76: {  	_ =	shalt  }
0x77: {  	_ =	shalt  }
0x78: {  	_ =	shalt  }
0x79: {  	_ =	shalt  }
0x7a: {  	_ =	shalt  }
0x7b: {  	_ =	shalt  }
0x7c: {  	_ =	shalt  }
0x7d: {  	_ =	shalt  }
0x7e: {  	_ =	shalt  }
0x7f: {  	_ =	shalt  }
0x80: {  	_ =	shalt  }
0x81: {  	_ =	shalt  }
0x82: {  	_ =	shalt  }
0x83: {  	_ =	shalt  }
0x84: {  	_ =	shalt  }
0x85: {  	_ =	shalt  }
0x86: {  	_ =	shalt  }
0x87: {  	_ =	shalt  }
.Lfunc_end0:
.L_simem_size_0:
called_computation_lowered:
.L_overlay_start_0:
0x88: {  	s2 =	sld [smem:$0x3FD9]  }
0x89: {  	s3 =	sld [smem:$0x3FFE];
	_ =	sdelay $0x1  }
0x8a: {  	s1 =	srdreg.scid  }
0x8b: {  	s0 =	sand.u32 $0x1, s1  }
0x8c: {  	s17 =	sshll.u32 s0, $0xA;
	s2 =	sadd.s32 s3, s2  }
0x8d: {  	s2 =	sadd.s32 s2, s17  }
0x8e: {  	[smem:$0x3FB7] =	sst s2  }
0x8f: {  	_ = 	snop  }
0x90: {  	s2 =	sld [smem:$0x3FC7];
	(tm) =	ssettm $0x1  }
0x91: {  	s18 =	sld [smem:$0x3FFB];
	_ =	sdelay $0x3  }
0x92: {  	_ =	strace s18  }
0x93: {  	s3 =	sld [smem:$0x3FFC];
	_ =	sdelay $0x3  }
0x94: {  	_ =	strace s3  }
0x95: {  	s3 =	sld [smem:$0x3FFD];
	_ =	sdelay $0x3  }
0x96: {  	_ =	strace s3  }
0x97: {  	_ =	strace $0x8FFFFFFF  }
0x98: {  	s19 =	sld [smem:$0x3FDB];
	_ =	sdelay $0x1  }
0x99: {  	s4 =	simm.s32 $_scs_section_size  }
0x9a: {  	s5 =	simm.s32 $_size__tile_overlayer_lowered;
	s6 =	simm.s32 $_tile_overlayer_lowered  }
0x9b: {  	s22 =	simm.s32 $0x1BFF;
	s21 =	sshll.u32 s6, $0x1;
	s3 =	sadd.s32 s4, s19  }
0x9c: {  	s7 =	simm.s32 $0x0;
	s20 =	sshll.u32 s5, $0x1;
	s5 =	sadd.s32 s21, s3  }
0x9d: {  	[timem:s7], [sflag:s22] =	dma.local [hbm:s5], s20  }
0x9e: {  	_ =	swait.ge [sflag:s22], s20  }
0x9f: {  	s4 =	ssub.s32 $0x0, s20;
	[sflag:s22] =	ssyncset.done $0x0  }
0xa0: {  	[sflag:s22] =	ssyncadd.s32 s4;
	_ =	sdelay $0x1  }
0xa1: {  	s23 =	simm.s32 $0x1B8B  }
0xa2: {  	_ =	swait.ge [sflag:s23], $0x1  }
0xa3: {  	[sflag:s23] =	ssyncset.done $0x0  }
0xa4: {  	s25 =	simm.s32 $0x1B8E;
	s24 =	sld [smem:$0x3FFE];
	[sflag:s23] =	ssyncadd.s32 $0xFFFFFFFF  }
0xa5: {  	s26 =	simm.s32 $execute0_lowered;
	[smem:$0x3FD2] =	sst s25  }
0xa6: {  	s5 =	sshll.u32 s26, $0x1;
	_ =	strace $0x80000046;
	[dreg:$0x1] =	wrdreg $0xFFFFFFFF  }
0xa7: {  	s28 =	simm.s32 $_size_execute0_lowered;
	s3 =	sadd.s32 s3, s5;
	[dreg:$0x0] =	wrdreg $0x0  }
0xa8: {  	s5 =	sshll.u32 s28, $0x1;
	[dreg:$0x2] =	wrdreg s3  }
0xa9: {  	[dreg:$0x3] =	wrdreg s5  }
0xaa: {  	[dreg:$0x4] =	wrdreg $0xC0  }
0xab: {  	_ =	task [dreg:s7], $0x5FFFF  }
0xac: {  	[dreg:$0x1] =	wrdreg $0xFFFFFFFF  }
0xad: {  	[dreg:$0x0] =	wrdreg $0x60  }
0xae: {  	[dreg:$0x2] =	wrdreg s24  }
0xaf: {  	[dreg:$0x3] =	wrdreg s2  }
0xb0: {  	[dreg:$0x4] =	wrdreg $0x131100  }
0xb1: {  	[dreg:$0x5] =	wrdreg $0x1CD500  }
0xb2: {  	[dreg:$0x6] =	wrdreg $0x9  }
0xb3: {  	_ =	task.clear_ibuf [dreg:s7], $0x7FFFF;
	_ =	strace $0x90000046  }
0xb4: {  	s29 =	simm.s32 $0x9;
	_ =	strace $0x80000048  }
0xb5: {  	_ =	swait.ge [sflag:s29], $0x1  }
0xb6: {  	[sflag:s29] =	ssyncadd.s32 $0xFFFFFFFF  }
0xb7: {  	_ =	strace $0x90000048  }
0xb8: {  	_ =	sfence  }
0xb9: {  	s30 =	sld [smem:$0x0];
	_ =	sdelay $0x2  }
0xba: {  	s31 =	sshll.u32 s1, $0xD;
	s1 =	sshrl.u32 s1, $0x2  }
0xbb: {  	s3 =	sand.u32 $0x4000, s31;
	s1 =	sadd.s32 s1, s30  }
0xbc: {  	s0 =	sor.u32 s3, s0;
	s1 =	sshll.u32 s1, $0x11  }
0xbd: {  	s0 =	sor.u32 s1, s0  }
0xbe: {  	s0 =	sadd.s32 $0x8F2B, s0  }
0xbf: {  	[sflag:s0] =	ssyncadd.remote.s32 $0x1  }
0xc0: {  	_ =	sfence.sel $0xFFFF  }
0xc1: {  	[dreg:$0x0] =	wrdreg $0xFFFFFFFF;
	(pc) =	sbr.abs _section_cstart, $3  }
0xc2: {  	[dreg:$0x1] =	wrdreg $0xFFFFFFFF  }
0xc3: {  	_ =	task.clear_ibuf [dreg:s7], $0x2FFFF;
	_ =	strace $0x9FFFFFFF  }
0xc4: {  	(tm) =	ssettm $0x7FFFFFFF  }
0xc5: {  	_ =	shalt  }
tec
execute0_lowered:
.L_overlay_start_1:
0x0: {  	(tag) =	ssettag $0x1  }
0x1: {  	s0 =	rddreg [dreg:$0x0]  }
0x2: {  	s13 =	rddreg [dreg:$0x1]  }
0x3: {  	s14 =	rddreg [dreg:$0x2]  }
0x4: {  	s15 =	rddreg [dreg:$0x3]  }
0x5: {  	s4 =	simm.s32 $0x0;
	s1 =	srdreg.scid;
	s6 =	stileid.u32  }
0x6: {  	s29 =	simm.s32 $0x100;
	s30 =	simm.s32 $0x7;
	s31 =	simm.s32 $0xB  }
0x7: {  	[smem:$0x7FF] =	sst s4;
	s5 =	sand.u32 $0x1, s1;
	s2 =	smul.u32 $0x271, s6  }
0x8: {  	s7 =	sadd.s32 $0xD200, s0;
	s8 =	sadd.s32 $0x3400, s0;
	s9 =	smul.u32 $0x27100, s6  }
0x9: {  	s10 =	sadd.s32 $0xB3800, s0;
	s12 =	smul.u32 $0x9C40, s6;
	p0 =	sne.s32 s6, $0x0  }
0xa: {  	p2 =	sgt.u32 s6, $0x3;
	_ =	strace $0x80000047;
	s1 =	smul.u32 $0x13880, s5  }
0xb: {  	s3 =	ssub.s32 $0x2, s5;
	[dreg:$0x5] =	wrdreg s10;
	s10 =	sadd.s32 $0xB8800, s0  }
0xc: {  	p1 =	sne.s32 s5, $0x0;
	p3 =	sne.s32 @!p0 s5, $0x0;
	s11 =	sshrl.u32 s3, $0x1  }
0xd: {  	s22 =	sshrl.u32 s9, $0x2;
	s23 =	sshrl.u32 s12, $0x2;
	s24 =	sadd.s32 $0x7D, s2  }
0xe: {  	s26 =	sadd.s32 $0xFA, s2;
	s19 =	sadd.s32 $0x177, s2;
	s2 =	sadd.s32 $0x1F4, s2  }
0xf: {  	p3 =	por p3, p0;
	s1 =	sadd.s32 s1, s0;
	s0 =	ssub.s32 s3, s11  }
0x10: {  	s3 =	sadd.s32 s22, s14;
	s25 =	sshll.u32 s24, $0x6;
	s12 =	sshll.u32 s24, $0x4  }
0x11: {  	s16 =	sshll.u32 s26, $0x6;
	s18 =	sshll.u32 s26, $0x4;
	s20 =	sshll.u32 s19, $0x6  }
0x12: {  	s21 =	sshll.u32 s2, $0x6;
	[dreg:$0x6] =	wrdreg s3;
	s3 =	sadd.s32 s23, s15  }
0x13: {  	s2 =	sshll.u32 s2, $0x4;
	s17 =	sadd.s32 s16, s14;
	[dreg:$0x7] =	wrdreg s3  }
0x14: {  	s24 =	sshll.u32 s6, $0x4;
	s9 =	sadd.s32 s20, s14;
	[dreg:$0xa] =	wrdreg s17  }
0x15: {  	s22 =	sadd.s32 s21, s14;
	s20 =	sshll.u32 s5, $0x6;
	[dreg:$0xc] =	wrdreg s9  }
0x16: {  	s23 =	sshll.u32 s6, $0xE;
	s2 =	sadd.s32 s2, s15;
	[dreg:$0xe] =	wrdreg s22  }
0x17: {  	s28 =	sadd.s32 $0x65400, s1;
	s0 =	smax.u32 s0, $0x1;
	[dreg:$0xf] =	wrdreg s2  }
0x18: {  	s3 =	sadd.s32 s25, s14;
	s25 =	sadd.s32 s7, s24;
	[dreg:$0x14] =	wrdreg s0  }
0x19: {  	s2 =	sadd.s32 s8, s24;
	s0 =	simm.s32 $0xD;
	[dreg:$0x8] =	wrdreg s3  }
0x1a: {  	s14 =	simm.s32 $0x4200;
	s3 =	sadd.s32 s12, s15;
	[dreg:$0x10] =	wrdreg s25  }
0x1b: {  	s17 =	simm.s32 $0x3;
	[dreg:$0x9] =	wrdreg s3;
	s3 =	sadd.s32 s18, s15  }
0x1c: {  	s24 =	simm.s32 $0x6;
	[dreg:$0xb] =	wrdreg s3;
	s3 =	sshll.u32 s19, $0x4  }
0x1d: {  	s9 =	simm.s32 $0x0;
	[dreg:$0x11] =	wrdreg s2;
	s3 =	sadd.s32 s3, s15  }
.Ltmp0:
0x1e: {  	[dreg:$0xd] =	wrdreg s3;
	s3 =	sor.u32 s20, s23;
	(pc) =	sbr.rel .LBB2_1-.Ltmp0, $4  }
0x1f: {  	s25 =	sadd.s32 $0x17000, s1;
	s12 =	simm.s32 $0x80;
	s26 =	sshrl.u32 s3, $0x3  }
0x20: {  	s18 =	simm.s32 $0x5;
	s19 =	simm.s32 $0x2;
	s2 =	sadd.s32 s13, s26  }
0x21: {  	s26 =	sadd.s32 $0x3E200, s1;
	s1 =	sadd.s32 $0x8C600, s1;
	[dreg:$0x12] =	wrdreg s2  }
0x22: {  	v0 =	vimm.f32 $1.000000000e+00;
	v1 =	vimm.f32 $0.0e+00;
	s15 =	simm.s32 $0x8200;
	s13 =	simm.s32 $0x1;
	[dreg:$0x13] =	wrdreg s1  }
.LBB2_19:
0x23: {  	_ =	swait.ge [sflag:s30], $0x2000  }
0x24: {  	[sflag:s30] =	ssyncset.done $0x0  }
0x25: {  	s1 =	simm.s32 @!p1 $0x9;
	[sflag:s30] =	ssyncadd.s32 $0xFFFFE000  }
0x26: {  	_ =	swait.ge @!p1 [sflag:s1], $0x800  }
0x27: {  	[sflag:s1] =	ssyncset.done @!p1 $0x0  }
0x28: {  	[sflag:s1] =	ssyncadd.s32 @!p1 $0xFFFFF800  }
0x29: {  	s9 =	rddreg [dreg:$0x15];
	_ =	swait.ge [sflag:s31], $0x2000  }
0x2a: {  	[sflag:s31] =	ssyncset.done $0x0  }
0x2b: {  	[sflag:s31] =	ssyncadd.s32 $0xFFFFE000  }
0x2c: {  	[bflag:$0x0] =	sbarrier.arrive $0xFFFF  }
0x2d: {  	s2 =	rddreg [dreg:$0x2]  }
0x2e: {  	s1 =	simm.s32 @!p0 $0x1C0D;
	s3 =	rddreg [dreg:$0x13];
	s2 =	sshrl.u32 @!p0 s2, $0x3  }
0x2f: {  	[hbm:s3], [sflag:s1] =	dma.local @!p0 [spmem:s2], $0x13880  }
0x30: {  	s2 =	simm.s32 @!p0 $0xD  }
0x31: {  	_ =	swait.ge @!p0 [sflag:s2], $0x13880  }
0x32: {  	[sflag:s2] =	ssyncset.done @!p0 $0x0  }
0x33: {  	[sflag:s2] =	ssyncadd.s32 @!p0 $0xFFFEC780  }
0x34: {  	s2 =	rddreg [dreg:$0x3]  }
0x35: {  	s3 =	rddreg [dreg:$0x5];
	s2 =	sshrl.u32 @!p3 s2, $0x3  }
0x36: {  	[hbm:s3], [sflag:s1] =	dma.local @!p3 [spmem:s2], $0x4E20  }
0x37: {  	s1 =	simm.s32 @!p3 $0xD  }
0x38: {  	_ =	swait.ge @!p3 [sflag:s1], $0x4E20  }
0x39: {  	[sflag:s1] =	ssyncset.done @!p3 $0x0  }
0x3a: {  	[sflag:s1] =	ssyncadd.s32 @!p3 $0xFFFFB1E0  }
.LBB2_20:
0x3b: {  	s9 =	sadd.s32 $0x1, s9;
	s1 =	rddreg [dreg:$0x14]  }
0x3c: {  	p4 =	sne.s32 s9, s1  }
.Ltmp1:
0x3d: {  	_ = 	snop;
	(pc) =	sbr.rel @!p4 .LBB2_21-.Ltmp1, $1  }
0x3e: {  	_ =	sdelay $0x3  }
.LBB2_1:
0x3f: {  	s1 =	simm.s32 $0x0  }
.LBB2_2:
0x40: {  	p4 =	sne.s32 s1, $0x1FC0  }
.Ltmp2:
0x41: {  	_ = 	snop;
	(pc) =	sbr.rel @p4 .LBB2_2-.Ltmp2, $3  }
0x42: {  	_ =	sdelay $0x1  }
0x43: {  	s2 =	sshra.s32 s1, $0x2  }
0x44: {  	s1 =	sadd.s32 $0x40, s1;
	[tilespmem:s2+$0x10200] =	vst v0  }
0x45: {  	s1 =	simm.s32 $0x10A20  }
0x46: {  	[tilespmem:s1+$0x0] =	vst v1  }
0x47: {  	[tilespmem:s1+$0xFFFFFFE0] =	vst v1  }
0x48: {  	[tilespmem:s1+$0x10] =	vst v1  }
0x49: {  	[dreg:$0x15] =	wrdreg s9;
	s2 =	simm.s32 $0x40;
	s3 =	simm.s32 $0x0;
	[tilespmem:s1+$0xFFFFFFF0] =	vst v1  }
.LBB2_4:
0x4a: {  	p4 =	sne.s32 s2, $0x1F00  }
0x4b: {  	[tilespmem:s3+$0x12940] =	vst v1;
	s1 =	sadd.s32 $0x40, s1;
	s3 =	smov.u32 s2;
	s2 =	sadd.s32 $0x40, s2  }
.Ltmp3:
0x4c: {  	[tilespmem:s1+$0x0] =	vst v1;
	(pc) =	sbr.rel @p4 .LBB2_4-.Ltmp3, $4  }
0x4d: {  	_ = 	snop  }
0x4e: {  	[tilespmem:s1+$0xFFFFFFE0] =	vst v1  }
0x4f: {  	[tilespmem:s1+$0x10] =	vst v1  }
0x50: {  	s3 =	sshra.s32 s3, $0x2;
	[tilespmem:s1+$0xFFFFFFF0] =	vst v1  }
0x51: {  	[tilespmem:s3+$0x12940] =	vst v1;
	s1 =	rddreg [dreg:$0x6];
	s2 =	simm.s32 $0x10A00  }
0x52: {  	[spmem:s1] =	stream.linear.scatter [tilespmem:s2], [sflag:$0xD], $0x1F40, $0x38;
	[tilespmem:$0x1F460] =	vst v63  }
0x53: {  	_ =	swait.ge [sflag:s0], $0x1F40  }
0x54: {  	[sflag:s0] =	ssyncset.done $0x0  }
0x55: {  	s3 =	simm.s32 $0x12940;
	s22 =	rddreg [dreg:$0x7];
	[sflag:s0] =	ssyncadd.s32 $0xFFFFE0C0  }
0x56: {  	[spmem:s22] =	stream.linear.scatter [tilespmem:s3], [sflag:$0xD], $0x7D0, $0x38;
	[tilespmem:$0x1F460] =	vst v63  }
0x57: {  	_ =	swait.ge [sflag:s0], $0x7D0  }
0x58: {  	[sflag:s0] =	ssyncset.done $0x0  }
0x59: {  	s23 =	rddreg [dreg:$0x8];
	[sflag:s0] =	ssyncadd.s32 $0xFFFFF830  }
0x5a: {  	[spmem:s23] =	stream.linear.scatter [tilespmem:s2], [sflag:$0xD], $0x1F40, $0x38;
	[tilespmem:$0x1F460] =	vst v63  }
0x5b: {  	_ =	swait.ge [sflag:s0], $0x1F40  }
0x5c: {  	[sflag:s0] =	ssyncset.done $0x0  }
0x5d: {  	s9 =	rddreg [dreg:$0x9];
	[sflag:s0] =	ssyncadd.s32 $0xFFFFE0C0  }
0x5e: {  	[spmem:s9] =	stream.linear.scatter [tilespmem:s3], [sflag:$0xD], $0x7D0, $0x38;
	[tilespmem:$0x1F460] =	vst v63  }
0x5f: {  	_ =	swait.ge [sflag:s0], $0x7D0  }
0x60: {  	[sflag:s0] =	ssyncset.done $0x0  }
0x61: {  	s11 =	rddreg [dreg:$0xa];
	[sflag:s0] =	ssyncadd.s32 $0xFFFFF830  }
0x62: {  	[spmem:s11] =	stream.linear.scatter [tilespmem:s2], [sflag:$0xD], $0x1F40, $0x38;
	[tilespmem:$0x1F460] =	vst v63  }
0x63: {  	_ =	swait.ge [sflag:s0], $0x1F40  }
0x64: {  	[sflag:s0] =	ssyncset.done $0x0  }
0x65: {  	s16 =	rddreg [dreg:$0xb];
	[sflag:s0] =	ssyncadd.s32 $0xFFFFE0C0  }
0x66: {  	[spmem:s16] =	stream.linear.scatter [tilespmem:s3], [sflag:$0xD], $0x7D0, $0x38;
	[tilespmem:$0x1F460] =	vst v63  }
0x67: {  	_ =	swait.ge [sflag:s0], $0x7D0  }
0x68: {  	[sflag:s0] =	ssyncset.done $0x0  }
0x69: {  	s21 =	rddreg [dreg:$0xc];
	[sflag:s0] =	ssyncadd.s32 $0xFFFFF830  }
0x6a: {  	[spmem:s21] =	stream.linear.scatter [tilespmem:s2], [sflag:$0xD], $0x1F40, $0x38;
	[tilespmem:$0x1F460] =	vst v63  }
0x6b: {  	_ =	swait.ge [sflag:s0], $0x1F40  }
0x6c: {  	[sflag:s0] =	ssyncset.done $0x0  }
0x6d: {  	s22 =	rddreg [dreg:$0xd];
	[sflag:s0] =	ssyncadd.s32 $0xFFFFE0C0  }
0x6e: {  	[spmem:s22] =	stream.linear.scatter [tilespmem:s3], [sflag:$0xD], $0x7D0, $0x38;
	[tilespmem:$0x1F460] =	vst v63  }
0x6f: {  	_ =	swait.ge [sflag:s0], $0x7D0  }
0x70: {  	[sflag:s0] =	ssyncset.done $0x0  }
0x71: {  	s23 =	rddreg [dreg:$0xe];
	[sflag:s0] =	ssyncadd.s32 $0xFFFFF830  }
0x72: {  	[spmem:s23] =	stream.linear.scatter [tilespmem:s2], [sflag:$0xD], $0x1F40, $0x38;
	[tilespmem:$0x1F460] =	vst v63  }
0x73: {  	_ =	swait.ge [sflag:s0], $0x1F40  }
0x74: {  	[sflag:s0] =	ssyncset.done $0x0  }
0x75: {  	s2 =	rddreg [dreg:$0xf];
	[sflag:s0] =	ssyncadd.s32 $0xFFFFE0C0  }
0x76: {  	[spmem:s2] =	stream.linear.scatter [tilespmem:s3], [sflag:$0xD], $0x7D0, $0x38;
	[tilespmem:$0x1F460] =	vst v63  }
0x77: {  	_ =	swait.ge [sflag:s0], $0x7D0  }
0x78: {  	[sflag:s0] =	ssyncset.done $0x0  }
0x79: {  	[sflag:s0] =	ssyncadd.s32 $0xFFFFF830  }
0x7a: {  	[bflag:$0x0] =	sbarrier.arrive $0xFFFF  }
0x7b: {  	s16 =	simm.s32 $0x0;
	s9 =	rddreg [dreg:$0x10]  }
0x7c: {  	[tilespmem:s16], [sflag:$0x1] =	stream.linear.gather [hbm4b:s9+s16], $0x80, $0x38;
	[tilespmem:$0x1F460] =	vst v63  }
.Ltmp4:
0x7d: {  	_ = 	snop;
	(pc) =	sbr.rel .LBB2_6-.Ltmp4, $4  }
0x7e: {  	s11 =	rddreg [dreg:$0x11]  }
0x7f: {  	[tilespmem:s29], [sflag:$0x1] =	stream.linear.gather [hbm4b:s11+s16], $0x80, $0x38;
	[tilespmem:$0x1F460] =	vst v63  }
0x80: {  	s22 =	simm.s32 $0x40;
	s23 =	simm.s32 $0x200;
	s21 =	rddreg [dreg:$0x12]  }
0x81: {  	[tilespmem:s23], [sflag:$0x1] =	stream.strided.gather [hbm4b:s21+s22], $0x2000, s12, s22, $0x38;
	[tilespmem:$0x1F460] =	vst v63  }
.LBB2_17:
0x82: {  	s16 =	sadd.s32 $0x1, s16  }
0x83: {  	p4 =	sne.s32 s16, $0x4F  }
.Ltmp5:
0x84: {  	_ = 	snop;
	(pc) =	sbr.rel @!p4 .LBB2_18-.Ltmp5, $1  }
0x85: {  	_ =	sdelay $0x3  }
.LBB2_6:
0x86: {  	s1 =	sshll.u32 s16, $0x5  }
0x87: {  	s22 =	sor.u32 s6, s1  }
0x88: {  	p4 =	sgt.u32 s22, $0x9C3  }
.Ltmp6:
0x89: {  	_ = 	snop;
	(pc) =	sbr.rel @p4 .LBB2_17-.Ltmp6, $1  }
0x8a: {  	_ =	sdelay $0x3  }
0x8b: {  	_ =	swait.ge [sflag:s13], $0x80  }
0x8c: {  	[sflag:s13] =	ssyncset.done $0x0  }
0x8d: {  	[sflag:s13] =	ssyncadd.s32 $0xFFFFFF80  }
0x8e: {  	_ =	swait.ge [sflag:s13], $0x80  }
0x8f: {  	[sflag:s13] =	ssyncset.done $0x0  }
0x90: {  	[sflag:s13] =	ssyncadd.s32 $0xFFFFFF80  }
0x91: {  	_ =	swait.ge [sflag:s13], $0x2000  }
0x92: {  	[sflag:s13] =	ssyncset.done $0x0  }
0x93: {  	[sflag:s13] =	ssyncadd.s32 $0xFFFFE000  }
0x94: {  	[tilespmem:s14], [sflag:$0x3] =	stream.indirect.gather [hbm4b:s25+s12], $0x40, s29, s12, $0xb8;
	[tilespmem:$0x1F460] =	vst v63  }
0x95: {  	_ = 	snop  }
0x96: {  	[tilespmem:s15], [sflag:$0x5] =	stream.indirect.gather [hbm4b:s26+s12], $0x40, s4, s12, $0xb8;
	[tilespmem:$0x1F460] =	vst v63  }
0x97: {  	s1 =	simm.s32 $0xC200;
	p5 =	seq.s32 s16, $0x0  }
0x98: {  	[tilespmem:s1], [sflag:$0x5] =	stream.indirect.gather [hbm4b:s28+s12], $0x40, s29, s12, $0xb8;
	[tilespmem:$0x1F460] =	vst v63  }
0x99: {  	s1 =	simm.s32 @!p5 $0x8  }
0x9a: {  	p4 =	sne.s32 @!p5 s5, $0x0;
	_ =	swait.ge @!p5 [sflag:s1], $0x2000  }
0x9b: {  	p4 =	por p4, p5;
	[sflag:s1] =	ssyncset.done @!p5 $0x0  }
0x9c: {  	[sflag:s1] =	ssyncadd.s32 @!p5 $0xFFFFE000;
	s1 =	simm.s32 @!p4 $0xA  }
0x9d: {  	_ =	swait.ge @!p4 [sflag:s1], $0x800  }
0x9e: {  	[sflag:s1] =	ssyncset.done @!p4 $0x0  }
0x9f: {  	[sflag:s1] =	ssyncadd.s32 @!p4 $0xFFFFF800;
	s1 =	simm.s32 @!p5 $0xC  }
0xa0: {  	s21 =	sor.u32 $0x10, s22;
	_ =	swait.ge @!p5 [sflag:s1], $0x2000  }
0xa1: {  	p4 =	sgt.u32 s21, $0x9C3;
	[sflag:s1] =	ssyncset.done @!p5 $0x0  }
0xa2: {  	[sflag:s1] =	ssyncadd.s32 @!p5 $0xFFFFE000;
	s1 =	sshll.u32 @!p4 s21, $0x4  }
0xa3: {  	s3 =	simm.s32 @!p4 $0x0;
	s9 =	simm.s32 @!p4 $0x80;
	s2 =	sadd.s32 @!p4 s7, s1  }
0xa4: {  	[tilespmem:s9], [sflag:$0x2] =	stream.linear.gather @!p4 [hbm4b:s2+s3], $0x80, $0x38;
	[tilespmem:$0x1F460] =	vst v63  }
0xa5: {  	s1 =	sadd.s32 @!p4 s8, s1;
	s2 =	simm.s32 @!p4 $0x180  }
0xa6: {  	[tilespmem:s2], [sflag:$0x2] =	stream.linear.gather @!p4 [hbm4b:s1+s3], $0x80, $0x38;
	[tilespmem:$0x1F460] =	vst v63  }
0xa7: {  	s1 =	sshll.u32 @!p4 s21, $0xE  }
0xa8: {  	s1 =	sor.u32 @!p4 s20, s1  }
0xa9: {  	s2 =	rddreg [dreg:$0x1];
	s1 =	sshrl.u32 @!p4 s1, $0x3  }
0xaa: {  	s3 =	simm.s32 @!p4 $0x2200;
	s1 =	sadd.s32 @!p4 s2, s1;
	s2 =	simm.s32 @!p4 $0x40  }
0xab: {  	[tilespmem:s3], [sflag:$0x2] =	stream.strided.gather @!p4 [hbm4b:s1+s2], $0x2000, s9, s2, $0x38;
	[tilespmem:$0x1F460] =	vst v63  }
0xac: {  	_ =	swait.ge [sflag:s17], $0x2000  }
0xad: {  	[sflag:s17] =	ssyncset.done $0x0  }
0xae: {  	s3 =	simm.s32 $0x0;
	[sflag:s17] =	ssyncadd.s32 $0xFFFFE000  }
0xaf: {  	v2 =	vld [tilespmem:s3+$0x200]  }
0xb0: {  	v3 =	vld [tilespmem:s3+$0x210]  }
0xb1: {  	v4 =	vld [tilespmem:s3+$0x220]  }
0xb2: {  	v5 =	vld [tilespmem:s3+$0x230];
	_ =	sdelay $0x1  }
0xb3: {  	v2 =	vsub.f32 $0.0e+00, v2  }
0xb4: {  	s1 =	simm.s32 $0x40;
	v3 =	vsub.f32 $0.0e+00, v3  }
0xb5: {  	v7 =	vld [tilespmem:s1+$0x210];
	v4 =	vsub.f32 $0.0e+00, v4;
	v2 =	vmul.f32 $1.442695020e+00, v2  }
0xb6: {  	v6 =	vld [tilespmem:s1+$0x200];
	v5 =	vsub.f32 $0.0e+00, v5;
	v3 =	vmul.f32 $1.442695020e+00, v3  }
0xb7: {  	v4 =	vmul.f32 $1.442695020e+00, v4;
	(erf) = vpow2.f32 v2;
	v2 =	vld [tilespmem:s1+$0x230]  }
0xb8: {  	v8 =	vld [tilespmem:s1+$0x220];
	v5 =	vmul.f32 $1.442695020e+00, v5;
	(erf) = vpow2.f32 v3  }
0xb9: {  	(erf) = vpow2.f32 v4  }
0xba: {  	v4 =	vsub.f32 $0.0e+00, v7;
	(erf) = vpow2.f32 v5  }
0xbb: {  	v3 =	vsub.f32 $0.0e+00, v6  }
0xbc: {  	v4 =	vmul.f32 $1.442695020e+00, v4;
	v2 =	vsub.f32 $0.0e+00, v2  }
0xbd: {  	s23 =	simm.s32 $0x80;
	v3 =	vmul.f32 $1.442695020e+00, v3;
	v5 =	vsub.f32 $0.0e+00, v8  }
0xbe: {  	v7 =	vld [tilespmem:s23+$0x220];
	v2 =	vmul.f32 $1.442695020e+00, v2  }
0xbf: {  	v6 =	vld [tilespmem:s23+$0x200];
	v5 =	vmul.f32 $1.442695020e+00, v5;
	(erf) = vpow2.f32 v3  }
0xc0: {  	v3 =	vld [tilespmem:s23+$0x210];
	(erf) = vpow2.f32 v4;
	v4 =	vpop (erf)  }
0xc1: {  	(erf) = vpow2.f32 v5;
	v8 =	vpop (erf);
	v4 =	vadd.f32 $1.000000000e+00, v4  }
0xc2: {  	v5 =	vld [tilespmem:s23+$0x230];
	(erf) = vpow2.f32 v2;
	v2 =	vpop (erf);
	v8 =	vadd.f32 $1.000000000e+00, v8  }
0xc3: {  	s2 =	simm.s32 $0xC0;
	v7 =	vsub.f32 $0.0e+00, v7;
	v9 =	vpop (erf);
	v2 =	vadd.f32 $1.000000000e+00, v2;
	(erf) = vrcp.f32 v4  }
0xc4: {  	v10 =	vld [tilespmem:s2+$0x200];
	v6 =	vsub.f32 $0.0e+00, v6;
	v9 =	vadd.f32 $1.000000000e+00, v9;
	(erf) = vrcp.f32 v8  }
0xc5: {  	v11 =	vmul.f32 $1.442695020e+00, v7;
	v7 =	vld [tilespmem:s3+$0x4210];
	v8 =	vsub.f32 $0.0e+00, v3;
	(erf) = vrcp.f32 v2  }
0xc6: {  	v6 =	vmul.f32 $1.442695020e+00, v6;
	v4 =	vld [tilespmem:s2+$0x210];
	(erf) = vrcp.f32 v9  }
0xc7: {  	v5 =	vsub.f32 $0.0e+00, v5;
	v3 =	vld [tilespmem:s2+$0x220];
	v8 =	vmul.f32 $1.442695020e+00, v8  }
0xc8: {  	v12 =	vpop (erf);
	(erf) = vpow2.f32 v6;
	v6 =	vld [tilespmem:s3+$0x4200]  }
0xc9: {  	v2 =	vld [tilespmem:s2+$0x230];
	v5 =	vmul.f32 $1.442695020e+00, v5;
	v13 =	vpop (erf);
	(erf) = vpow2.f32 v8  }
0xca: {  	v9 =	vsub.f32 $0.0e+00, v10;
	v10 =	vpop (erf);
	v8 =	vld [tilespmem:s3+$0x4220];
	(erf) = vpow2.f32 v11;
	v11 =	vadd.f32 $1.000000000e+00, v12  }
0xcb: {  	s9 =	simm.s32 $0x400;
	v12 =	vadd.f32 $1.000000000e+00, v13;
	v13 =	vpop (erf);
	(erf) = vpow2.f32 v5;
	v5 =	vld [tilespmem:s3+$0x4230]  }
.LBB2_8:
0xcc: {  	s11 =	sshra.s32 s9, $0x2;
	p5 =	sne.s32 s9, $0x7F00;
	v9 =	vmul.f32 $1.442695020e+00, v9;
	v15 =	vadd.f32 $1.000000000e+00, v10;
	(erf) = vrcp.f32 v11;
	v11 =	vpop (erf)  }
0xcd: {  	v13 =	vadd.f32 $1.000000000e+00, v13;
	v14 =	vld [tilespmem:s11+$0x200];
	(erf) = vrcp.f32 v12;
	v16 =	vmul.f32 v11, v6;
	v11 =	vpop (erf)  }
0xce: {  	v12 =	vsub.f32 $0.0e+00, v4;
	v4 =	vld [tilespmem:s11+$0x210];
	(erf) = vrcp.f32 v15;
	v7 =	vmul.f32 v11, v7;
	v10 =	vpop (erf)  }
0xcf: {  	v11 =	vsub.f32 $0.0e+00, v3;
	v3 =	vld [tilespmem:s11+$0x220];
	(erf) = vrcp.f32 v13;
	[tilespmem:s3+$0x4200] =	vst v16;
	v8 =	vmul.f32 v10, v8;
	v6 =	vpop (erf)  }
.Ltmp7:
0xd0: {  	v16 =	vmul.f32 $1.442695020e+00, v12;
	v12 =	vsub.f32 $0.0e+00, v2;
	v2 =	vld [tilespmem:s11+$0x230];
	[tilespmem:s3+$0x4210] =	vst v7;
	v5 =	vmul.f32 v6, v5;
	(pc) =	sbr.rel @p5 .LBB2_8-.Ltmp7, $4  }
0xd1: {  	v11 =	vmul.f32 $1.442695020e+00, v11;
	(erf) = vpow2.f32 v9;
	v13 =	vpop (erf);
	v6 =	vld [tilespmem:s1+$0x4200];
	[tilespmem:s3+$0x4220] =	vst v8  }
0xd2: {  	v12 =	vmul.f32 $1.442695020e+00, v12;
	(erf) = vpow2.f32 v16;
	v15 =	vpop (erf);
	v7 =	vld [tilespmem:s1+$0x4210];
	[tilespmem:s3+$0x4230] =	vst v5;
	s3 =	smov.u32 s1;
	s1 =	smov.u32 s23;
	s23 =	smov.u32 s2  }
0xd3: {  	v9 =	vsub.f32 $0.0e+00, v14;
	s2 =	smov.u32 s11;
	(erf) = vpow2.f32 v11;
	v11 =	vadd.f32 $1.000000000e+00, v13;
	v10 =	vpop (erf);
	v8 =	vld [tilespmem:s3+$0x4220]  }
0xd4: {  	s9 =	sadd.s32 $0x100, s9;
	(erf) = vpow2.f32 v12;
	v12 =	vadd.f32 $1.000000000e+00, v15;
	v13 =	vpop (erf);
	v5 =	vld [tilespmem:s3+$0x4230]  }
0xd5: {  	v14 =	vpop (erf)  }
0xd6: {  	(erf) = vrcp.f32 v11;
	v6 =	vmul.f32 v14, v6;
	v11 =	vpop (erf)  }
0xd7: {  	v4 =	vsub.f32 $0.0e+00, v4;
	(erf) = vrcp.f32 v12;
	v63 =	vpop (erf)  }
0xd8: {  	v10 =	vadd.f32 $1.000000000e+00, v10;
	v7 =	vmul.f32 v11, v7;
	[tilespmem:s3+$0x4200] =	vst v6;
	v6 =	vmul.f32 v63, v8  }
0xd9: {  	v11 =	vadd.f32 $1.000000000e+00, v13;
	v4 =	vmul.f32 $1.442695020e+00, v4  }
0xda: {  	v3 =	vsub.f32 $0.0e+00, v3;
	(erf) = vrcp.f32 v10;
	v8 =	vpop (erf);
	[tilespmem:s3+$0x4210] =	vst v7;
	v7 =	vmul.f32 $1.442695020e+00, v9  }
0xdb: {  	v2 =	vsub.f32 $0.0e+00, v2;
	(erf) = vrcp.f32 v11;
	v5 =	vmul.f32 v8, v5;
	v9 =	vld [tilespmem:s1+$0x4200];
	v8 =	vpop (erf);
	[tilespmem:s3+$0x4220] =	vst v6  }
0xdc: {  	v3 =	vmul.f32 $1.442695020e+00, v3;
	(erf) = vpow2.f32 v7;
	v7 =	vld [tilespmem:s1+$0x4210];
	v6 =	vpop (erf)  }
0xdd: {  	v2 =	vmul.f32 $1.442695020e+00, v2;
	(erf) = vpow2.f32 v4;
	v4 =	vpop (erf)  }
0xde: {  	(erf) = vpow2.f32 v3;
	v3 =	vadd.f32 $1.000000000e+00, v8;
	v8 =	vpop (erf)  }
0xdf: {  	[tilespmem:s3+$0x4230] =	vst v5;
	(erf) = vpow2.f32 v2;
	v2 =	vadd.f32 $1.000000000e+00, v6;
	v6 =	vpop (erf)  }
0xe0: {  	v5 =	vld [tilespmem:s1+$0x4220];
	(erf) = vrcp.f32 v3;
	v3 =	vmul.f32 v6, v9;
	v6 =	vpop (erf)  }
0xe1: {  	v10 =	vld [tilespmem:s1+$0x4230];
	(erf) = vrcp.f32 v2;
	v2 =	vmul.f32 v6, v7;
	_ =	sdelay $0x1  }
0xe2: {  	v4 =	vadd.f32 $1.000000000e+00, v4  }
0xe3: {  	v6 =	vpop (erf);
	[tilespmem:s1+$0x4200] =	vst v3;
	v3 =	vadd.f32 $1.000000000e+00, v8  }
0xe4: {  	(erf) = vrcp.f32 v4;
	v4 =	vmul.f32 v6, v5;
	[tilespmem:s1+$0x4210] =	vst v2;
	v2 =	vpop (erf)  }
0xe5: {  	v2 =	vmul.f32 v2, v10;
	_ =	sdelay $0x1  }
0xe6: {  	v5 =	vld [tilespmem:s23+$0x4200];
	[tilespmem:s1+$0x4220] =	vst v4;
	(erf) = vrcp.f32 v3;
	v3 =	vpop (erf)  }
0xe7: {  	v6 =	vld [tilespmem:s23+$0x4210];
	v4 =	vpop (erf)  }
0xe8: {  	[tilespmem:s1+$0x4230] =	vst v2;
	v2 =	vpop (erf)  }
0xe9: {  	v3 =	vadd.f32 $1.000000000e+00, v3;
	v8 =	vpop (erf)  }
0xea: {  	v9 =	vpop (erf)  }
0xeb: {  	v4 =	vadd.f32 $1.000000000e+00, v4;
	v7 =	vld [tilespmem:s23+$0x4220];
	(erf) = vrcp.f32 v3;
	v5 =	vmul.f32 v9, v5;
	v9 =	vpop (erf)  }
0xec: {  	v10 =	vld [tilespmem:s23+$0x4230];
	v3 =	vmul.f32 v9, v6  }
0xed: {  	v2 =	vadd.f32 $1.000000000e+00, v2  }
0xee: {  	(erf) = vrcp.f32 v4;
	v6 =	vadd.f32 $1.000000000e+00, v8;
	[tilespmem:s23+$0x4200] =	vst v5  }
0xef: {  	v4 =	vpop (erf);
	(erf) = vrcp.f32 v2;
	[tilespmem:s23+$0x4210] =	vst v3  }
0xf0: {  	v2 =	vmul.f32 v4, v7;
	(erf) = vrcp.f32 v6;
	v4 =	vld [tilespmem:s2+$0x4200];
	v3 =	vpop (erf)  }
0xf1: {  	v3 =	vmul.f32 v3, v10  }
0xf2: {  	[tilespmem:s23+$0x4220] =	vst v2  }
0xf3: {  	v2 =	vld [tilespmem:s2+$0x4210];
	[tilespmem:s23+$0x4230] =	vst v3  }
0xf4: {  	v6 =	vpop (erf);
	v3 =	vld [tilespmem:s2+$0x4220]  }
0xf5: {  	v5 =	vld [tilespmem:s2+$0x4230];
	v4 =	vmul.f32 v6, v4;
	_ =	sdelay $0x1  }
0xf6: {  	v6 =	vpop (erf)  }
0xf7: {  	v2 =	vmul.f32 v6, v2;
	v6 =	vpop (erf)  }
0xf8: {  	[tilespmem:s2+$0x4200] =	vst v4;
	v4 =	vpop (erf);
	v3 =	vmul.f32 v6, v3  }
0xf9: {  	[tilespmem:s2+$0x4210] =	vst v2;
	v2 =	vmul.f32 v4, v5  }
0xfa: {  	s9 =	rddreg [dreg:$0x3];
	[tilespmem:s2+$0x4220] =	vst v3  }
0xfb: {  	s23 =	rddreg [dreg:$0x2];
	[tilespmem:s2+$0x4230] =	vst v2  }
0xfc: {  	[spmem:s23] =	stream.indirect.scatter.add.f32 [tilespmem:s14], [sflag:$0x7], $0x40, s4, s12, $0xb8;
	[tilespmem:$0x1F460] =	vst v63  }
0xfd: {  	s3 =	simm.s32 @!p1 $0x10200;
	s1 =	simm.s32 @!p1 $0x80;
	s2 =	simm.s32 @!p1 $0x0  }
0xfe: {  	[spmem:s9] =	stream.indirect.scatter.add.f32 @!p1 [tilespmem:s3], [sflag:$0x9], $0x10, s2, s1, $0xb8;
	[tilespmem:$0x1F460] =	vst v63  }
0xff: {  	_ =	swait.ge [sflag:s18], $0x2000  }
0x100: {  	[sflag:s18] =	ssyncset.done $0x0  }
0x101: {  	[sflag:s18] =	ssyncadd.s32 $0xFFFFE000  }
0x102: {  	_ =	swait.ge [sflag:s18], $0x2000  }
0x103: {  	[sflag:s18] =	ssyncset.done $0x0  }
0x104: {  	s1 =	simm.s32 $0x0;
	[sflag:s18] =	ssyncadd.s32 $0xFFFFE000  }
0x105: {  	v7 =	vld [tilespmem:s1+$0xC200]  }
0x106: {  	v8 =	vld [tilespmem:s1+$0xC210]  }
0x107: {  	v3 =	vld [tilespmem:s1+$0xC220]  }
0x108: {  	v2 =	vld [tilespmem:s1+$0xC230]  }
0x109: {  	v4 =	vld [tilespmem:s1+$0x8200]  }
0x10a: {  	v6 =	vld [tilespmem:s1+$0x8210]  }
0x10b: {  	s2 =	simm.s32 $0x100;
	v5 =	vld [tilespmem:s1+$0x8220]  }
.LBB2_10:
0x10c: {  	s3 =	sshra.s32 s2, $0x2;
	p5 =	sne.s32 s2, $0x7F00;
	v9 =	vld [tilespmem:s1+$0x8230];
	v10 =	vmov v3  }
0x10d: {  	v11 =	vld [tilespmem:s3+$0xC200];
	v12 =	vmov v2  }
0x10e: {  	v13 =	vld [tilespmem:s3+$0xC210];
	v4 =	vadd.f32 v7, v4  }
.Ltmp8:
0x10f: {  	v3 =	vld [tilespmem:s3+$0xC220];
	v6 =	vadd.f32 v8, v6;
	(pc) =	sbr.rel @p5 .LBB2_10-.Ltmp8, $4  }
0x110: {  	v2 =	vld [tilespmem:s3+$0xC230];
	[tilespmem:s1+$0x8200] =	vst v4;
	v5 =	vadd.f32 v10, v5  }
0x111: {  	v4 =	vld [tilespmem:s3+$0x8200];
	[tilespmem:s1+$0x8210] =	vst v6;
	v9 =	vadd.f32 v12, v9  }
0x112: {  	v6 =	vld [tilespmem:s3+$0x8210];
	[tilespmem:s1+$0x8220] =	vst v5;
	v7 =	vmov v11  }
0x113: {  	s2 =	sadd.s32 $0x100, s2;
	v5 =	vld [tilespmem:s3+$0x8220];
	[tilespmem:s1+$0x8230] =	vst v9;
	v8 =	vmov v13;
	s1 =	smov.u32 s3  }
0x114: {  	v9 =	vld [tilespmem:s1+$0x8230];
	_ =	sdelay $0x1  }
0x115: {  	v4 =	vadd.f32 v7, v4  }
0x116: {  	v6 =	vadd.f32 v8, v6  }
.Ltmp9:
0x117: {  	s2 =	sshll.u32 s22, $0xE;
	[tilespmem:s1+$0x8200] =	vst v4;
	v3 =	vadd.f32 v3, v5;
	(pc) =	sbr.rel @p4 .LBB2_17-.Ltmp9, $4  }
0x118: {  	s2 =	sor.u32 s20, s2;
	[tilespmem:s1+$0x8210] =	vst v6;
	v2 =	vadd.f32 v2, v9  }
0x119: {  	s2 =	sshrl.u32 s2, $0x3;
	[tilespmem:s1+$0x8220] =	vst v3  }
0x11a: {  	s23 =	simm.s32 $0x40;
	s11 =	sadd.s32 s10, s2;
	[tilespmem:s1+$0x8230] =	vst v2  }
0x11b: {  	[hbm4b:s11+s23] =	stream.strided.scatter [tilespmem:s15], [sflag:$0xB], $0x2000, s12, s23, $0x38;
	[tilespmem:$0x1F460] =	vst v63  }
0x11c: {  	_ =	swait.ge [sflag:s19], $0x80  }
0x11d: {  	[sflag:s19] =	ssyncset.done $0x0  }
0x11e: {  	[sflag:s19] =	ssyncadd.s32 $0xFFFFFF80  }
0x11f: {  	_ =	swait.ge [sflag:s19], $0x80  }
0x120: {  	[sflag:s19] =	ssyncset.done $0x0  }
0x121: {  	[sflag:s19] =	ssyncadd.s32 $0xFFFFFF80  }
0x122: {  	_ =	swait.ge [sflag:s19], $0x2000  }
0x123: {  	[sflag:s19] =	ssyncset.done $0x0  }
0x124: {  	s1 =	simm.s32 $0x180;
	s2 =	simm.s32 $0x6200;
	[sflag:s19] =	ssyncadd.s32 $0xFFFFE000  }
0x125: {  	[tilespmem:s2], [sflag:$0x4] =	stream.indirect.gather [hbm4b:s25+s12], $0x40, s1, s12, $0xb8;
	[tilespmem:$0x1F460] =	vst v63  }
0x126: {  	s9 =	simm.s32 $0xA200  }
0x127: {  	[tilespmem:s9], [sflag:$0x6] =	stream.indirect.gather [hbm4b:s26+s12], $0x40, s12, s12, $0xb8;
	[tilespmem:$0x1F460] =	vst v63  }
0x128: {  	s11 =	simm.s32 $0xE200  }
0x129: {  	[tilespmem:s11], [sflag:$0x6] =	stream.indirect.gather [hbm4b:s28+s12], $0x40, s1, s12, $0xb8;
	[tilespmem:$0x1F460] =	vst v63  }
0x12a: {  	_ =	swait.ge [sflag:s30], $0x2000  }
0x12b: {  	[sflag:s30] =	ssyncset.done $0x0  }
0x12c: {  	s1 =	simm.s32 @!p1 $0x9;
	[sflag:s30] =	ssyncadd.s32 $0xFFFFE000  }
0x12d: {  	_ =	swait.ge @!p1 [sflag:s1], $0x800  }
0x12e: {  	[sflag:s1] =	ssyncset.done @!p1 $0x0  }
0x12f: {  	p4 =	sgt.u32 s21, $0x9B3;
	[sflag:s1] =	ssyncadd.s32 @!p1 $0xFFFFF800  }
0x130: {  	s23 =	simm.s32 $0x4;
	s1 =	sadd.s32 @!p4 $0x20, s22;
	_ =	swait.ge [sflag:s31], $0x2000  }
0x131: {  	s9 =	simm.s32 @!p4 $0x0;
	s2 =	sshll.u32 @!p4 s1, $0x4;
	[sflag:s31] =	ssyncset.done $0x0  }
0x132: {  	s1 =	sshll.u32 @!p4 s1, $0xE;
	s3 =	sadd.s32 @!p4 s7, s2;
	[sflag:s31] =	ssyncadd.s32 $0xFFFFE000  }
0x133: {  	[tilespmem:s9], [sflag:$0x1] =	stream.linear.gather @!p4 [hbm4b:s3+s9], $0x80, $0x38;
	[tilespmem:$0x1F460] =	vst v63  }
0x134: {  	s2 =	sadd.s32 @!p4 s8, s2;
	s1 =	sor.u32 @!p4 s20, s1;
	s3 =	simm.s32 @!p4 $0x100  }
0x135: {  	[tilespmem:s3], [sflag:$0x1] =	stream.linear.gather @!p4 [hbm4b:s2+s9], $0x80, $0x38;
	[tilespmem:$0x1F460] =	vst v63  }
0x136: {  	s1 =	sshrl.u32 @!p4 s1, $0x3;
	s2 =	rddreg [dreg:$0x1];
	s3 =	simm.s32 @!p4 $0x80  }
0x137: {  	s9 =	simm.s32 @!p4 $0x200;
	s1 =	sadd.s32 @!p4 s2, s1;
	s2 =	simm.s32 @!p4 $0x40  }
0x138: {  	[tilespmem:s9], [sflag:$0x1] =	stream.strided.gather @!p4 [hbm4b:s1+s2], $0x2000, s3, s2, $0x38;
	[tilespmem:$0x1F460] =	vst v63  }
0x139: {  	_ =	swait.ge [sflag:s23], $0x2000  }
0x13a: {  	[sflag:s23] =	ssyncset.done $0x0  }
0x13b: {  	s3 =	simm.s32 $0x0;
	[sflag:s23] =	ssyncadd.s32 $0xFFFFE000  }
0x13c: {  	v2 =	vld [tilespmem:s3+$0x2200]  }
0x13d: {  	v3 =	vld [tilespmem:s3+$0x2210]  }
0x13e: {  	v4 =	vld [tilespmem:s3+$0x2220]  }
0x13f: {  	v5 =	vld [tilespmem:s3+$0x2230];
	_ =	sdelay $0x1  }
0x140: {  	v2 =	vsub.f32 $0.0e+00, v2  }
0x141: {  	s1 =	simm.s32 $0x40;
	v3 =	vsub.f32 $0.0e+00, v3  }
0x142: {  	v7 =	vld [tilespmem:s1+$0x2210];
	v4 =	vsub.f32 $0.0e+00, v4;
	v2 =	vmul.f32 $1.442695020e+00, v2  }
0x143: {  	v6 =	vld [tilespmem:s1+$0x2200];
	v5 =	vsub.f32 $0.0e+00, v5;
	v3 =	vmul.f32 $1.442695020e+00, v3  }
0x144: {  	v4 =	vmul.f32 $1.442695020e+00, v4;
	(erf) = vpow2.f32 v2;
	v2 =	vld [tilespmem:s1+$0x2230]  }
0x145: {  	v8 =	vld [tilespmem:s1+$0x2220];
	v5 =	vmul.f32 $1.442695020e+00, v5;
	(erf) = vpow2.f32 v3  }
0x146: {  	(erf) = vpow2.f32 v4  }
0x147: {  	v4 =	vsub.f32 $0.0e+00, v7;
	(erf) = vpow2.f32 v5  }
0x148: {  	v3 =	vsub.f32 $0.0e+00, v6  }
0x149: {  	v4 =	vmul.f32 $1.442695020e+00, v4;
	v2 =	vsub.f32 $0.0e+00, v2  }
0x14a: {  	s22 =	simm.s32 $0x80;
	v3 =	vmul.f32 $1.442695020e+00, v3;
	v5 =	vsub.f32 $0.0e+00, v8  }
0x14b: {  	v7 =	vld [tilespmem:s22+$0x2220];
	v2 =	vmul.f32 $1.442695020e+00, v2  }
0x14c: {  	v6 =	vld [tilespmem:s22+$0x2200];
	v5 =	vmul.f32 $1.442695020e+00, v5;
	(erf) = vpow2.f32 v3  }
0x14d: {  	v3 =	vld [tilespmem:s22+$0x2210];
	(erf) = vpow2.f32 v4;
	v4 =	vpop (erf)  }
0x14e: {  	(erf) = vpow2.f32 v5;
	v8 =	vpop (erf);
	v4 =	vadd.f32 $1.000000000e+00, v4  }
0x14f: {  	v5 =	vld [tilespmem:s22+$0x2230];
	(erf) = vpow2.f32 v2;
	v2 =	vpop (erf);
	v8 =	vadd.f32 $1.000000000e+00, v8  }
0x150: {  	s2 =	simm.s32 $0xC0;
	v7 =	vsub.f32 $0.0e+00, v7;
	v9 =	vpop (erf);
	v2 =	vadd.f32 $1.000000000e+00, v2;
	(erf) = vrcp.f32 v4  }
0x151: {  	v10 =	vld [tilespmem:s2+$0x2200];
	v6 =	vsub.f32 $0.0e+00, v6;
	v9 =	vadd.f32 $1.000000000e+00, v9;
	(erf) = vrcp.f32 v8  }
0x152: {  	v11 =	vmul.f32 $1.442695020e+00, v7;
	v7 =	vld [tilespmem:s3+$0x6210];
	v8 =	vsub.f32 $0.0e+00, v3;
	(erf) = vrcp.f32 v2  }
0x153: {  	v6 =	vmul.f32 $1.442695020e+00, v6;
	v4 =	vld [tilespmem:s2+$0x2210];
	(erf) = vrcp.f32 v9  }
0x154: {  	v5 =	vsub.f32 $0.0e+00, v5;
	v3 =	vld [tilespmem:s2+$0x2220];
	v8 =	vmul.f32 $1.442695020e+00, v8  }
0x155: {  	v12 =	vpop (erf);
	(erf) = vpow2.f32 v6;
	v6 =	vld [tilespmem:s3+$0x6200]  }
0x156: {  	v2 =	vld [tilespmem:s2+$0x2230];
	v5 =	vmul.f32 $1.442695020e+00, v5;
	v13 =	vpop (erf);
	(erf) = vpow2.f32 v8  }
0x157: {  	v9 =	vsub.f32 $0.0e+00, v10;
	v10 =	vpop (erf);
	v8 =	vld [tilespmem:s3+$0x6220];
	(erf) = vpow2.f32 v11;
	v11 =	vadd.f32 $1.000000000e+00, v12  }
0x158: {  	s9 =	simm.s32 $0x400;
	v12 =	vadd.f32 $1.000000000e+00, v13;
	v13 =	vpop (erf);
	(erf) = vpow2.f32 v5;
	v5 =	vld [tilespmem:s3+$0x6230]  }
.LBB2_13:
0x159: {  	s11 =	sshra.s32 s9, $0x2;
	p4 =	sne.s32 s9, $0x7F00;
	v9 =	vmul.f32 $1.442695020e+00, v9;
	v15 =	vadd.f32 $1.000000000e+00, v10;
	(erf) = vrcp.f32 v11;
	v11 =	vpop (erf)  }
0x15a: {  	v13 =	vadd.f32 $1.000000000e+00, v13;
	v14 =	vld [tilespmem:s11+$0x2200];
	(erf) = vrcp.f32 v12;
	v16 =	vmul.f32 v11, v6;
	v11 =	vpop (erf)  }
0x15b: {  	v12 =	vsub.f32 $0.0e+00, v4;
	v4 =	vld [tilespmem:s11+$0x2210];
	(erf) = vrcp.f32 v15;
	v7 =	vmul.f32 v11, v7;
	v10 =	vpop (erf)  }
0x15c: {  	v11 =	vsub.f32 $0.0e+00, v3;
	v3 =	vld [tilespmem:s11+$0x2220];
	(erf) = vrcp.f32 v13;
	[tilespmem:s3+$0x6200] =	vst v16;
	v8 =	vmul.f32 v10, v8;
	v6 =	vpop (erf)  }
.Ltmp10:
0x15d: {  	v16 =	vmul.f32 $1.442695020e+00, v12;
	v12 =	vsub.f32 $0.0e+00, v2;
	v2 =	vld [tilespmem:s11+$0x2230];
	[tilespmem:s3+$0x6210] =	vst v7;
	v5 =	vmul.f32 v6, v5;
	(pc) =	sbr.rel @p4 .LBB2_13-.Ltmp10, $4  }
0x15e: {  	v11 =	vmul.f32 $1.442695020e+00, v11;
	(erf) = vpow2.f32 v9;
	v13 =	vpop (erf);
	v6 =	vld [tilespmem:s1+$0x6200];
	[tilespmem:s3+$0x6220] =	vst v8  }
0x15f: {  	v12 =	vmul.f32 $1.442695020e+00, v12;
	(erf) = vpow2.f32 v16;
	v15 =	vpop (erf);
	v7 =	vld [tilespmem:s1+$0x6210];
	[tilespmem:s3+$0x6230] =	vst v5;
	s3 =	smov.u32 s1;
	s1 =	smov.u32 s22;
	s22 =	smov.u32 s2  }
0x160: {  	v9 =	vsub.f32 $0.0e+00, v14;
	s2 =	smov.u32 s11;
	(erf) = vpow2.f32 v11;
	v11 =	vadd.f32 $1.000000000e+00, v13;
	v10 =	vpop (erf);
	v8 =	vld [tilespmem:s3+$0x6220]  }
0x161: {  	s9 =	sadd.s32 $0x100, s9;
	(erf) = vpow2.f32 v12;
	v12 =	vadd.f32 $1.000000000e+00, v15;
	v13 =	vpop (erf);
	v5 =	vld [tilespmem:s3+$0x6230]  }
0x162: {  	v14 =	vpop (erf)  }
0x163: {  	(erf) = vrcp.f32 v11;
	v6 =	vmul.f32 v14, v6;
	v11 =	vpop (erf)  }
0x164: {  	v4 =	vsub.f32 $0.0e+00, v4;
	(erf) = vrcp.f32 v12;
	v63 =	vpop (erf)  }
0x165: {  	v10 =	vadd.f32 $1.000000000e+00, v10;
	v7 =	vmul.f32 v11, v7;
	[tilespmem:s3+$0x6200] =	vst v6;
	v6 =	vmul.f32 v63, v8  }
0x166: {  	v11 =	vadd.f32 $1.000000000e+00, v13;
	v4 =	vmul.f32 $1.442695020e+00, v4  }
0x167: {  	v3 =	vsub.f32 $0.0e+00, v3;
	(erf) = vrcp.f32 v10;
	v8 =	vpop (erf);
	[tilespmem:s3+$0x6210] =	vst v7;
	v7 =	vmul.f32 $1.442695020e+00, v9  }
0x168: {  	v2 =	vsub.f32 $0.0e+00, v2;
	(erf) = vrcp.f32 v11;
	v5 =	vmul.f32 v8, v5;
	v9 =	vld [tilespmem:s1+$0x6200];
	v8 =	vpop (erf);
	[tilespmem:s3+$0x6220] =	vst v6  }
0x169: {  	v3 =	vmul.f32 $1.442695020e+00, v3;
	(erf) = vpow2.f32 v7;
	v7 =	vld [tilespmem:s1+$0x6210];
	v6 =	vpop (erf)  }
0x16a: {  	v2 =	vmul.f32 $1.442695020e+00, v2;
	(erf) = vpow2.f32 v4;
	v4 =	vpop (erf)  }
0x16b: {  	(erf) = vpow2.f32 v3;
	v3 =	vadd.f32 $1.000000000e+00, v8;
	v8 =	vpop (erf)  }
0x16c: {  	[tilespmem:s3+$0x6230] =	vst v5;
	(erf) = vpow2.f32 v2;
	v2 =	vadd.f32 $1.000000000e+00, v6;
	v6 =	vpop (erf)  }
0x16d: {  	v5 =	vld [tilespmem:s1+$0x6220];
	(erf) = vrcp.f32 v3;
	v3 =	vmul.f32 v6, v9;
	v6 =	vpop (erf)  }
0x16e: {  	v10 =	vld [tilespmem:s1+$0x6230];
	(erf) = vrcp.f32 v2;
	v2 =	vmul.f32 v6, v7;
	_ =	sdelay $0x1  }
0x16f: {  	v4 =	vadd.f32 $1.000000000e+00, v4  }
0x170: {  	v6 =	vpop (erf);
	[tilespmem:s1+$0x6200] =	vst v3;
	v3 =	vadd.f32 $1.000000000e+00, v8  }
0x171: {  	(erf) = vrcp.f32 v4;
	v4 =	vmul.f32 v6, v5;
	[tilespmem:s1+$0x6210] =	vst v2;
	v2 =	vpop (erf)  }
0x172: {  	v2 =	vmul.f32 v2, v10;
	_ =	sdelay $0x1  }
0x173: {  	v5 =	vld [tilespmem:s22+$0x6200];
	[tilespmem:s1+$0x6220] =	vst v4;
	(erf) = vrcp.f32 v3;
	v3 =	vpop (erf)  }
0x174: {  	v6 =	vld [tilespmem:s22+$0x6210];
	v4 =	vpop (erf)  }
0x175: {  	[tilespmem:s1+$0x6230] =	vst v2;
	v2 =	vpop (erf)  }
0x176: {  	v3 =	vadd.f32 $1.000000000e+00, v3;
	v8 =	vpop (erf)  }
0x177: {  	v9 =	vpop (erf)  }
0x178: {  	v4 =	vadd.f32 $1.000000000e+00, v4;
	v7 =	vld [tilespmem:s22+$0x6220];
	(erf) = vrcp.f32 v3;
	v5 =	vmul.f32 v9, v5;
	v9 =	vpop (erf)  }
0x179: {  	v10 =	vld [tilespmem:s22+$0x6230];
	v3 =	vmul.f32 v9, v6  }
0x17a: {  	v2 =	vadd.f32 $1.000000000e+00, v2  }
0x17b: {  	(erf) = vrcp.f32 v4;
	v6 =	vadd.f32 $1.000000000e+00, v8;
	[tilespmem:s22+$0x6200] =	vst v5  }
0x17c: {  	v4 =	vpop (erf);
	(erf) = vrcp.f32 v2;
	[tilespmem:s22+$0x6210] =	vst v3  }
0x17d: {  	v2 =	vmul.f32 v4, v7;
	(erf) = vrcp.f32 v6;
	v4 =	vld [tilespmem:s2+$0x6200];
	v3 =	vpop (erf)  }
0x17e: {  	v3 =	vmul.f32 v3, v10  }
0x17f: {  	[tilespmem:s22+$0x6220] =	vst v2  }
0x180: {  	v2 =	vld [tilespmem:s2+$0x6210];
	[tilespmem:s22+$0x6230] =	vst v3  }
0x181: {  	v6 =	vpop (erf);
	v3 =	vld [tilespmem:s2+$0x6220]  }
0x182: {  	v5 =	vld [tilespmem:s2+$0x6230];
	v4 =	vmul.f32 v6, v4;
	_ =	sdelay $0x1  }
0x183: {  	v6 =	vpop (erf)  }
0x184: {  	v2 =	vmul.f32 v6, v2;
	v6 =	vpop (erf)  }
0x185: {  	[tilespmem:s2+$0x6200] =	vst v4;
	v4 =	vpop (erf);
	v3 =	vmul.f32 v6, v3  }
0x186: {  	[tilespmem:s2+$0x6210] =	vst v2;
	v2 =	vmul.f32 v4, v5  }
0x187: {  	[tilespmem:s2+$0x6220] =	vst v3  }
0x188: {  	s23 =	simm.s32 $0x6200;
	s22 =	rddreg [dreg:$0x2];
	[tilespmem:s2+$0x6230] =	vst v2  }
0x189: {  	[spmem:s22] =	stream.indirect.scatter.add.f32 [tilespmem:s23], [sflag:$0x8], $0x40, s12, s12, $0xb8;
	[tilespmem:$0x1F460] =	vst v63  }
0x18a: {  	s3 =	rddreg [dreg:$0x3];
	s1 =	simm.s32 @!p1 $0x80;
	s2 =	simm.s32 @!p1 $0x10200  }
0x18b: {  	[spmem:s3] =	stream.indirect.scatter.add.f32 @!p1 [tilespmem:s2], [sflag:$0xA], $0x10, s1, s1, $0xb8;
	[tilespmem:$0x1F460] =	vst v63  }
0x18c: {  	_ =	swait.ge [sflag:s24], $0x2000  }
0x18d: {  	[sflag:s24] =	ssyncset.done $0x0  }
0x18e: {  	[sflag:s24] =	ssyncadd.s32 $0xFFFFE000  }
0x18f: {  	_ =	swait.ge [sflag:s24], $0x2000  }
0x190: {  	[sflag:s24] =	ssyncset.done $0x0  }
0x191: {  	s1 =	simm.s32 $0x0;
	[sflag:s24] =	ssyncadd.s32 $0xFFFFE000  }
0x192: {  	v7 =	vld [tilespmem:s1+$0xE200]  }
0x193: {  	v8 =	vld [tilespmem:s1+$0xE210]  }
0x194: {  	v3 =	vld [tilespmem:s1+$0xE220]  }
0x195: {  	v2 =	vld [tilespmem:s1+$0xE230]  }
0x196: {  	v4 =	vld [tilespmem:s1+$0xA200]  }
0x197: {  	v6 =	vld [tilespmem:s1+$0xA210]  }
0x198: {  	s2 =	simm.s32 $0x100;
	v5 =	vld [tilespmem:s1+$0xA220]  }
.LBB2_15:
0x199: {  	s3 =	sshra.s32 s2, $0x2;
	p4 =	sne.s32 s2, $0x7F00;
	v9 =	vld [tilespmem:s1+$0xA230];
	v10 =	vmov v3  }
0x19a: {  	v11 =	vld [tilespmem:s3+$0xE200];
	v12 =	vmov v2  }
0x19b: {  	v13 =	vld [tilespmem:s3+$0xE210];
	v4 =	vadd.f32 v7, v4  }
.Ltmp11:
0x19c: {  	v3 =	vld [tilespmem:s3+$0xE220];
	v6 =	vadd.f32 v8, v6;
	(pc) =	sbr.rel @p4 .LBB2_15-.Ltmp11, $4  }
0x19d: {  	v2 =	vld [tilespmem:s3+$0xE230];
	[tilespmem:s1+$0xA200] =	vst v4;
	v5 =	vadd.f32 v10, v5  }
0x19e: {  	v4 =	vld [tilespmem:s3+$0xA200];
	[tilespmem:s1+$0xA210] =	vst v6;
	v9 =	vadd.f32 v12, v9  }
0x19f: {  	v6 =	vld [tilespmem:s3+$0xA210];
	[tilespmem:s1+$0xA220] =	vst v5;
	v7 =	vmov v11  }
0x1a0: {  	s2 =	sadd.s32 $0x100, s2;
	v5 =	vld [tilespmem:s3+$0xA220];
	[tilespmem:s1+$0xA230] =	vst v9;
	v8 =	vmov v13;
	s1 =	smov.u32 s3  }
0x1a1: {  	v9 =	vld [tilespmem:s1+$0xA230];
	_ =	sdelay $0x1  }
0x1a2: {  	v4 =	vadd.f32 v7, v4  }
0x1a3: {  	v6 =	vadd.f32 v8, v6  }
.Ltmp12:
0x1a4: {  	s2 =	sshll.u32 s21, $0xE;
	[tilespmem:s1+$0xA200] =	vst v4;
	v3 =	vadd.f32 v3, v5;
	(pc) =	sbr.rel .LBB2_17-.Ltmp12, $4  }
0x1a5: {  	s2 =	sor.u32 s20, s2;
	[tilespmem:s1+$0xA210] =	vst v6;
	v2 =	vadd.f32 v2, v9  }
0x1a6: {  	s2 =	sshrl.u32 s2, $0x3;
	[tilespmem:s1+$0xA220] =	vst v3  }
0x1a7: {  	s23 =	simm.s32 $0x40;
	s3 =	simm.s32 $0xA200;
	s22 =	sadd.s32 s10, s2;
	[tilespmem:s1+$0xA230] =	vst v2  }
0x1a8: {  	[hbm4b:s22+s23] =	stream.strided.scatter [tilespmem:s3], [sflag:$0xC], $0x2000, s12, s23, $0x38;
	[tilespmem:$0x1F460] =	vst v63  }
.LBB2_18:
.Ltmp13:
0x1a9: {  	(pc) =	sbr.rel @!p2 .LBB2_19-.Ltmp13, $1  }
0x1aa: {  	_ =	sdelay $0x3  }
0x1ab: {  	s1 =	simm.s32 $0x8  }
0x1ac: {  	_ =	swait.ge [sflag:s1], $0x2000  }
0x1ad: {  	[sflag:s1] =	ssyncset.done $0x0  }
0x1ae: {  	[sflag:s1] =	ssyncadd.s32 $0xFFFFE000;
	s1 =	simm.s32 @!p1 $0xA  }
0x1af: {  	_ =	swait.ge @!p1 [sflag:s1], $0x800  }
0x1b0: {  	[sflag:s1] =	ssyncset.done @!p1 $0x0  }
0x1b1: {  	s23 =	simm.s32 $0xC;
	[sflag:s1] =	ssyncadd.s32 @!p1 $0xFFFFF800  }
.Ltmp14:
0x1b2: {  	_ =	swait.ge [sflag:s23], $0x2000;
	(pc) =	sbr.rel .LBB2_20-.Ltmp14, $4  }
0x1b3: {  	[sflag:s23] =	ssyncset.done $0x0  }
0x1b4: {  	[sflag:s23] =	ssyncadd.s32 $0xFFFFE000  }
0x1b5: {  	[bflag:$0x0] =	sbarrier.arrive $0xFFFF  }
0x1b6: {  	s9 =	rddreg [dreg:$0x15]  }
.LBB2_21:
0x1b7: {  	_ =	sfence.sel $0x180000  }
0x1b8: {  	[bflag:$0x0] =	sbarrier.arrive $0xFFFF  }
0x1b9: {  	_ =	strace $0x90000047  }
0x1ba: {  	[bflag:$0x2] =	sbarrier.arrive $0xFFFF  }
0x1bb: {  	s0 =	rddreg [dreg:$0x4]  }
0x1bc: {  	s0 =	sadd.s32 @!p0 $0x100000, s0  }
0x1bd: {  	[sflag:s0] =	ssyncadd.tile.s32 @!p0 $0x1;
	_ =	shalt  }
.Lfunc_end2:
_tile_overlayer_lowered:
.L_overlay_start_2:
0x1be: {  	(tag) =	ssettag $0x2  }
0x1bf: {  	s0 =	rddreg [dreg:$0x0];
	s2 =	stileid.u32  }
0x1c0: {  	s1 =	rddreg [dreg:$0x1];
	p0 =	sne.s32 s2, $0x0  }
0x1c1: {  	s3 =	rddreg [dreg:$0x2];
	[bflag:$0x3] =	sbarrier.arrive $0xFFFF;
	s2 =	simm.s32 @!p0 $0x1C0D  }
0x1c2: {  	[timem:s3], [sflag:s2] =	dma.local @!p0 [hbm:s0], s1  }
0x1c3: {  	s0 =	simm.s32 @!p0 $0xD  }
0x1c4: {  	_ =	swait.ge @!p0 [sflag:s0], s1  }
0x1c5: {  	s1 =	ssub.s32 @!p0 $0x0, s1;
	[sflag:s0] =	ssyncset.done @!p0 $0x0  }
0x1c6: {  	[sflag:s0] =	ssyncadd.s32 @!p0 s1  }
0x1c7: {  	[bflag:$0x3] =	sbarrier.arrive $0xFFFF  }
0x1c8: {  	_ =	shalt  }

</sc_bundles>
